<compile_context>
chip_gen: v7x
topology: tpu7x:2x2x1
jax: 0.10.2.dev20260603
libtpu: 0.0.44.dev20260713+nightly
codegen_flags: <defaults>
</compile_context>

<pallas_src>
import jax
import jax.numpy as jnp
from jax import lax
from jax.experimental import pallas as pl
from jax.experimental.pallas import tpu as pltpu, tpu_sc as plsc

VOCAB = 13
D = 128
L = 200
B = 4096
NC = 2
NS = 16
LANES = 16

ROWS = B * L
ROWS_PER_W = ROWS // (NC * NS)
CHUNK = 64
N_CHUNKS = ROWS_PER_W // CHUNK
NBUF = 8
LP = 208


def _body(x_hbm, tok_hbm, pos_hbm, out_hbm, *refs):
    f_sh, prow_v, xall, tokrep, idx16 = refs[:5]
    idxs = refs[5:5 + NBUF]
    rows = refs[5 + NBUF:5 + 2 * NBUF]
    xsem = refs[5 + 2 * NBUF]
    gsems = refs[6 + 2 * NBUF:6 + 3 * NBUF]
    ssems = refs[6 + 3 * NBUF:6 + 4 * NBUF]

    s = lax.axis_index("s")
    c = lax.axis_index("c")
    wid = c * NS + s
    wbase = wid * ROWS_PER_W
    iota = lax.iota(jnp.int32, LANES)

    xcopy = pltpu.async_copy(x_hbm.at[pl.ds(wbase, ROWS_PER_W)], xall, xsem)

    @pl.when(s < VOCAB)
    def _fill():
        vbase = s * LP
        pcopy = pltpu.async_copy(
            pos_hbm.at[pl.ds(0, LP)], f_sh.at[pl.ds(vbase, LP)], gsems[0])
        pltpu.sync_copy(tok_hbm.at[s], prow_v)

        def rep(i, _):
            for cc in range(D // LANES):
                sl = pl.ds(cc * LANES, LANES)
                tokrep[i, sl] = prow_v[sl]
            return 0

        lax.fori_loop(0, 64, rep, 0)
        for r in range(3):
            for k in range(4):
                idxs[r][pl.ds(k * LANES, LANES)] = (
                    vbase + r * 64 + k * LANES + iota)
        idx16[pl.ds(0, LANES)] = vbase + 192 + iota
        pcopy.wait()
        for r in range(3):
            pltpu.sync_copy(tokrep, f_sh.at[idxs[r]], add=True)
        pltpu.sync_copy(tokrep.at[pl.ds(0, LANES)], f_sh.at[idx16], add=True)

    xcopy.wait()
    plsc.subcore_barrier()

    def start_g(b, t):
        for cc in range(CHUNK // LANES):
            off = t * CHUNK + cc * LANES
            p16 = lax.rem(iota + (wbase + off), L)
            idxs[b][pl.ds(cc * LANES, LANES)] = (
                xall[pl.ds(off, LANES)] * LP + p16)
        pltpu.async_copy(f_sh.at[idxs[b]], rows[b], gsems[b])

    def wait_g(b):
        pltpu.make_async_copy(f_sh.at[idxs[b]], rows[b], gsems[b]).wait()

    def start_s(b, t):
        base = wbase + t * CHUNK
        pltpu.async_copy(rows[b], out_hbm.at[pl.ds(base, CHUNK)], ssems[b])

    def wait_s(b):
        pltpu.make_async_copy(
            rows[b], out_hbm.at[pl.ds(wbase, CHUNK)], ssems[b]).wait()

    for b in range(NBUF):
        start_g(b, b)
    for b in range(NBUF - 1):
        wait_g(b)
        start_s(b, b)

    def outer(t0, _):
        for b in range(NBUF):
            t = t0 * NBUF + b
            wait_s(b)
            start_g(b, t)
            bp = (b - 1) % NBUF
            wait_g(bp)
            start_s(bp, t - 1)
        return 0

    lax.fori_loop(1, N_CHUNKS // NBUF, outer, 0)

    wait_g(NBUF - 1)
    start_s(NBUF - 1, N_CHUNKS - 1)
    for b in range(NBUF):
        wait_s(b)


@jax.jit
def _run(x_flat, token_table, position_embedding):
    mesh = plsc.VectorSubcoreMesh(
        core_axis_name="c", subcore_axis_name="s",
        num_cores=NC, num_subcores=NS)
    return pl.kernel(
        _body,
        out_type=jax.ShapeDtypeStruct((ROWS, D), jnp.float32),
        mesh=mesh,
        scratch_types=[
            pltpu.VMEM_SHARED((LP * VOCAB, D), jnp.float32),
            pltpu.VMEM((D,), jnp.float32),
            pltpu.VMEM((ROWS_PER_W,), jnp.int32),
            pltpu.VMEM((64, D), jnp.float32),
            pltpu.VMEM((LANES,), jnp.int32),
            *[pltpu.VMEM((CHUNK,), jnp.int32) for _ in range(NBUF)],
            *[pltpu.VMEM((CHUNK, D), jnp.float32) for _ in range(NBUF)],
            pltpu.SemaphoreType.DMA,
            *[pltpu.SemaphoreType.DMA for _ in range(2 * NBUF)],
        ],
    )(x_flat, token_table, position_embedding)


def kernel(x, token_table, position_embedding):
    x_flat = x.reshape(-1).astype(jnp.int32)
    out = _run(x_flat, token_table, position_embedding)
    return out.reshape(B, L, D)

# --- scband reference (transcript-rebuilt; emitter-appended) ---
"""Pipeline reference for scband-decoder-embedding-79791902425589 (READ-ONLY COPY).

The authoritative reference and input builder live on the scoring server;
editing this copy changes nothing except your own understanding.
"""

import jax, jax.numpy as jnp
import numpy as np

VOCAB = 13
D = 128
MAX_SEQ = 512
B = 4096
L = 200

def setup_inputs(seed: int = 0) -> dict:
    key = jax.random.key(seed)
    k1, k2, k3 = jax.random.split(key, 3)
    x = jax.random.randint(k1, (B, L), 0, VOCAB, dtype=jnp.int64)
    token_table = jax.random.normal(k2, (VOCAB, D), dtype=jnp.float32)
    position_embedding = jax.random.normal(k3, (MAX_SEQ, D), dtype=jnp.float32)
    return {"x": x, "token_table": token_table, "position_embedding": position_embedding}

def reference(x, token_table, position_embedding):
    seq_len = x.shape[1]
    token_embeddings = jnp.take(token_table, x, axis=0)
    position_embeddings = position_embedding[:seq_len, :]
    return token_embeddings + position_embeddings[None, :, :]

if __name__ == "__main__":
    import jax
    _d = setup_inputs()
    print(jax.jit(kernel)(*tuple(_d.values())))

</pallas_src>

<mosaic_0001>
#map = affine_map<(d0, d1) -> (0)>
#map1 = affine_map<(d0, d1) -> (0, 0)>
module attributes {stable_mosaic.version = 14 : i64} {
  func.func @_body(%arg0: i32, %arg1: i32, %arg2: memref<819200xi32, #tpu.memory_space<hbm>>, %arg3: memref<13x128xf32, #tpu.memory_space<hbm>>, %arg4: memref<512x128xf32, #tpu.memory_space<hbm>>, %arg5: memref<819200x128xf32, #tpu.memory_space<hbm>>, %arg6: memref<2704x128xf32, #tpu.memory_space<vmem_shared>>, %arg7: memref<128xf32, #tpu.memory_space<vmem>>, %arg8: memref<25600xi32, #tpu.memory_space<vmem>>, %arg9: memref<64x128xf32, #tpu.memory_space<vmem>>, %arg10: memref<16xi32, #tpu.memory_space<vmem>>, %arg11: memref<64xi32, #tpu.memory_space<vmem>>, %arg12: memref<64xi32, #tpu.memory_space<vmem>>, %arg13: memref<64xi32, #tpu.memory_space<vmem>>, %arg14: memref<64xi32, #tpu.memory_space<vmem>>, %arg15: memref<64xi32, #tpu.memory_space<vmem>>, %arg16: memref<64xi32, #tpu.memory_space<vmem>>, %arg17: memref<64xi32, #tpu.memory_space<vmem>>, %arg18: memref<64xi32, #tpu.memory_space<vmem>>, %arg19: memref<64x128xf32, #tpu.memory_space<vmem>>, %arg20: memref<64x128xf32, #tpu.memory_space<vmem>>, %arg21: memref<64x128xf32, #tpu.memory_space<vmem>>, %arg22: memref<64x128xf32, #tpu.memory_space<vmem>>, %arg23: memref<64x128xf32, #tpu.memory_space<vmem>>, %arg24: memref<64x128xf32, #tpu.memory_space<vmem>>, %arg25: memref<64x128xf32, #tpu.memory_space<vmem>>, %arg26: memref<64x128xf32, #tpu.memory_space<vmem>>, %arg27: memref<!tpu.dma_semaphore, #tpu.memory_space<semaphore_mem>>, %arg28: memref<!tpu.dma_semaphore, #tpu.memory_space<semaphore_mem>>, %arg29: memref<!tpu.dma_semaphore, #tpu.memory_space<semaphore_mem>>, %arg30: memref<!tpu.dma_semaphore, #tpu.memory_space<semaphore_mem>>, %arg31: memref<!tpu.dma_semaphore, #tpu.memory_space<semaphore_mem>>, %arg32: memref<!tpu.dma_semaphore, #tpu.memory_space<semaphore_mem>>, %arg33: memref<!tpu.dma_semaphore, #tpu.memory_space<semaphore_mem>>, %arg34: memref<!tpu.dma_semaphore, #tpu.memory_space<semaphore_mem>>, %arg35: memref<!tpu.dma_semaphore, #tpu.memory_space<semaphore_mem>>, %arg36: memref<!tpu.dma_semaphore, #tpu.memory_space<semaphore_mem>>, %arg37: memref<!tpu.dma_semaphore, #tpu.memory_space<semaphore_mem>>, %arg38: memref<!tpu.dma_semaphore, #tpu.memory_space<semaphore_mem>>, %arg39: memref<!tpu.dma_semaphore, #tpu.memory_space<semaphore_mem>>, %arg40: memref<!tpu.dma_semaphore, #tpu.memory_space<semaphore_mem>>, %arg41: memref<!tpu.dma_semaphore, #tpu.memory_space<semaphore_mem>>, %arg42: memref<!tpu.dma_semaphore, #tpu.memory_space<semaphore_mem>>, %arg43: memref<!tpu.dma_semaphore, #tpu.memory_space<semaphore_mem>>) attributes {dimension_semantics = [#tpu.dimension_semantics<core_parallel>, #tpu.dimension_semantics<subcore_parallel>], iteration_bounds = array<i64: 2, 16>, scalar_prefetch = 0 : i64, scratch_operands = 38 : i64, tpu.core_type = #tpu.core_type<sc_vector_subcore>, window_params = [{transform_indices = #map}, {transform_indices = #map1}, {transform_indices = #map1}, {transform_indices = #map1}]} {
    %mul3A = arith.constant 16 : i32
    %mul3A_0 = arith.muli %arg0, %mul3A : i32
    %add3A = arith.addi %mul3A_0, %arg1 : i32
    %mul3A_1 = arith.constant 25600 : i32
    %mul3A_2 = arith.muli %add3A, %mul3A_1 : i32
    %iota3A = tpu.iota {dimensions = array<i32: 0>} : vector<16xi32>
    %dma_start3A = tpu.memref_slice %arg2[%mul3A_2] : memref<819200xi32, #tpu.memory_space<hbm>> -> memref<25600xi32, #tpu.memory_space<hbm>>
    %dma_start3A_3 = tpu.memref_slice %arg2[%mul3A_2] : memref<819200xi32, #tpu.memory_space<hbm>> -> memref<25600xi32, #tpu.memory_space<hbm>>
    tpu.enqueue_dma source(%dma_start3A_3 : memref<25600xi32, #tpu.memory_space<hbm>>) target(%arg8 : memref<25600xi32, #tpu.memory_space<vmem>>) target_semaphore(%arg27 : memref<!tpu.dma_semaphore, #tpu.memory_space<semaphore_mem>>)
    %lt3A = arith.constant 13 : i32
    %lt3A_4 = arith.cmpi slt, %arg1, %lt3A : i32
    %convert_element_type3A = arith.extui %lt3A_4 : i1 to i32
    %cond3A = arith.constant 0 : i32
    %cond3A_5 = arith.cmpi ne, %convert_element_type3A, %cond3A : i32
    scf.if %cond3A_5 {
      %mul3A_714 = arith.constant 208 : i32
      %mul3A_715 = arith.muli %arg1, %mul3A_714 : i32
      %dma_start3A_716 = arith.constant 0 : i32
      %dma_start3A_717 = tpu.memref_slice %arg6[%mul3A_715, %dma_start3A_716] : memref<2704x128xf32, #tpu.memory_space<vmem_shared>> -> memref<208x128xf32, #tpu.memory_space<vmem_shared>>
      %dma_start3A_718 = arith.constant 0 : i32
      %dma_start3A_719 = arith.constant 0 : i32
      %dma_start3A_720 = tpu.memref_slice %arg4[%dma_start3A_718, %dma_start3A_719] : memref<512x128xf32, #tpu.memory_space<hbm>> -> memref<208x128xf32, #tpu.memory_space<hbm>>
      tpu.enqueue_dma source(%dma_start3A_720 : memref<208x128xf32, #tpu.memory_space<hbm>>) target(%dma_start3A_717 : memref<208x128xf32, #tpu.memory_space<vmem_shared>>) target_semaphore(%arg28 : memref<!tpu.dma_semaphore, #tpu.memory_space<semaphore_mem>>)
      "tpu.region"() ({
        %run_scoped3A = tpu.sem_alloc : memref<!tpu.dma_semaphore, #tpu.memory_space<semaphore_mem>>
        %dma_start3A_861 = arith.constant 0 : i32
        %dma_start3A_862 = tpu.memref_slice %arg3[%arg1, %dma_start3A_861] : memref<13x128xf32, #tpu.memory_space<hbm>> -> memref<1x128xf32, #tpu.memory_space<hbm>>
        %dma_start3A_863 = tpu.memref_squeeze %dma_start3A_862 : memref<1x128xf32, #tpu.memory_space<hbm>> -> memref<128xf32, #tpu.memory_space<hbm>>
        %dma_start3A_864 = arith.constant 0 : i32
        %dma_start3A_865 = tpu.memref_slice %arg3[%arg1, %dma_start3A_864] : memref<13x128xf32, #tpu.memory_space<hbm>> -> memref<1x128xf32, #tpu.memory_space<hbm>>
        %dma_start3A_866 = tpu.memref_squeeze %dma_start3A_865 : memref<1x128xf32, #tpu.memory_space<hbm>> -> memref<128xf32, #tpu.memory_space<hbm>>
        tpu.enqueue_dma source(%dma_start3A_866 : memref<128xf32, #tpu.memory_space<hbm>>) target(%arg7 : memref<128xf32, #tpu.memory_space<vmem>>) target_semaphore(%run_scoped3A : memref<!tpu.dma_semaphore, #tpu.memory_space<semaphore_mem>>)
        %dma_wait3A_867 = arith.constant 0 : i32
        %dma_wait3A_868 = tpu.memref_slice %arg3[%arg1, %dma_wait3A_867] : memref<13x128xf32, #tpu.memory_space<hbm>> -> memref<1x128xf32, #tpu.memory_space<hbm>>
        %dma_wait3A_869 = tpu.memref_squeeze %dma_wait3A_868 : memref<1x128xf32, #tpu.memory_space<hbm>> -> memref<128xf32, #tpu.memory_space<hbm>>
        %dma_wait3A_870 = arith.constant 0 : i32
        %dma_wait3A_871 = tpu.memref_slice %arg3[%arg1, %dma_wait3A_870] : memref<13x128xf32, #tpu.memory_space<hbm>> -> memref<1x128xf32, #tpu.memory_space<hbm>>
        %dma_wait3A_872 = tpu.memref_squeeze %dma_wait3A_871 : memref<1x128xf32, #tpu.memory_space<hbm>> -> memref<128xf32, #tpu.memory_space<hbm>>
        tpu.wait_dma2 semaphore(%run_scoped3A : memref<!tpu.dma_semaphore, #tpu.memory_space<semaphore_mem>>) src(%dma_wait3A_872 : memref<128xf32, #tpu.memory_space<hbm>>) dst(%arg7 : memref<128xf32, #tpu.memory_space<vmem>>)
        tpu.yield
      }) : () -> ()
      %scan3A_721 = arith.constant 0 : i32
      %scan3A_722 = arith.constant 0 : i32
      %scan3A_723 = arith.constant 64 : i32
      %scan3A_724 = arith.addi %scan3A_722, %scan3A_723 : i32
      %scan3A_725 = arith.constant 1 : i32
      %scan3A_726 = scf.for %scan3A_861 = %scan3A_722 to %scan3A_724 step %scan3A_725 iter_args(%scan3A_862 = %scan3A_721) -> (i32)  : i32 {
        %get3A_863 = arith.constant 0 : index
        %get3A_864 = tpu.vector_load %arg7[%get3A_863] {strides = array<i32>} : memref<128xf32, #tpu.memory_space<vmem>>, vector<16xf32>,
        %get3A_865 = vector.shape_cast %get3A_864 : vector<16xf32> to vector<16xf32>
        %swap3A_866 = arith.index_cast %scan3A_861 : i32 to index
        %swap3A_867 = arith.constant 0 : index
        %swap3A_868 = tpu.vector_load %arg9[%swap3A_866, %swap3A_867] {strides = array<i32>} : memref<64x128xf32, #tpu.memory_space<vmem>>, vector<1x16xf32>,
        %swap3A_869 = vector.shape_cast %swap3A_868 : vector<1x16xf32> to vector<16xf32>
        %swap3A_870 = vector.shape_cast %get3A_865 : vector<16xf32> to vector<1x16xf32>
        tpu.vector_store %arg9[%swap3A_866, %swap3A_867], %swap3A_870 {strides = array<i32>} : memref<64x128xf32, #tpu.memory_space<vmem>>, vector<1x16xf32>,
        %get3A_871 = arith.constant 16 : index
        %get3A_872 = tpu.vector_load %arg7[%get3A_871] {strides = array<i32>} : memref<128xf32, #tpu.memory_space<vmem>>, vector<16xf32>,
        %get3A_873 = vector.shape_cast %get3A_872 : vector<16xf32> to vector<16xf32>
        %swap3A_874 = arith.index_cast %scan3A_861 : i32 to index
        %swap3A_875 = arith.constant 16 : index
        %swap3A_876 = tpu.vector_load %arg9[%swap3A_874, %swap3A_875] {strides = array<i32>} : memref<64x128xf32, #tpu.memory_space<vmem>>, vector<1x16xf32>,
        %swap3A_877 = vector.shape_cast %swap3A_876 : vector<1x16xf32> to vector<16xf32>
        %swap3A_878 = vector.shape_cast %get3A_873 : vector<16xf32> to vector<1x16xf32>
        tpu.vector_store %arg9[%swap3A_874, %swap3A_875], %swap3A_878 {strides = array<i32>} : memref<64x128xf32, #tpu.memory_space<vmem>>, vector<1x16xf32>,
        %get3A_879 = arith.constant 32 : index
        %get3A_880 = tpu.vector_load %arg7[%get3A_879] {strides = array<i32>} : memref<128xf32, #tpu.memory_space<vmem>>, vector<16xf32>,
        %get3A_881 = vector.shape_cast %get3A_880 : vector<16xf32> to vector<16xf32>
        %swap3A_882 = arith.index_cast %scan3A_861 : i32 to index
        %swap3A_883 = arith.constant 32 : index
        %swap3A_884 = tpu.vector_load %arg9[%swap3A_882, %swap3A_883] {strides = array<i32>} : memref<64x128xf32, #tpu.memory_space<vmem>>, vector<1x16xf32>,
        %swap3A_885 = vector.shape_cast %swap3A_884 : vector<1x16xf32> to vector<16xf32>
        %swap3A_886 = vector.shape_cast %get3A_881 : vector<16xf32> to vector<1x16xf32>
        tpu.vector_store %arg9[%swap3A_882, %swap3A_883], %swap3A_886 {strides = array<i32>} : memref<64x128xf32, #tpu.memory_space<vmem>>, vector<1x16xf32>,
        %get3A_887 = arith.constant 48 : index
        %get3A_888 = tpu.vector_load %arg7[%get3A_887] {strides = array<i32>} : memref<128xf32, #tpu.memory_space<vmem>>, vector<16xf32>,
        %get3A_889 = vector.shape_cast %get3A_888 : vector<16xf32> to vector<16xf32>
        %swap3A_890 = arith.index_cast %scan3A_861 : i32 to index
        %swap3A_891 = arith.constant 48 : index
        %swap3A_892 = tpu.vector_load %arg9[%swap3A_890, %swap3A_891] {strides = array<i32>} : memref<64x128xf32, #tpu.memory_space<vmem>>, vector<1x16xf32>,
        %swap3A_893 = vector.shape_cast %swap3A_892 : vector<1x16xf32> to vector<16xf32>
        %swap3A_894 = vector.shape_cast %get3A_889 : vector<16xf32> to vector<1x16xf32>
        tpu.vector_store %arg9[%swap3A_890, %swap3A_891], %swap3A_894 {strides = array<i32>} : memref<64x128xf32, #tpu.memory_space<vmem>>, vector<1x16xf32>,
        %get3A_895 = arith.constant 64 : index
        %get3A_896 = tpu.vector_load %arg7[%get3A_895] {strides = array<i32>} : memref<128xf32, #tpu.memory_space<vmem>>, vector<16xf32>,
        %get3A_897 = vector.shape_cast %get3A_896 : vector<16xf32> to vector<16xf32>
        %swap3A_898 = arith.index_cast %scan3A_861 : i32 to index
        %swap3A_899 = arith.constant 64 : index
        %swap3A_900 = tpu.vector_load %arg9[%swap3A_898, %swap3A_899] {strides = array<i32>} : memref<64x128xf32, #tpu.memory_space<vmem>>, vector<1x16xf32>,
        %swap3A_901 = vector.shape_cast %swap3A_900 : vector<1x16xf32> to vector<16xf32>
        %swap3A_902 = vector.shape_cast %get3A_897 : vector<16xf32> to vector<1x16xf32>
        tpu.vector_store %arg9[%swap3A_898, %swap3A_899], %swap3A_902 {strides = array<i32>} : memref<64x128xf32, #tpu.memory_space<vmem>>, vector<1x16xf32>,
        %get3A_903 = arith.constant 80 : index
        %get3A_904 = tpu.vector_load %arg7[%get3A_903] {strides = array<i32>} : memref<128xf32, #tpu.memory_space<vmem>>, vector<16xf32>,
        %get3A_905 = vector.shape_cast %get3A_904 : vector<16xf32> to vector<16xf32>
        %swap3A_906 = arith.index_cast %scan3A_861 : i32 to index
        %swap3A_907 = arith.constant 80 : index
        %swap3A_908 = tpu.vector_load %arg9[%swap3A_906, %swap3A_907] {strides = array<i32>} : memref<64x128xf32, #tpu.memory_space<vmem>>, vector<1x16xf32>,
        %swap3A_909 = vector.shape_cast %swap3A_908 : vector<1x16xf32> to vector<16xf32>
        %swap3A_910 = vector.shape_cast %get3A_905 : vector<16xf32> to vector<1x16xf32>
        tpu.vector_store %arg9[%swap3A_906, %swap3A_907], %swap3A_910 {strides = array<i32>} : memref<64x128xf32, #tpu.memory_space<vmem>>, vector<1x16xf32>,
        %get3A_911 = arith.constant 96 : index
        %get3A_912 = tpu.vector_load %arg7[%get3A_911] {strides = array<i32>} : memref<128xf32, #tpu.memory_space<vmem>>, vector<16xf32>,
        %get3A_913 = vector.shape_cast %get3A_912 : vector<16xf32> to vector<16xf32>
        %swap3A_914 = arith.index_cast %scan3A_861 : i32 to index
        %swap3A_915 = arith.constant 96 : index
        %swap3A_916 = tpu.vector_load %arg9[%swap3A_914, %swap3A_915] {strides = array<i32>} : memref<64x128xf32, #tpu.memory_space<vmem>>, vector<1x16xf32>,
        %swap3A_917 = vector.shape_cast %swap3A_916 : vector<1x16xf32> to vector<16xf32>
        %swap3A_918 = vector.shape_cast %get3A_913 : vector<16xf32> to vector<1x16xf32>
        tpu.vector_store %arg9[%swap3A_914, %swap3A_915], %swap3A_918 {strides = array<i32>} : memref<64x128xf32, #tpu.memory_space<vmem>>, vector<1x16xf32>,
        %get3A_919 = arith.constant 112 : index
        %get3A_920 = tpu.vector_load %arg7[%get3A_919] {strides = array<i32>} : memref<128xf32, #tpu.memory_space<vmem>>, vector<16xf32>,
        %get3A_921 = vector.shape_cast %get3A_920 : vector<16xf32> to vector<16xf32>
        %swap3A_922 = arith.index_cast %scan3A_861 : i32 to index
        %swap3A_923 = arith.constant 112 : index
        %swap3A_924 = tpu.vector_load %arg9[%swap3A_922, %swap3A_923] {strides = array<i32>} : memref<64x128xf32, #tpu.memory_space<vmem>>, vector<1x16xf32>,
        %swap3A_925 = vector.shape_cast %swap3A_924 : vector<1x16xf32> to vector<16xf32>
        %swap3A_926 = vector.shape_cast %get3A_921 : vector<16xf32> to vector<1x16xf32>
        tpu.vector_store %arg9[%swap3A_922, %swap3A_923], %swap3A_926 {strides = array<i32>} : memref<64x128xf32, #tpu.memory_space<vmem>>, vector<1x16xf32>,
        %scan3A_927 = arith.constant 0 : i32
        scf.yield %scan3A_927 : i32
      }
      %scan3A_727 = arith.constant 64 : i32
      %add3A_728 = arith.constant 0 : i32
      %add3A_729 = arith.addi %mul3A_715, %add3A_728 : i32
      %add3A_730 = arith.constant 0 : i32
      %add3A_731 = arith.addi %add3A_729, %add3A_730 : i32
      %add3A_732 = vector.broadcast %add3A_731 : i32 to vector<16xi32>
      %add3A_733 = arith.addi %add3A_732, %iota3A : vector<16xi32>
      %swap3A_734 = arith.constant 0 : index
      %swap3A_735 = tpu.vector_load %arg11[%swap3A_734] {strides = array<i32>} : memref<64xi32, #tpu.memory_space<vmem>>, vector<16xi32>,
      %swap3A_736 = vector.shape_cast %swap3A_735 : vector<16xi32> to vector<16xi32>
      %swap3A_737 = vector.shape_cast %add3A_733 : vector<16xi32> to vector<16xi32>
      tpu.vector_store %arg11[%swap3A_734], %swap3A_737 {strides = array<i32>} : memref<64xi32, #tpu.memory_space<vmem>>, vector<16xi32>,
      %add3A_738 = arith.constant 0 : i32
      %add3A_739 = arith.addi %mul3A_715, %add3A_738 : i32
      %add3A_740 = arith.constant 16 : i32
      %add3A_741 = arith.addi %add3A_739, %add3A_740 : i32
      %add3A_742 = vector.broadcast %add3A_741 : i32 to vector<16xi32>
      %add3A_743 = arith.addi %add3A_742, %iota3A : vector<16xi32>
      %swap3A_744 = arith.constant 16 : index
      %swap3A_745 = tpu.vector_load %arg11[%swap3A_744] {strides = array<i32>} : memref<64xi32, #tpu.memory_space<vmem>>, vector<16xi32>,
      %swap3A_746 = vector.shape_cast %swap3A_745 : vector<16xi32> to vector<16xi32>
      %swap3A_747 = vector.shape_cast %add3A_743 : vector<16xi32> to vector<16xi32>
      tpu.vector_store %arg11[%swap3A_744], %swap3A_747 {strides = array<i32>} : memref<64xi32, #tpu.memory_space<vmem>>, vector<16xi32>,
      %add3A_748 = arith.constant 0 : i32
      %add3A_749 = arith.addi %mul3A_715, %add3A_748 : i32
      %add3A_750 = arith.constant 32 : i32
      %add3A_751 = arith.addi %add3A_749, %add3A_750 : i32
      %add3A_752 = vector.broadcast %add3A_751 : i32 to vector<16xi32>
      %add3A_753 = arith.addi %add3A_752, %iota3A : vector<16xi32>
      %swap3A_754 = arith.constant 32 : index
      %swap3A_755 = tpu.vector_load %arg11[%swap3A_754] {strides = array<i32>} : memref<64xi32, #tpu.memory_space<vmem>>, vector<16xi32>,
      %swap3A_756 = vector.shape_cast %swap3A_755 : vector<16xi32> to vector<16xi32>
      %swap3A_757 = vector.shape_cast %add3A_753 : vector<16xi32> to vector<16xi32>
      tpu.vector_store %arg11[%swap3A_754], %swap3A_757 {strides = array<i32>} : memref<64xi32, #tpu.memory_space<vmem>>, vector<16xi32>,
      %add3A_758 = arith.constant 0 : i32
      %add3A_759 = arith.addi %mul3A_715, %add3A_758 : i32
      %add3A_760 = arith.constant 48 : i32
      %add3A_761 = arith.addi %add3A_759, %add3A_760 : i32
      %add3A_762 = vector.broadcast %add3A_761 : i32 to vector<16xi32>
      %add3A_763 = arith.addi %add3A_762, %iota3A : vector<16xi32>
      %swap3A_764 = arith.constant 48 : index
      %swap3A_765 = tpu.vector_load %arg11[%swap3A_764] {strides = array<i32>} : memref<64xi32, #tpu.memory_space<vmem>>, vector<16xi32>,
      %swap3A_766 = vector.shape_cast %swap3A_765 : vector<16xi32> to vector<16xi32>
      %swap3A_767 = vector.shape_cast %add3A_763 : vector<16xi32> to vector<16xi32>
      tpu.vector_store %arg11[%swap3A_764], %swap3A_767 {strides = array<i32>} : memref<64xi32, #tpu.memory_space<vmem>>, vector<16xi32>,
      %add3A_768 = arith.constant 64 : i32
      %add3A_769 = arith.addi %mul3A_715, %add3A_768 : i32
      %add3A_770 = arith.constant 0 : i32
      %add3A_771 = arith.addi %add3A_769, %add3A_770 : i32
      %add3A_772 = vector.broadcast %add3A_771 : i32 to vector<16xi32>
      %add3A_773 = arith.addi %add3A_772, %iota3A : vector<16xi32>
      %swap3A_774 = arith.constant 0 : index
      %swap3A_775 = tpu.vector_load %arg12[%swap3A_774] {strides = array<i32>} : memref<64xi32, #tpu.memory_space<vmem>>, vector<16xi32>,
      %swap3A_776 = vector.shape_cast %swap3A_775 : vector<16xi32> to vector<16xi32>
      %swap3A_777 = vector.shape_cast %add3A_773 : vector<16xi32> to vector<16xi32>
      tpu.vector_store %arg12[%swap3A_774], %swap3A_777 {strides = array<i32>} : memref<64xi32, #tpu.memory_space<vmem>>, vector<16xi32>,
      %add3A_778 = arith.constant 64 : i32
      %add3A_779 = arith.addi %mul3A_715, %add3A_778 : i32
      %add3A_780 = arith.constant 16 : i32
      %add3A_781 = arith.addi %add3A_779, %add3A_780 : i32
      %add3A_782 = vector.broadcast %add3A_781 : i32 to vector<16xi32>
      %add3A_783 = arith.addi %add3A_782, %iota3A : vector<16xi32>
      %swap3A_784 = arith.constant 16 : index
      %swap3A_785 = tpu.vector_load %arg12[%swap3A_784] {strides = array<i32>} : memref<64xi32, #tpu.memory_space<vmem>>, vector<16xi32>,
      %swap3A_786 = vector.shape_cast %swap3A_785 : vector<16xi32> to vector<16xi32>
      %swap3A_787 = vector.shape_cast %add3A_783 : vector<16xi32> to vector<16xi32>
      tpu.vector_store %arg12[%swap3A_784], %swap3A_787 {strides = array<i32>} : memref<64xi32, #tpu.memory_space<vmem>>, vector<16xi32>,
      %add3A_788 = arith.constant 64 : i32
      %add3A_789 = arith.addi %mul3A_715, %add3A_788 : i32
      %add3A_790 = arith.constant 32 : i32
      %add3A_791 = arith.addi %add3A_789, %add3A_790 : i32
      %add3A_792 = vector.broadcast %add3A_791 : i32 to vector<16xi32>
      %add3A_793 = arith.addi %add3A_792, %iota3A : vector<16xi32>
      %swap3A_794 = arith.constant 32 : index
      %swap3A_795 = tpu.vector_load %arg12[%swap3A_794] {strides = array<i32>} : memref<64xi32, #tpu.memory_space<vmem>>, vector<16xi32>,
      %swap3A_796 = vector.shape_cast %swap3A_795 : vector<16xi32> to vector<16xi32>
      %swap3A_797 = vector.shape_cast %add3A_793 : vector<16xi32> to vector<16xi32>
      tpu.vector_store %arg12[%swap3A_794], %swap3A_797 {strides = array<i32>} : memref<64xi32, #tpu.memory_space<vmem>>, vector<16xi32>,
      %add3A_798 = arith.constant 64 : i32
      %add3A_799 = arith.addi %mul3A_715, %add3A_798 : i32
      %add3A_800 = arith.constant 48 : i32
      %add3A_801 = arith.addi %add3A_799, %add3A_800 : i32
      %add3A_802 = vector.broadcast %add3A_801 : i32 to vector<16xi32>
      %add3A_803 = arith.addi %add3A_802, %iota3A : vector<16xi32>
      %swap3A_804 = arith.constant 48 : index
      %swap3A_805 = tpu.vector_load %arg12[%swap3A_804] {strides = array<i32>} : memref<64xi32, #tpu.memory_space<vmem>>, vector<16xi32>,
      %swap3A_806 = vector.shape_cast %swap3A_805 : vector<16xi32> to vector<16xi32>
      %swap3A_807 = vector.shape_cast %add3A_803 : vector<16xi32> to vector<16xi32>
      tpu.vector_store %arg12[%swap3A_804], %swap3A_807 {strides = array<i32>} : memref<64xi32, #tpu.memory_space<vmem>>, vector<16xi32>,
      %add3A_808 = arith.constant 128 : i32
      %add3A_809 = arith.addi %mul3A_715, %add3A_808 : i32
      %add3A_810 = arith.constant 0 : i32
      %add3A_811 = arith.addi %add3A_809, %add3A_810 : i32
      %add3A_812 = vector.broadcast %add3A_811 : i32 to vector<16xi32>
      %add3A_813 = arith.addi %add3A_812, %iota3A : vector<16xi32>
      %swap3A_814 = arith.constant 0 : index
      %swap3A_815 = tpu.vector_load %arg13[%swap3A_814] {strides = array<i32>} : memref<64xi32, #tpu.memory_space<vmem>>, vector<16xi32>,
      %swap3A_816 = vector.shape_cast %swap3A_815 : vector<16xi32> to vector<16xi32>
      %swap3A_817 = vector.shape_cast %add3A_813 : vector<16xi32> to vector<16xi32>
      tpu.vector_store %arg13[%swap3A_814], %swap3A_817 {strides = array<i32>} : memref<64xi32, #tpu.memory_space<vmem>>, vector<16xi32>,
      %add3A_818 = arith.constant 128 : i32
      %add3A_819 = arith.addi %mul3A_715, %add3A_818 : i32
      %add3A_820 = arith.constant 16 : i32
      %add3A_821 = arith.addi %add3A_819, %add3A_820 : i32
      %add3A_822 = vector.broadcast %add3A_821 : i32 to vector<16xi32>
      %add3A_823 = arith.addi %add3A_822, %iota3A : vector<16xi32>
      %swap3A_824 = arith.constant 16 : index
      %swap3A_825 = tpu.vector_load %arg13[%swap3A_824] {strides = array<i32>} : memref<64xi32, #tpu.memory_space<vmem>>, vector<16xi32>,
      %swap3A_826 = vector.shape_cast %swap3A_825 : vector<16xi32> to vector<16xi32>
      %swap3A_827 = vector.shape_cast %add3A_823 : vector<16xi32> to vector<16xi32>
      tpu.vector_store %arg13[%swap3A_824], %swap3A_827 {strides = array<i32>} : memref<64xi32, #tpu.memory_space<vmem>>, vector<16xi32>,
      %add3A_828 = arith.constant 128 : i32
      %add3A_829 = arith.addi %mul3A_715, %add3A_828 : i32
      %add3A_830 = arith.constant 32 : i32
      %add3A_831 = arith.addi %add3A_829, %add3A_830 : i32
      %add3A_832 = vector.broadcast %add3A_831 : i32 to vector<16xi32>
      %add3A_833 = arith.addi %add3A_832, %iota3A : vector<16xi32>
      %swap3A_834 = arith.constant 32 : index
      %swap3A_835 = tpu.vector_load %arg13[%swap3A_834] {strides = array<i32>} : memref<64xi32, #tpu.memory_space<vmem>>, vector<16xi32>,
      %swap3A_836 = vector.shape_cast %swap3A_835 : vector<16xi32> to vector<16xi32>
      %swap3A_837 = vector.shape_cast %add3A_833 : vector<16xi32> to vector<16xi32>
      tpu.vector_store %arg13[%swap3A_834], %swap3A_837 {strides = array<i32>} : memref<64xi32, #tpu.memory_space<vmem>>, vector<16xi32>,
      %add3A_838 = arith.constant 128 : i32
      %add3A_839 = arith.addi %mul3A_715, %add3A_838 : i32
      %add3A_840 = arith.constant 48 : i32
      %add3A_841 = arith.addi %add3A_839, %add3A_840 : i32
      %add3A_842 = vector.broadcast %add3A_841 : i32 to vector<16xi32>
      %add3A_843 = arith.addi %add3A_842, %iota3A : vector<16xi32>
      %swap3A_844 = arith.constant 48 : index
      %swap3A_845 = tpu.vector_load %arg13[%swap3A_844] {strides = array<i32>} : memref<64xi32, #tpu.memory_space<vmem>>, vector<16xi32>,
      %swap3A_846 = vector.shape_cast %swap3A_845 : vector<16xi32> to vector<16xi32>
      %swap3A_847 = vector.shape_cast %add3A_843 : vector<16xi32> to vector<16xi32>
      tpu.vector_store %arg13[%swap3A_844], %swap3A_847 {strides = array<i32>} : memref<64xi32, #tpu.memory_space<vmem>>, vector<16xi32>,
      %add3A_848 = arith.constant 192 : i32
      %add3A_849 = arith.addi %mul3A_715, %add3A_848 : i32
      %add3A_850 = vector.broadcast %add3A_849 : i32 to vector<16xi32>
      %add3A_851 = arith.addi %add3A_850, %iota3A : vector<16xi32>
      %swap3A_852 = arith.constant 0 : index
      %swap3A_853 = tpu.vector_load %arg10[%swap3A_852] {strides = array<i32>} : memref<16xi32, #tpu.memory_space<vmem>>, vector<16xi32>,
      %swap3A_854 = vector.shape_cast %swap3A_853 : vector<16xi32> to vector<16xi32>
      %swap3A_855 = vector.shape_cast %add3A_851 : vector<16xi32> to vector<16xi32>
      tpu.vector_store %arg10[%swap3A_852], %swap3A_855 {strides = array<i32>} : memref<16xi32, #tpu.memory_space<vmem>>, vector<16xi32>,
      %dma_wait3A_856 = arith.constant 0 : i32
      %dma_wait3A_857 = tpu.memref_slice %arg6[%mul3A_715, %dma_wait3A_856] : memref<2704x128xf32, #tpu.memory_space<vmem_shared>> -> memref<208x128xf32, #tpu.memory_space<vmem_shared>>
      %dma_wait3A_858 = arith.constant 0 : i32
      %dma_wait3A_859 = arith.constant 0 : i32
      %dma_wait3A_860 = tpu.memref_slice %arg4[%dma_wait3A_858, %dma_wait3A_859] : memref<512x128xf32, #tpu.memory_space<hbm>> -> memref<208x128xf32, #tpu.memory_space<hbm>>
      tpu.wait_dma2 semaphore(%arg28 : memref<!tpu.dma_semaphore, #tpu.memory_space<semaphore_mem>>) src(%dma_wait3A_860 : memref<208x128xf32, #tpu.memory_space<hbm>>) dst(%dma_wait3A_857 : memref<208x128xf32, #tpu.memory_space<vmem_shared>>)
      "tpu.region"() ({
        %run_scoped3A = tpu.sem_alloc : memref<!tpu.dma_semaphore, #tpu.memory_space<semaphore_mem>>
        %dma_start3A_861 = arith.constant 0 : i32
        %dma_start3A_862 = arith.constant 0 : i32
        %dma_start3A_863 = tpu.memref_slice %arg6[%dma_start3A_861, %dma_start3A_862] : memref<2704x128xf32, #tpu.memory_space<vmem_shared>> -> memref<2704x128xf32, #tpu.memory_space<vmem_shared>>
        tpu.enqueue_indirect_dma source(%arg9 : memref<64x128xf32, #tpu.memory_space<vmem>>) target(%dma_start3A_863 : memref<2704x128xf32, #tpu.memory_space<vmem_shared>>) offsets(%arg11 : memref<64xi32, #tpu.memory_space<vmem>>) semaphore(%run_scoped3A : memref<!tpu.dma_semaphore, #tpu.memory_space<semaphore_mem>>) {add = true}
        %dma_wait3A_864 = arith.constant 0 : i32
        %dma_wait3A_865 = arith.constant 0 : i32
        %dma_wait3A_866 = tpu.memref_slice %arg6[%dma_wait3A_864, %dma_wait3A_865] : memref<2704x128xf32, #tpu.memory_space<vmem_shared>> -> memref<2704x128xf32, #tpu.memory_space<vmem_shared>>
        tpu.wait_indirect_dma semaphore(%run_scoped3A : memref<!tpu.dma_semaphore, #tpu.memory_space<semaphore_mem>>) src(%arg9 : memref<64x128xf32, #tpu.memory_space<vmem>>) dst(%dma_wait3A_866 : memref<2704x128xf32, #tpu.memory_space<vmem_shared>>)
        tpu.yield
      }) : () -> ()
      "tpu.region"() ({
        %run_scoped3A = tpu.sem_alloc : memref<!tpu.dma_semaphore, #tpu.memory_space<semaphore_mem>>
        %dma_start3A_861 = arith.constant 0 : i32
        %dma_start3A_862 = arith.constant 0 : i32
        %dma_start3A_863 = tpu.memref_slice %arg6[%dma_start3A_861, %dma_start3A_862] : memref<2704x128xf32, #tpu.memory_space<vmem_shared>> -> memref<2704x128xf32, #tpu.memory_space<vmem_shared>>
        tpu.enqueue_indirect_dma source(%arg9 : memref<64x128xf32, #tpu.memory_space<vmem>>) target(%dma_start3A_863 : memref<2704x128xf32, #tpu.memory_space<vmem_shared>>) offsets(%arg12 : memref<64xi32, #tpu.memory_space<vmem>>) semaphore(%run_scoped3A : memref<!tpu.dma_semaphore, #tpu.memory_space<semaphore_mem>>) {add = true}
        %dma_wait3A_864 = arith.constant 0 : i32
        %dma_wait3A_865 = arith.constant 0 : i32
        %dma_wait3A_866 = tpu.memref_slice %arg6[%dma_wait3A_864, %dma_wait3A_865] : memref<2704x128xf32, #tpu.memory_space<vmem_shared>> -> memref<2704x128xf32, #tpu.memory_space<vmem_shared>>
        tpu.wait_indirect_dma semaphore(%run_scoped3A : memref<!tpu.dma_semaphore, #tpu.memory_space<semaphore_mem>>) src(%arg9 : memref<64x128xf32, #tpu.memory_space<vmem>>) dst(%dma_wait3A_866 : memref<2704x128xf32, #tpu.memory_space<vmem_shared>>)
        tpu.yield
      }) : () -> ()
      "tpu.region"() ({
        %run_scoped3A = tpu.sem_alloc : memref<!tpu.dma_semaphore, #tpu.memory_space<semaphore_mem>>
        %dma_start3A_861 = arith.constant 0 : i32
        %dma_start3A_862 = arith.constant 0 : i32
        %dma_start3A_863 = tpu.memref_slice %arg6[%dma_start3A_861, %dma_start3A_862] : memref<2704x128xf32, #tpu.memory_space<vmem_shared>> -> memref<2704x128xf32, #tpu.memory_space<vmem_shared>>
        tpu.enqueue_indirect_dma source(%arg9 : memref<64x128xf32, #tpu.memory_space<vmem>>) target(%dma_start3A_863 : memref<2704x128xf32, #tpu.memory_space<vmem_shared>>) offsets(%arg13 : memref<64xi32, #tpu.memory_space<vmem>>) semaphore(%run_scoped3A : memref<!tpu.dma_semaphore, #tpu.memory_space<semaphore_mem>>) {add = true}
        %dma_wait3A_864 = arith.constant 0 : i32
        %dma_wait3A_865 = arith.constant 0 : i32
        %dma_wait3A_866 = tpu.memref_slice %arg6[%dma_wait3A_864, %dma_wait3A_865] : memref<2704x128xf32, #tpu.memory_space<vmem_shared>> -> memref<2704x128xf32, #tpu.memory_space<vmem_shared>>
        tpu.wait_indirect_dma semaphore(%run_scoped3A : memref<!tpu.dma_semaphore, #tpu.memory_space<semaphore_mem>>) src(%arg9 : memref<64x128xf32, #tpu.memory_space<vmem>>) dst(%dma_wait3A_866 : memref<2704x128xf32, #tpu.memory_space<vmem_shared>>)
        tpu.yield
      }) : () -> ()
      "tpu.region"() ({
        %run_scoped3A = tpu.sem_alloc : memref<!tpu.dma_semaphore, #tpu.memory_space<semaphore_mem>>
        %dma_start3A_861 = arith.constant 0 : i32
        %dma_start3A_862 = arith.constant 0 : i32
        %dma_start3A_863 = tpu.memref_slice %arg9[%dma_start3A_861, %dma_start3A_862] : memref<64x128xf32, #tpu.memory_space<vmem>> -> memref<16x128xf32, #tpu.memory_space<vmem>>
        %dma_start3A_864 = arith.constant 0 : i32
        %dma_start3A_865 = arith.constant 0 : i32
        %dma_start3A_866 = tpu.memref_slice %arg6[%dma_start3A_864, %dma_start3A_865] : memref<2704x128xf32, #tpu.memory_space<vmem_shared>> -> memref<2704x128xf32, #tpu.memory_space<vmem_shared>>
        tpu.enqueue_indirect_dma source(%dma_start3A_863 : memref<16x128xf32, #tpu.memory_space<vmem>>) target(%dma_start3A_866 : memref<2704x128xf32, #tpu.memory_space<vmem_shared>>) offsets(%arg10 : memref<16xi32, #tpu.memory_space<vmem>>) semaphore(%run_scoped3A : memref<!tpu.dma_semaphore, #tpu.memory_space<semaphore_mem>>) {add = true}
        %dma_wait3A_867 = arith.constant 0 : i32
        %dma_wait3A_868 = arith.constant 0 : i32
        %dma_wait3A_869 = tpu.memref_slice %arg9[%dma_wait3A_867, %dma_wait3A_868] : memref<64x128xf32, #tpu.memory_space<vmem>> -> memref<16x128xf32, #tpu.memory_space<vmem>>
        %dma_wait3A_870 = arith.constant 0 : i32
        %dma_wait3A_871 = arith.constant 0 : i32
        %dma_wait3A_872 = tpu.memref_slice %arg6[%dma_wait3A_870, %dma_wait3A_871] : memref<2704x128xf32, #tpu.memory_space<vmem_shared>> -> memref<2704x128xf32, #tpu.memory_space<vmem_shared>>
        tpu.wait_indirect_dma semaphore(%run_scoped3A : memref<!tpu.dma_semaphore, #tpu.memory_space<semaphore_mem>>) src(%dma_wait3A_869 : memref<16x128xf32, #tpu.memory_space<vmem>>) dst(%dma_wait3A_872 : memref<2704x128xf32, #tpu.memory_space<vmem_shared>>)
        tpu.yield
      }) : () -> ()
    } else {
    }
    %dma_wait3A = tpu.memref_slice %arg2[%mul3A_2] : memref<819200xi32, #tpu.memory_space<hbm>> -> memref<25600xi32, #tpu.memory_space<hbm>>
    %dma_wait3A_6 = tpu.memref_slice %arg2[%mul3A_2] : memref<819200xi32, #tpu.memory_space<hbm>> -> memref<25600xi32, #tpu.memory_space<hbm>>
    tpu.wait_dma2 semaphore(%arg27 : memref<!tpu.dma_semaphore, #tpu.memory_space<semaphore_mem>>) src(%dma_wait3A_6 : memref<25600xi32, #tpu.memory_space<hbm>>) dst(%arg8 : memref<25600xi32, #tpu.memory_space<vmem>>)
    %barrier3A = arith.constant 0 : index
    tpu.barrier barrier_id(%barrier3A)
    %add3A_7 = arith.constant 0 : i32
    %add3A_8 = arith.addi %mul3A_2, %add3A_7 : i32
    %add3A_9 = vector.broadcast %add3A_8 : i32 to vector<16xi32>
    %add3A_10 = arith.addi %iota3A, %add3A_9 : vector<16xi32>
    %rem3A = arith.constant 200 : i32
    %rem3A_11 = vector.broadcast %rem3A : i32 to vector<16xi32>
    %rem3A_12 = arith.remsi %add3A_10, %rem3A_11 : vector<16xi32>
    %get3A = arith.constant 0 : index
    %get3A_13 = tpu.vector_load %arg8[%get3A] {strides = array<i32>} : memref<25600xi32, #tpu.memory_space<vmem>>, vector<16xi32>,
    %get3A_14 = vector.shape_cast %get3A_13 : vector<16xi32> to vector<16xi32>
    %mul3A_15 = arith.constant 208 : i32
    %mul3A_16 = vector.broadcast %mul3A_15 : i32 to vector<16xi32>
    %mul3A_17 = arith.muli %get3A_14, %mul3A_16 : vector<16xi32>
    %add3A_18 = arith.addi %mul3A_17, %rem3A_12 : vector<16xi32>
    %swap3A = arith.constant 0 : index
    %swap3A_19 = tpu.vector_load %arg11[%swap3A] {strides = array<i32>} : memref<64xi32, #tpu.memory_space<vmem>>, vector<16xi32>,
    %swap3A_20 = vector.shape_cast %swap3A_19 : vector<16xi32> to vector<16xi32>
    %swap3A_21 = vector.shape_cast %add3A_18 : vector<16xi32> to vector<16xi32>
    tpu.vector_store %arg11[%swap3A], %swap3A_21 {strides = array<i32>} : memref<64xi32, #tpu.memory_space<vmem>>, vector<16xi32>,
    %add3A_22 = arith.constant 16 : i32
    %add3A_23 = arith.addi %mul3A_2, %add3A_22 : i32
    %add3A_24 = vector.broadcast %add3A_23 : i32 to vector<16xi32>
    %add3A_25 = arith.addi %iota3A, %add3A_24 : vector<16xi32>
    %rem3A_26 = arith.constant 200 : i32
    %rem3A_27 = vector.broadcast %rem3A_26 : i32 to vector<16xi32>
    %rem3A_28 = arith.remsi %add3A_25, %rem3A_27 : vector<16xi32>
    %get3A_29 = arith.constant 16 : index
    %get3A_30 = tpu.vector_load %arg8[%get3A_29] {strides = array<i32>} : memref<25600xi32, #tpu.memory_space<vmem>>, vector<16xi32>,
    %get3A_31 = vector.shape_cast %get3A_30 : vector<16xi32> to vector<16xi32>
    %mul3A_32 = arith.constant 208 : i32
    %mul3A_33 = vector.broadcast %mul3A_32 : i32 to vector<16xi32>
    %mul3A_34 = arith.muli %get3A_31, %mul3A_33 : vector<16xi32>
    %add3A_35 = arith.addi %mul3A_34, %rem3A_28 : vector<16xi32>
    %swap3A_36 = arith.constant 16 : index
    %swap3A_37 = tpu.vector_load %arg11[%swap3A_36] {strides = array<i32>} : memref<64xi32, #tpu.memory_space<vmem>>, vector<16xi32>,
    %swap3A_38 = vector.shape_cast %swap3A_37 : vector<16xi32> to vector<16xi32>
    %swap3A_39 = vector.shape_cast %add3A_35 : vector<16xi32> to vector<16xi32>
    tpu.vector_store %arg11[%swap3A_36], %swap3A_39 {strides = array<i32>} : memref<64xi32, #tpu.memory_space<vmem>>, vector<16xi32>,
    %add3A_40 = arith.constant 32 : i32
    %add3A_41 = arith.addi %mul3A_2, %add3A_40 : i32
    %add3A_42 = vector.broadcast %add3A_41 : i32 to vector<16xi32>
    %add3A_43 = arith.addi %iota3A, %add3A_42 : vector<16xi32>
    %rem3A_44 = arith.constant 200 : i32
    %rem3A_45 = vector.broadcast %rem3A_44 : i32 to vector<16xi32>
    %rem3A_46 = arith.remsi %add3A_43, %rem3A_45 : vector<16xi32>
    %get3A_47 = arith.constant 32 : index
    %get3A_48 = tpu.vector_load %arg8[%get3A_47] {strides = array<i32>} : memref<25600xi32, #tpu.memory_space<vmem>>, vector<16xi32>,
    %get3A_49 = vector.shape_cast %get3A_48 : vector<16xi32> to vector<16xi32>
    %mul3A_50 = arith.constant 208 : i32
    %mul3A_51 = vector.broadcast %mul3A_50 : i32 to vector<16xi32>
    %mul3A_52 = arith.muli %get3A_49, %mul3A_51 : vector<16xi32>
    %add3A_53 = arith.addi %mul3A_52, %rem3A_46 : vector<16xi32>
    %swap3A_54 = arith.constant 32 : index
    %swap3A_55 = tpu.vector_load %arg11[%swap3A_54] {strides = array<i32>} : memref<64xi32, #tpu.memory_space<vmem>>, vector<16xi32>,
    %swap3A_56 = vector.shape_cast %swap3A_55 : vector<16xi32> to vector<16xi32>
    %swap3A_57 = vector.shape_cast %add3A_53 : vector<16xi32> to vector<16xi32>
    tpu.vector_store %arg11[%swap3A_54], %swap3A_57 {strides = array<i32>} : memref<64xi32, #tpu.memory_space<vmem>>, vector<16xi32>,
    %add3A_58 = arith.constant 48 : i32
    %add3A_59 = arith.addi %mul3A_2, %add3A_58 : i32
    %add3A_60 = vector.broadcast %add3A_59 : i32 to vector<16xi32>
    %add3A_61 = arith.addi %iota3A, %add3A_60 : vector<16xi32>
    %rem3A_62 = arith.constant 200 : i32
    %rem3A_63 = vector.broadcast %rem3A_62 : i32 to vector<16xi32>
    %rem3A_64 = arith.remsi %add3A_61, %rem3A_63 : vector<16xi32>
    %get3A_65 = arith.constant 48 : index
    %get3A_66 = tpu.vector_load %arg8[%get3A_65] {strides = array<i32>} : memref<25600xi32, #tpu.memory_space<vmem>>, vector<16xi32>,
    %get3A_67 = vector.shape_cast %get3A_66 : vector<16xi32> to vector<16xi32>
    %mul3A_68 = arith.constant 208 : i32
    %mul3A_69 = vector.broadcast %mul3A_68 : i32 to vector<16xi32>
    %mul3A_70 = arith.muli %get3A_67, %mul3A_69 : vector<16xi32>
    %add3A_71 = arith.addi %mul3A_70, %rem3A_64 : vector<16xi32>
    %swap3A_72 = arith.constant 48 : index
    %swap3A_73 = tpu.vector_load %arg11[%swap3A_72] {strides = array<i32>} : memref<64xi32, #tpu.memory_space<vmem>>, vector<16xi32>,
    %swap3A_74 = vector.shape_cast %swap3A_73 : vector<16xi32> to vector<16xi32>
    %swap3A_75 = vector.shape_cast %add3A_71 : vector<16xi32> to vector<16xi32>
    tpu.vector_store %arg11[%swap3A_72], %swap3A_75 {strides = array<i32>} : memref<64xi32, #tpu.memory_space<vmem>>, vector<16xi32>,
    %dma_start3A_76 = arith.constant 0 : i32
    %dma_start3A_77 = arith.constant 0 : i32
    %dma_start3A_78 = tpu.memref_slice %arg6[%dma_start3A_76, %dma_start3A_77] : memref<2704x128xf32, #tpu.memory_space<vmem_shared>> -> memref<2704x128xf32, #tpu.memory_space<vmem_shared>>
    tpu.enqueue_indirect_dma source(%dma_start3A_78 : memref<2704x128xf32, #tpu.memory_space<vmem_shared>>) target(%arg19 : memref<64x128xf32, #tpu.memory_space<vmem>>) offsets(%arg11 : memref<64xi32, #tpu.memory_space<vmem>>) semaphore(%arg28 : memref<!tpu.dma_semaphore, #tpu.memory_space<semaphore_mem>>)
    %add3A_79 = arith.constant 64 : i32
    %add3A_80 = arith.addi %mul3A_2, %add3A_79 : i32
    %add3A_81 = vector.broadcast %add3A_80 : i32 to vector<16xi32>
    %add3A_82 = arith.addi %iota3A, %add3A_81 : vector<16xi32>
    %rem3A_83 = arith.constant 200 : i32
    %rem3A_84 = vector.broadcast %rem3A_83 : i32 to vector<16xi32>
    %rem3A_85 = arith.remsi %add3A_82, %rem3A_84 : vector<16xi32>
    %get3A_86 = arith.constant 64 : index
    %get3A_87 = tpu.vector_load %arg8[%get3A_86] {strides = array<i32>} : memref<25600xi32, #tpu.memory_space<vmem>>, vector<16xi32>,
    %get3A_88 = vector.shape_cast %get3A_87 : vector<16xi32> to vector<16xi32>
    %mul3A_89 = arith.constant 208 : i32
    %mul3A_90 = vector.broadcast %mul3A_89 : i32 to vector<16xi32>
    %mul3A_91 = arith.muli %get3A_88, %mul3A_90 : vector<16xi32>
    %add3A_92 = arith.addi %mul3A_91, %rem3A_85 : vector<16xi32>
    %swap3A_93 = arith.constant 0 : index
    %swap3A_94 = tpu.vector_load %arg12[%swap3A_93] {strides = array<i32>} : memref<64xi32, #tpu.memory_space<vmem>>, vector<16xi32>,
    %swap3A_95 = vector.shape_cast %swap3A_94 : vector<16xi32> to vector<16xi32>
    %swap3A_96 = vector.shape_cast %add3A_92 : vector<16xi32> to vector<16xi32>
    tpu.vector_store %arg12[%swap3A_93], %swap3A_96 {strides = array<i32>} : memref<64xi32, #tpu.memory_space<vmem>>, vector<16xi32>,
    %add3A_97 = arith.constant 80 : i32
    %add3A_98 = arith.addi %mul3A_2, %add3A_97 : i32
    %add3A_99 = vector.broadcast %add3A_98 : i32 to vector<16xi32>
    %add3A_100 = arith.addi %iota3A, %add3A_99 : vector<16xi32>
    %rem3A_101 = arith.constant 200 : i32
    %rem3A_102 = vector.broadcast %rem3A_101 : i32 to vector<16xi32>
    %rem3A_103 = arith.remsi %add3A_100, %rem3A_102 : vector<16xi32>
    %get3A_104 = arith.constant 80 : index
    %get3A_105 = tpu.vector_load %arg8[%get3A_104] {strides = array<i32>} : memref<25600xi32, #tpu.memory_space<vmem>>, vector<16xi32>,
    %get3A_106 = vector.shape_cast %get3A_105 : vector<16xi32> to vector<16xi32>
    %mul3A_107 = arith.constant 208 : i32
    %mul3A_108 = vector.broadcast %mul3A_107 : i32 to vector<16xi32>
    %mul3A_109 = arith.muli %get3A_106, %mul3A_108 : vector<16xi32>
    %add3A_110 = arith.addi %mul3A_109, %rem3A_103 : vector<16xi32>
    %swap3A_111 = arith.constant 16 : index
    %swap3A_112 = tpu.vector_load %arg12[%swap3A_111] {strides = array<i32>} : memref<64xi32, #tpu.memory_space<vmem>>, vector<16xi32>,
    %swap3A_113 = vector.shape_cast %swap3A_112 : vector<16xi32> to vector<16xi32>
    %swap3A_114 = vector.shape_cast %add3A_110 : vector<16xi32> to vector<16xi32>
    tpu.vector_store %arg12[%swap3A_111], %swap3A_114 {strides = array<i32>} : memref<64xi32, #tpu.memory_space<vmem>>, vector<16xi32>,
    %add3A_115 = arith.constant 96 : i32
    %add3A_116 = arith.addi %mul3A_2, %add3A_115 : i32
    %add3A_117 = vector.broadcast %add3A_116 : i32 to vector<16xi32>
    %add3A_118 = arith.addi %iota3A, %add3A_117 : vector<16xi32>
    %rem3A_119 = arith.constant 200 : i32
    %rem3A_120 = vector.broadcast %rem3A_119 : i32 to vector<16xi32>
    %rem3A_121 = arith.remsi %add3A_118, %rem3A_120 : vector<16xi32>
    %get3A_122 = arith.constant 96 : index
    %get3A_123 = tpu.vector_load %arg8[%get3A_122] {strides = array<i32>} : memref<25600xi32, #tpu.memory_space<vmem>>, vector<16xi32>,
    %get3A_124 = vector.shape_cast %get3A_123 : vector<16xi32> to vector<16xi32>
    %mul3A_125 = arith.constant 208 : i32
    %mul3A_126 = vector.broadcast %mul3A_125 : i32 to vector<16xi32>
    %mul3A_127 = arith.muli %get3A_124, %mul3A_126 : vector<16xi32>
    %add3A_128 = arith.addi %mul3A_127, %rem3A_121 : vector<16xi32>
    %swap3A_129 = arith.constant 32 : index
    %swap3A_130 = tpu.vector_load %arg12[%swap3A_129] {strides = array<i32>} : memref<64xi32, #tpu.memory_space<vmem>>, vector<16xi32>,
    %swap3A_131 = vector.shape_cast %swap3A_130 : vector<16xi32> to vector<16xi32>
    %swap3A_132 = vector.shape_cast %add3A_128 : vector<16xi32> to vector<16xi32>
    tpu.vector_store %arg12[%swap3A_129], %swap3A_132 {strides = array<i32>} : memref<64xi32, #tpu.memory_space<vmem>>, vector<16xi32>,
    %add3A_133 = arith.constant 112 : i32
    %add3A_134 = arith.addi %mul3A_2, %add3A_133 : i32
    %add3A_135 = vector.broadcast %add3A_134 : i32 to vector<16xi32>
    %add3A_136 = arith.addi %iota3A, %add3A_135 : vector<16xi32>
    %rem3A_137 = arith.constant 200 : i32
    %rem3A_138 = vector.broadcast %rem3A_137 : i32 to vector<16xi32>
    %rem3A_139 = arith.remsi %add3A_136, %rem3A_138 : vector<16xi32>
    %get3A_140 = arith.constant 112 : index
    %get3A_141 = tpu.vector_load %arg8[%get3A_140] {strides = array<i32>} : memref<25600xi32, #tpu.memory_space<vmem>>, vector<16xi32>,
    %get3A_142 = vector.shape_cast %get3A_141 : vector<16xi32> to vector<16xi32>
    %mul3A_143 = arith.constant 208 : i32
    %mul3A_144 = vector.broadcast %mul3A_143 : i32 to vector<16xi32>
    %mul3A_145 = arith.muli %get3A_142, %mul3A_144 : vector<16xi32>
    %add3A_146 = arith.addi %mul3A_145, %rem3A_139 : vector<16xi32>
    %swap3A_147 = arith.constant 48 : index
    %swap3A_148 = tpu.vector_load %arg12[%swap3A_147] {strides = array<i32>} : memref<64xi32, #tpu.memory_space<vmem>>, vector<16xi32>,
    %swap3A_149 = vector.shape_cast %swap3A_148 : vector<16xi32> to vector<16xi32>
    %swap3A_150 = vector.shape_cast %add3A_146 : vector<16xi32> to vector<16xi32>
    tpu.vector_store %arg12[%swap3A_147], %swap3A_150 {strides = array<i32>} : memref<64xi32, #tpu.memory_space<vmem>>, vector<16xi32>,
    %dma_start3A_151 = arith.constant 0 : i32
    %dma_start3A_152 = arith.constant 0 : i32
    %dma_start3A_153 = tpu.memref_slice %arg6[%dma_start3A_151, %dma_start3A_152] : memref<2704x128xf32, #tpu.memory_space<vmem_shared>> -> memref<2704x128xf32, #tpu.memory_space<vmem_shared>>
    tpu.enqueue_indirect_dma source(%dma_start3A_153 : memref<2704x128xf32, #tpu.memory_space<vmem_shared>>) target(%arg20 : memref<64x128xf32, #tpu.memory_space<vmem>>) offsets(%arg12 : memref<64xi32, #tpu.memory_space<vmem>>) semaphore(%arg29 : memref<!tpu.dma_semaphore, #tpu.memory_space<semaphore_mem>>)
    %add3A_154 = arith.constant 128 : i32
    %add3A_155 = arith.addi %mul3A_2, %add3A_154 : i32
    %add3A_156 = vector.broadcast %add3A_155 : i32 to vector<16xi32>
    %add3A_157 = arith.addi %iota3A, %add3A_156 : vector<16xi32>
    %rem3A_158 = arith.constant 200 : i32
    %rem3A_159 = vector.broadcast %rem3A_158 : i32 to vector<16xi32>
    %rem3A_160 = arith.remsi %add3A_157, %rem3A_159 : vector<16xi32>
    %get3A_161 = arith.constant 128 : index
    %get3A_162 = tpu.vector_load %arg8[%get3A_161] {strides = array<i32>} : memref<25600xi32, #tpu.memory_space<vmem>>, vector<16xi32>,
    %get3A_163 = vector.shape_cast %get3A_162 : vector<16xi32> to vector<16xi32>
    %mul3A_164 = arith.constant 208 : i32
    %mul3A_165 = vector.broadcast %mul3A_164 : i32 to vector<16xi32>
    %mul3A_166 = arith.muli %get3A_163, %mul3A_165 : vector<16xi32>
    %add3A_167 = arith.addi %mul3A_166, %rem3A_160 : vector<16xi32>
    %swap3A_168 = arith.constant 0 : index
    %swap3A_169 = tpu.vector_load %arg13[%swap3A_168] {strides = array<i32>} : memref<64xi32, #tpu.memory_space<vmem>>, vector<16xi32>,
    %swap3A_170 = vector.shape_cast %swap3A_169 : vector<16xi32> to vector<16xi32>
    %swap3A_171 = vector.shape_cast %add3A_167 : vector<16xi32> to vector<16xi32>
    tpu.vector_store %arg13[%swap3A_168], %swap3A_171 {strides = array<i32>} : memref<64xi32, #tpu.memory_space<vmem>>, vector<16xi32>,
    %add3A_172 = arith.constant 144 : i32
    %add3A_173 = arith.addi %mul3A_2, %add3A_172 : i32
    %add3A_174 = vector.broadcast %add3A_173 : i32 to vector<16xi32>
    %add3A_175 = arith.addi %iota3A, %add3A_174 : vector<16xi32>
    %rem3A_176 = arith.constant 200 : i32
    %rem3A_177 = vector.broadcast %rem3A_176 : i32 to vector<16xi32>
    %rem3A_178 = arith.remsi %add3A_175, %rem3A_177 : vector<16xi32>
    %get3A_179 = arith.constant 144 : index
    %get3A_180 = tpu.vector_load %arg8[%get3A_179] {strides = array<i32>} : memref<25600xi32, #tpu.memory_space<vmem>>, vector<16xi32>,
    %get3A_181 = vector.shape_cast %get3A_180 : vector<16xi32> to vector<16xi32>
    %mul3A_182 = arith.constant 208 : i32
    %mul3A_183 = vector.broadcast %mul3A_182 : i32 to vector<16xi32>
    %mul3A_184 = arith.muli %get3A_181, %mul3A_183 : vector<16xi32>
    %add3A_185 = arith.addi %mul3A_184, %rem3A_178 : vector<16xi32>
    %swap3A_186 = arith.constant 16 : index
    %swap3A_187 = tpu.vector_load %arg13[%swap3A_186] {strides = array<i32>} : memref<64xi32, #tpu.memory_space<vmem>>, vector<16xi32>,
    %swap3A_188 = vector.shape_cast %swap3A_187 : vector<16xi32> to vector<16xi32>
    %swap3A_189 = vector.shape_cast %add3A_185 : vector<16xi32> to vector<16xi32>
    tpu.vector_store %arg13[%swap3A_186], %swap3A_189 {strides = array<i32>} : memref<64xi32, #tpu.memory_space<vmem>>, vector<16xi32>,
    %add3A_190 = arith.constant 160 : i32
    %add3A_191 = arith.addi %mul3A_2, %add3A_190 : i32
    %add3A_192 = vector.broadcast %add3A_191 : i32 to vector<16xi32>
    %add3A_193 = arith.addi %iota3A, %add3A_192 : vector<16xi32>
    %rem3A_194 = arith.constant 200 : i32
    %rem3A_195 = vector.broadcast %rem3A_194 : i32 to vector<16xi32>
    %rem3A_196 = arith.remsi %add3A_193, %rem3A_195 : vector<16xi32>
    %get3A_197 = arith.constant 160 : index
    %get3A_198 = tpu.vector_load %arg8[%get3A_197] {strides = array<i32>} : memref<25600xi32, #tpu.memory_space<vmem>>, vector<16xi32>,
    %get3A_199 = vector.shape_cast %get3A_198 : vector<16xi32> to vector<16xi32>
    %mul3A_200 = arith.constant 208 : i32
    %mul3A_201 = vector.broadcast %mul3A_200 : i32 to vector<16xi32>
    %mul3A_202 = arith.muli %get3A_199, %mul3A_201 : vector<16xi32>
    %add3A_203 = arith.addi %mul3A_202, %rem3A_196 : vector<16xi32>
    %swap3A_204 = arith.constant 32 : index
    %swap3A_205 = tpu.vector_load %arg13[%swap3A_204] {strides = array<i32>} : memref<64xi32, #tpu.memory_space<vmem>>, vector<16xi32>,
    %swap3A_206 = vector.shape_cast %swap3A_205 : vector<16xi32> to vector<16xi32>
    %swap3A_207 = vector.shape_cast %add3A_203 : vector<16xi32> to vector<16xi32>
    tpu.vector_store %arg13[%swap3A_204], %swap3A_207 {strides = array<i32>} : memref<64xi32, #tpu.memory_space<vmem>>, vector<16xi32>,
    %add3A_208 = arith.constant 176 : i32
    %add3A_209 = arith.addi %mul3A_2, %add3A_208 : i32
    %add3A_210 = vector.broadcast %add3A_209 : i32 to vector<16xi32>
    %add3A_211 = arith.addi %iota3A, %add3A_210 : vector<16xi32>
    %rem3A_212 = arith.constant 200 : i32
    %rem3A_213 = vector.broadcast %rem3A_212 : i32 to vector<16xi32>
    %rem3A_214 = arith.remsi %add3A_211, %rem3A_213 : vector<16xi32>
    %get3A_215 = arith.constant 176 : index
    %get3A_216 = tpu.vector_load %arg8[%get3A_215] {strides = array<i32>} : memref<25600xi32, #tpu.memory_space<vmem>>, vector<16xi32>,
    %get3A_217 = vector.shape_cast %get3A_216 : vector<16xi32> to vector<16xi32>
    %mul3A_218 = arith.constant 208 : i32
    %mul3A_219 = vector.broadcast %mul3A_218 : i32 to vector<16xi32>
    %mul3A_220 = arith.muli %get3A_217, %mul3A_219 : vector<16xi32>
    %add3A_221 = arith.addi %mul3A_220, %rem3A_214 : vector<16xi32>
    %swap3A_222 = arith.constant 48 : index
    %swap3A_223 = tpu.vector_load %arg13[%swap3A_222] {strides = array<i32>} : memref<64xi32, #tpu.memory_space<vmem>>, vector<16xi32>,
    %swap3A_224 = vector.shape_cast %swap3A_223 : vector<16xi32> to vector<16xi32>
    %swap3A_225 = vector.shape_cast %add3A_221 : vector<16xi32> to vector<16xi32>
    tpu.vector_store %arg13[%swap3A_222], %swap3A_225 {strides = array<i32>} : memref<64xi32, #tpu.memory_space<vmem>>, vector<16xi32>,
    %dma_start3A_226 = arith.constant 0 : i32
    %dma_start3A_227 = arith.constant 0 : i32
    %dma_start3A_228 = tpu.memref_slice %arg6[%dma_start3A_226, %dma_start3A_227] : memref<2704x128xf32, #tpu.memory_space<vmem_shared>> -> memref<2704x128xf32, #tpu.memory_space<vmem_shared>>
    tpu.enqueue_indirect_dma source(%dma_start3A_228 : memref<2704x128xf32, #tpu.memory_space<vmem_shared>>) target(%arg21 : memref<64x128xf32, #tpu.memory_space<vmem>>) offsets(%arg13 : memref<64xi32, #tpu.memory_space<vmem>>) semaphore(%arg30 : memref<!tpu.dma_semaphore, #tpu.memory_space<semaphore_mem>>)
    %add3A_229 = arith.constant 192 : i32
    %add3A_230 = arith.addi %mul3A_2, %add3A_229 : i32
    %add3A_231 = vector.broadcast %add3A_230 : i32 to vector<16xi32>
    %add3A_232 = arith.addi %iota3A, %add3A_231 : vector<16xi32>
    %rem3A_233 = arith.constant 200 : i32
    %rem3A_234 = vector.broadcast %rem3A_233 : i32 to vector<16xi32>
    %rem3A_235 = arith.remsi %add3A_232, %rem3A_234 : vector<16xi32>
    %get3A_236 = arith.constant 192 : index
    %get3A_237 = tpu.vector_load %arg8[%get3A_236] {strides = array<i32>} : memref<25600xi32, #tpu.memory_space<vmem>>, vector<16xi32>,
    %get3A_238 = vector.shape_cast %get3A_237 : vector<16xi32> to vector<16xi32>
    %mul3A_239 = arith.constant 208 : i32
    %mul3A_240 = vector.broadcast %mul3A_239 : i32 to vector<16xi32>
    %mul3A_241 = arith.muli %get3A_238, %mul3A_240 : vector<16xi32>
    %add3A_242 = arith.addi %mul3A_241, %rem3A_235 : vector<16xi32>
    %swap3A_243 = arith.constant 0 : index
    %swap3A_244 = tpu.vector_load %arg14[%swap3A_243] {strides = array<i32>} : memref<64xi32, #tpu.memory_space<vmem>>, vector<16xi32>,
    %swap3A_245 = vector.shape_cast %swap3A_244 : vector<16xi32> to vector<16xi32>
    %swap3A_246 = vector.shape_cast %add3A_242 : vector<16xi32> to vector<16xi32>
    tpu.vector_store %arg14[%swap3A_243], %swap3A_246 {strides = array<i32>} : memref<64xi32, #tpu.memory_space<vmem>>, vector<16xi32>,
    %add3A_247 = arith.constant 208 : i32
    %add3A_248 = arith.addi %mul3A_2, %add3A_247 : i32
    %add3A_249 = vector.broadcast %add3A_248 : i32 to vector<16xi32>
    %add3A_250 = arith.addi %iota3A, %add3A_249 : vector<16xi32>
    %rem3A_251 = arith.constant 200 : i32
    %rem3A_252 = vector.broadcast %rem3A_251 : i32 to vector<16xi32>
    %rem3A_253 = arith.remsi %add3A_250, %rem3A_252 : vector<16xi32>
    %get3A_254 = arith.constant 208 : index
    %get3A_255 = tpu.vector_load %arg8[%get3A_254] {strides = array<i32>} : memref<25600xi32, #tpu.memory_space<vmem>>, vector<16xi32>,
    %get3A_256 = vector.shape_cast %get3A_255 : vector<16xi32> to vector<16xi32>
    %mul3A_257 = arith.constant 208 : i32
    %mul3A_258 = vector.broadcast %mul3A_257 : i32 to vector<16xi32>
    %mul3A_259 = arith.muli %get3A_256, %mul3A_258 : vector<16xi32>
    %add3A_260 = arith.addi %mul3A_259, %rem3A_253 : vector<16xi32>
    %swap3A_261 = arith.constant 16 : index
    %swap3A_262 = tpu.vector_load %arg14[%swap3A_261] {strides = array<i32>} : memref<64xi32, #tpu.memory_space<vmem>>, vector<16xi32>,
    %swap3A_263 = vector.shape_cast %swap3A_262 : vector<16xi32> to vector<16xi32>
    %swap3A_264 = vector.shape_cast %add3A_260 : vector<16xi32> to vector<16xi32>
    tpu.vector_store %arg14[%swap3A_261], %swap3A_264 {strides = array<i32>} : memref<64xi32, #tpu.memory_space<vmem>>, vector<16xi32>,
    %add3A_265 = arith.constant 224 : i32
    %add3A_266 = arith.addi %mul3A_2, %add3A_265 : i32
    %add3A_267 = vector.broadcast %add3A_266 : i32 to vector<16xi32>
    %add3A_268 = arith.addi %iota3A, %add3A_267 : vector<16xi32>
    %rem3A_269 = arith.constant 200 : i32
    %rem3A_270 = vector.broadcast %rem3A_269 : i32 to vector<16xi32>
    %rem3A_271 = arith.remsi %add3A_268, %rem3A_270 : vector<16xi32>
    %get3A_272 = arith.constant 224 : index
    %get3A_273 = tpu.vector_load %arg8[%get3A_272] {strides = array<i32>} : memref<25600xi32, #tpu.memory_space<vmem>>, vector<16xi32>,
    %get3A_274 = vector.shape_cast %get3A_273 : vector<16xi32> to vector<16xi32>
    %mul3A_275 = arith.constant 208 : i32
    %mul3A_276 = vector.broadcast %mul3A_275 : i32 to vector<16xi32>
    %mul3A_277 = arith.muli %get3A_274, %mul3A_276 : vector<16xi32>
    %add3A_278 = arith.addi %mul3A_277, %rem3A_271 : vector<16xi32>
    %swap3A_279 = arith.constant 32 : index
    %swap3A_280 = tpu.vector_load %arg14[%swap3A_279] {strides = array<i32>} : memref<64xi32, #tpu.memory_space<vmem>>, vector<16xi32>,
    %swap3A_281 = vector.shape_cast %swap3A_280 : vector<16xi32> to vector<16xi32>
    %swap3A_282 = vector.shape_cast %add3A_278 : vector<16xi32> to vector<16xi32>
    tpu.vector_store %arg14[%swap3A_279], %swap3A_282 {strides = array<i32>} : memref<64xi32, #tpu.memory_space<vmem>>, vector<16xi32>,
    %add3A_283 = arith.constant 240 : i32
    %add3A_284 = arith.addi %mul3A_2, %add3A_283 : i32
    %add3A_285 = vector.broadcast %add3A_284 : i32 to vector<16xi32>
    %add3A_286 = arith.addi %iota3A, %add3A_285 : vector<16xi32>
    %rem3A_287 = arith.constant 200 : i32
    %rem3A_288 = vector.broadcast %rem3A_287 : i32 to vector<16xi32>
    %rem3A_289 = arith.remsi %add3A_286, %rem3A_288 : vector<16xi32>
    %get3A_290 = arith.constant 240 : index
    %get3A_291 = tpu.vector_load %arg8[%get3A_290] {strides = array<i32>} : memref<25600xi32, #tpu.memory_space<vmem>>, vector<16xi32>,
    %get3A_292 = vector.shape_cast %get3A_291 : vector<16xi32> to vector<16xi32>
    %mul3A_293 = arith.constant 208 : i32
    %mul3A_294 = vector.broadcast %mul3A_293 : i32 to vector<16xi32>
    %mul3A_295 = arith.muli %get3A_292, %mul3A_294 : vector<16xi32>
    %add3A_296 = arith.addi %mul3A_295, %rem3A_289 : vector<16xi32>
    %swap3A_297 = arith.constant 48 : index
    %swap3A_298 = tpu.vector_load %arg14[%swap3A_297] {strides = array<i32>} : memref<64xi32, #tpu.memory_space<vmem>>, vector<16xi32>,
    %swap3A_299 = vector.shape_cast %swap3A_298 : vector<16xi32> to vector<16xi32>
    %swap3A_300 = vector.shape_cast %add3A_296 : vector<16xi32> to vector<16xi32>
    tpu.vector_store %arg14[%swap3A_297], %swap3A_300 {strides = array<i32>} : memref<64xi32, #tpu.memory_space<vmem>>, vector<16xi32>,
    %dma_start3A_301 = arith.constant 0 : i32
    %dma_start3A_302 = arith.constant 0 : i32
    %dma_start3A_303 = tpu.memref_slice %arg6[%dma_start3A_301, %dma_start3A_302] : memref<2704x128xf32, #tpu.memory_space<vmem_shared>> -> memref<2704x128xf32, #tpu.memory_space<vmem_shared>>
    tpu.enqueue_indirect_dma source(%dma_start3A_303 : memref<2704x128xf32, #tpu.memory_space<vmem_shared>>) target(%arg22 : memref<64x128xf32, #tpu.memory_space<vmem>>) offsets(%arg14 : memref<64xi32, #tpu.memory_space<vmem>>) semaphore(%arg31 : memref<!tpu.dma_semaphore, #tpu.memory_space<semaphore_mem>>)
    %add3A_304 = arith.constant 256 : i32
    %add3A_305 = arith.addi %mul3A_2, %add3A_304 : i32
    %add3A_306 = vector.broadcast %add3A_305 : i32 to vector<16xi32>
    %add3A_307 = arith.addi %iota3A, %add3A_306 : vector<16xi32>
    %rem3A_308 = arith.constant 200 : i32
    %rem3A_309 = vector.broadcast %rem3A_308 : i32 to vector<16xi32>
    %rem3A_310 = arith.remsi %add3A_307, %rem3A_309 : vector<16xi32>
    %get3A_311 = arith.constant 256 : index
    %get3A_312 = tpu.vector_load %arg8[%get3A_311] {strides = array<i32>} : memref<25600xi32, #tpu.memory_space<vmem>>, vector<16xi32>,
    %get3A_313 = vector.shape_cast %get3A_312 : vector<16xi32> to vector<16xi32>
    %mul3A_314 = arith.constant 208 : i32
    %mul3A_315 = vector.broadcast %mul3A_314 : i32 to vector<16xi32>
    %mul3A_316 = arith.muli %get3A_313, %mul3A_315 : vector<16xi32>
    %add3A_317 = arith.addi %mul3A_316, %rem3A_310 : vector<16xi32>
    %swap3A_318 = arith.constant 0 : index
    %swap3A_319 = tpu.vector_load %arg15[%swap3A_318] {strides = array<i32>} : memref<64xi32, #tpu.memory_space<vmem>>, vector<16xi32>,
    %swap3A_320 = vector.shape_cast %swap3A_319 : vector<16xi32> to vector<16xi32>
    %swap3A_321 = vector.shape_cast %add3A_317 : vector<16xi32> to vector<16xi32>
    tpu.vector_store %arg15[%swap3A_318], %swap3A_321 {strides = array<i32>} : memref<64xi32, #tpu.memory_space<vmem>>, vector<16xi32>,
    %add3A_322 = arith.constant 272 : i32
    %add3A_323 = arith.addi %mul3A_2, %add3A_322 : i32
    %add3A_324 = vector.broadcast %add3A_323 : i32 to vector<16xi32>
    %add3A_325 = arith.addi %iota3A, %add3A_324 : vector<16xi32>
    %rem3A_326 = arith.constant 200 : i32
    %rem3A_327 = vector.broadcast %rem3A_326 : i32 to vector<16xi32>
    %rem3A_328 = arith.remsi %add3A_325, %rem3A_327 : vector<16xi32>
    %get3A_329 = arith.constant 272 : index
    %get3A_330 = tpu.vector_load %arg8[%get3A_329] {strides = array<i32>} : memref<25600xi32, #tpu.memory_space<vmem>>, vector<16xi32>,
    %get3A_331 = vector.shape_cast %get3A_330 : vector<16xi32> to vector<16xi32>
    %mul3A_332 = arith.constant 208 : i32
    %mul3A_333 = vector.broadcast %mul3A_332 : i32 to vector<16xi32>
    %mul3A_334 = arith.muli %get3A_331, %mul3A_333 : vector<16xi32>
    %add3A_335 = arith.addi %mul3A_334, %rem3A_328 : vector<16xi32>
    %swap3A_336 = arith.constant 16 : index
    %swap3A_337 = tpu.vector_load %arg15[%swap3A_336] {strides = array<i32>} : memref<64xi32, #tpu.memory_space<vmem>>, vector<16xi32>,
    %swap3A_338 = vector.shape_cast %swap3A_337 : vector<16xi32> to vector<16xi32>
    %swap3A_339 = vector.shape_cast %add3A_335 : vector<16xi32> to vector<16xi32>
    tpu.vector_store %arg15[%swap3A_336], %swap3A_339 {strides = array<i32>} : memref<64xi32, #tpu.memory_space<vmem>>, vector<16xi32>,
    %add3A_340 = arith.constant 288 : i32
    %add3A_341 = arith.addi %mul3A_2, %add3A_340 : i32
    %add3A_342 = vector.broadcast %add3A_341 : i32 to vector<16xi32>
    %add3A_343 = arith.addi %iota3A, %add3A_342 : vector<16xi32>
    %rem3A_344 = arith.constant 200 : i32
    %rem3A_345 = vector.broadcast %rem3A_344 : i32 to vector<16xi32>
    %rem3A_346 = arith.remsi %add3A_343, %rem3A_345 : vector<16xi32>
    %get3A_347 = arith.constant 288 : index
    %get3A_348 = tpu.vector_load %arg8[%get3A_347] {strides = array<i32>} : memref<25600xi32, #tpu.memory_space<vmem>>, vector<16xi32>,
    %get3A_349 = vector.shape_cast %get3A_348 : vector<16xi32> to vector<16xi32>
    %mul3A_350 = arith.constant 208 : i32
    %mul3A_351 = vector.broadcast %mul3A_350 : i32 to vector<16xi32>
    %mul3A_352 = arith.muli %get3A_349, %mul3A_351 : vector<16xi32>
    %add3A_353 = arith.addi %mul3A_352, %rem3A_346 : vector<16xi32>
    %swap3A_354 = arith.constant 32 : index
    %swap3A_355 = tpu.vector_load %arg15[%swap3A_354] {strides = array<i32>} : memref<64xi32, #tpu.memory_space<vmem>>, vector<16xi32>,
    %swap3A_356 = vector.shape_cast %swap3A_355 : vector<16xi32> to vector<16xi32>
    %swap3A_357 = vector.shape_cast %add3A_353 : vector<16xi32> to vector<16xi32>
    tpu.vector_store %arg15[%swap3A_354], %swap3A_357 {strides = array<i32>} : memref<64xi32, #tpu.memory_space<vmem>>, vector<16xi32>,
    %add3A_358 = arith.constant 304 : i32
    %add3A_359 = arith.addi %mul3A_2, %add3A_358 : i32
    %add3A_360 = vector.broadcast %add3A_359 : i32 to vector<16xi32>
    %add3A_361 = arith.addi %iota3A, %add3A_360 : vector<16xi32>
    %rem3A_362 = arith.constant 200 : i32
    %rem3A_363 = vector.broadcast %rem3A_362 : i32 to vector<16xi32>
    %rem3A_364 = arith.remsi %add3A_361, %rem3A_363 : vector<16xi32>
    %get3A_365 = arith.constant 304 : index
    %get3A_366 = tpu.vector_load %arg8[%get3A_365] {strides = array<i32>} : memref<25600xi32, #tpu.memory_space<vmem>>, vector<16xi32>,
    %get3A_367 = vector.shape_cast %get3A_366 : vector<16xi32> to vector<16xi32>
    %mul3A_368 = arith.constant 208 : i32
    %mul3A_369 = vector.broadcast %mul3A_368 : i32 to vector<16xi32>
    %mul3A_370 = arith.muli %get3A_367, %mul3A_369 : vector<16xi32>
    %add3A_371 = arith.addi %mul3A_370, %rem3A_364 : vector<16xi32>
    %swap3A_372 = arith.constant 48 : index
    %swap3A_373 = tpu.vector_load %arg15[%swap3A_372] {strides = array<i32>} : memref<64xi32, #tpu.memory_space<vmem>>, vector<16xi32>,
    %swap3A_374 = vector.shape_cast %swap3A_373 : vector<16xi32> to vector<16xi32>
    %swap3A_375 = vector.shape_cast %add3A_371 : vector<16xi32> to vector<16xi32>
    tpu.vector_store %arg15[%swap3A_372], %swap3A_375 {strides = array<i32>} : memref<64xi32, #tpu.memory_space<vmem>>, vector<16xi32>,
    %dma_start3A_376 = arith.constant 0 : i32
    %dma_start3A_377 = arith.constant 0 : i32
    %dma_start3A_378 = tpu.memref_slice %arg6[%dma_start3A_376, %dma_start3A_377] : memref<2704x128xf32, #tpu.memory_space<vmem_shared>> -> memref<2704x128xf32, #tpu.memory_space<vmem_shared>>
    tpu.enqueue_indirect_dma source(%dma_start3A_378 : memref<2704x128xf32, #tpu.memory_space<vmem_shared>>) target(%arg23 : memref<64x128xf32, #tpu.memory_space<vmem>>) offsets(%arg15 : memref<64xi32, #tpu.memory_space<vmem>>) semaphore(%arg32 : memref<!tpu.dma_semaphore, #tpu.memory_space<semaphore_mem>>)
    %add3A_379 = arith.constant 320 : i32
    %add3A_380 = arith.addi %mul3A_2, %add3A_379 : i32
    %add3A_381 = vector.broadcast %add3A_380 : i32 to vector<16xi32>
    %add3A_382 = arith.addi %iota3A, %add3A_381 : vector<16xi32>
    %rem3A_383 = arith.constant 200 : i32
    %rem3A_384 = vector.broadcast %rem3A_383 : i32 to vector<16xi32>
    %rem3A_385 = arith.remsi %add3A_382, %rem3A_384 : vector<16xi32>
    %get3A_386 = arith.constant 320 : index
    %get3A_387 = tpu.vector_load %arg8[%get3A_386] {strides = array<i32>} : memref<25600xi32, #tpu.memory_space<vmem>>, vector<16xi32>,
    %get3A_388 = vector.shape_cast %get3A_387 : vector<16xi32> to vector<16xi32>
    %mul3A_389 = arith.constant 208 : i32
    %mul3A_390 = vector.broadcast %mul3A_389 : i32 to vector<16xi32>
    %mul3A_391 = arith.muli %get3A_388, %mul3A_390 : vector<16xi32>
    %add3A_392 = arith.addi %mul3A_391, %rem3A_385 : vector<16xi32>
    %swap3A_393 = arith.constant 0 : index
    %swap3A_394 = tpu.vector_load %arg16[%swap3A_393] {strides = array<i32>} : memref<64xi32, #tpu.memory_space<vmem>>, vector<16xi32>,
    %swap3A_395 = vector.shape_cast %swap3A_394 : vector<16xi32> to vector<16xi32>
    %swap3A_396 = vector.shape_cast %add3A_392 : vector<16xi32> to vector<16xi32>
    tpu.vector_store %arg16[%swap3A_393], %swap3A_396 {strides = array<i32>} : memref<64xi32, #tpu.memory_space<vmem>>, vector<16xi32>,
    %add3A_397 = arith.constant 336 : i32
    %add3A_398 = arith.addi %mul3A_2, %add3A_397 : i32
    %add3A_399 = vector.broadcast %add3A_398 : i32 to vector<16xi32>
    %add3A_400 = arith.addi %iota3A, %add3A_399 : vector<16xi32>
    %rem3A_401 = arith.constant 200 : i32
    %rem3A_402 = vector.broadcast %rem3A_401 : i32 to vector<16xi32>
    %rem3A_403 = arith.remsi %add3A_400, %rem3A_402 : vector<16xi32>
    %get3A_404 = arith.constant 336 : index
    %get3A_405 = tpu.vector_load %arg8[%get3A_404] {strides = array<i32>} : memref<25600xi32, #tpu.memory_space<vmem>>, vector<16xi32>,
    %get3A_406 = vector.shape_cast %get3A_405 : vector<16xi32> to vector<16xi32>
    %mul3A_407 = arith.constant 208 : i32
    %mul3A_408 = vector.broadcast %mul3A_407 : i32 to vector<16xi32>
    %mul3A_409 = arith.muli %get3A_406, %mul3A_408 : vector<16xi32>
    %add3A_410 = arith.addi %mul3A_409, %rem3A_403 : vector<16xi32>
    %swap3A_411 = arith.constant 16 : index
    %swap3A_412 = tpu.vector_load %arg16[%swap3A_411] {strides = array<i32>} : memref<64xi32, #tpu.memory_space<vmem>>, vector<16xi32>,
    %swap3A_413 = vector.shape_cast %swap3A_412 : vector<16xi32> to vector<16xi32>
    %swap3A_414 = vector.shape_cast %add3A_410 : vector<16xi32> to vector<16xi32>
    tpu.vector_store %arg16[%swap3A_411], %swap3A_414 {strides = array<i32>} : memref<64xi32, #tpu.memory_space<vmem>>, vector<16xi32>,
    %add3A_415 = arith.constant 352 : i32
    %add3A_416 = arith.addi %mul3A_2, %add3A_415 : i32
    %add3A_417 = vector.broadcast %add3A_416 : i32 to vector<16xi32>
    %add3A_418 = arith.addi %iota3A, %add3A_417 : vector<16xi32>
    %rem3A_419 = arith.constant 200 : i32
    %rem3A_420 = vector.broadcast %rem3A_419 : i32 to vector<16xi32>
    %rem3A_421 = arith.remsi %add3A_418, %rem3A_420 : vector<16xi32>
    %get3A_422 = arith.constant 352 : index
    %get3A_423 = tpu.vector_load %arg8[%get3A_422] {strides = array<i32>} : memref<25600xi32, #tpu.memory_space<vmem>>, vector<16xi32>,
    %get3A_424 = vector.shape_cast %get3A_423 : vector<16xi32> to vector<16xi32>
    %mul3A_425 = arith.constant 208 : i32
    %mul3A_426 = vector.broadcast %mul3A_425 : i32 to vector<16xi32>
    %mul3A_427 = arith.muli %get3A_424, %mul3A_426 : vector<16xi32>
    %add3A_428 = arith.addi %mul3A_427, %rem3A_421 : vector<16xi32>
    %swap3A_429 = arith.constant 32 : index
    %swap3A_430 = tpu.vector_load %arg16[%swap3A_429] {strides = array<i32>} : memref<64xi32, #tpu.memory_space<vmem>>, vector<16xi32>,
    %swap3A_431 = vector.shape_cast %swap3A_430 : vector<16xi32> to vector<16xi32>
    %swap3A_432 = vector.shape_cast %add3A_428 : vector<16xi32> to vector<16xi32>
    tpu.vector_store %arg16[%swap3A_429], %swap3A_432 {strides = array<i32>} : memref<64xi32, #tpu.memory_space<vmem>>, vector<16xi32>,
    %add3A_433 = arith.constant 368 : i32
    %add3A_434 = arith.addi %mul3A_2, %add3A_433 : i32
    %add3A_435 = vector.broadcast %add3A_434 : i32 to vector<16xi32>
    %add3A_436 = arith.addi %iota3A, %add3A_435 : vector<16xi32>
    %rem3A_437 = arith.constant 200 : i32
    %rem3A_438 = vector.broadcast %rem3A_437 : i32 to vector<16xi32>
    %rem3A_439 = arith.remsi %add3A_436, %rem3A_438 : vector<16xi32>
    %get3A_440 = arith.constant 368 : index
    %get3A_441 = tpu.vector_load %arg8[%get3A_440] {strides = array<i32>} : memref<25600xi32, #tpu.memory_space<vmem>>, vector<16xi32>,
    %get3A_442 = vector.shape_cast %get3A_441 : vector<16xi32> to vector<16xi32>
    %mul3A_443 = arith.constant 208 : i32
    %mul3A_444 = vector.broadcast %mul3A_443 : i32 to vector<16xi32>
    %mul3A_445 = arith.muli %get3A_442, %mul3A_444 : vector<16xi32>
    %add3A_446 = arith.addi %mul3A_445, %rem3A_439 : vector<16xi32>
    %swap3A_447 = arith.constant 48 : index
    %swap3A_448 = tpu.vector_load %arg16[%swap3A_447] {strides = array<i32>} : memref<64xi32, #tpu.memory_space<vmem>>, vector<16xi32>,
    %swap3A_449 = vector.shape_cast %swap3A_448 : vector<16xi32> to vector<16xi32>
    %swap3A_450 = vector.shape_cast %add3A_446 : vector<16xi32> to vector<16xi32>
    tpu.vector_store %arg16[%swap3A_447], %swap3A_450 {strides = array<i32>} : memref<64xi32, #tpu.memory_space<vmem>>, vector<16xi32>,
    %dma_start3A_451 = arith.constant 0 : i32
    %dma_start3A_452 = arith.constant 0 : i32
    %dma_start3A_453 = tpu.memref_slice %arg6[%dma_start3A_451, %dma_start3A_452] : memref<2704x128xf32, #tpu.memory_space<vmem_shared>> -> memref<2704x128xf32, #tpu.memory_space<vmem_shared>>
    tpu.enqueue_indirect_dma source(%dma_start3A_453 : memref<2704x128xf32, #tpu.memory_space<vmem_shared>>) target(%arg24 : memref<64x128xf32, #tpu.memory_space<vmem>>) offsets(%arg16 : memref<64xi32, #tpu.memory_space<vmem>>) semaphore(%arg33 : memref<!tpu.dma_semaphore, #tpu.memory_space<semaphore_mem>>)
    %add3A_454 = arith.constant 384 : i32
    %add3A_455 = arith.addi %mul3A_2, %add3A_454 : i32
    %add3A_456 = vector.broadcast %add3A_455 : i32 to vector<16xi32>
    %add3A_457 = arith.addi %iota3A, %add3A_456 : vector<16xi32>
    %rem3A_458 = arith.constant 200 : i32
    %rem3A_459 = vector.broadcast %rem3A_458 : i32 to vector<16xi32>
    %rem3A_460 = arith.remsi %add3A_457, %rem3A_459 : vector<16xi32>
    %get3A_461 = arith.constant 384 : index
    %get3A_462 = tpu.vector_load %arg8[%get3A_461] {strides = array<i32>} : memref<25600xi32, #tpu.memory_space<vmem>>, vector<16xi32>,
    %get3A_463 = vector.shape_cast %get3A_462 : vector<16xi32> to vector<16xi32>
    %mul3A_464 = arith.constant 208 : i32
    %mul3A_465 = vector.broadcast %mul3A_464 : i32 to vector<16xi32>
    %mul3A_466 = arith.muli %get3A_463, %mul3A_465 : vector<16xi32>
    %add3A_467 = arith.addi %mul3A_466, %rem3A_460 : vector<16xi32>
    %swap3A_468 = arith.constant 0 : index
    %swap3A_469 = tpu.vector_load %arg17[%swap3A_468] {strides = array<i32>} : memref<64xi32, #tpu.memory_space<vmem>>, vector<16xi32>,
    %swap3A_470 = vector.shape_cast %swap3A_469 : vector<16xi32> to vector<16xi32>
    %swap3A_471 = vector.shape_cast %add3A_467 : vector<16xi32> to vector<16xi32>
    tpu.vector_store %arg17[%swap3A_468], %swap3A_471 {strides = array<i32>} : memref<64xi32, #tpu.memory_space<vmem>>, vector<16xi32>,
    %add3A_472 = arith.constant 400 : i32
    %add3A_473 = arith.addi %mul3A_2, %add3A_472 : i32
    %add3A_474 = vector.broadcast %add3A_473 : i32 to vector<16xi32>
    %add3A_475 = arith.addi %iota3A, %add3A_474 : vector<16xi32>
    %rem3A_476 = arith.constant 200 : i32
    %rem3A_477 = vector.broadcast %rem3A_476 : i32 to vector<16xi32>
    %rem3A_478 = arith.remsi %add3A_475, %rem3A_477 : vector<16xi32>
    %get3A_479 = arith.constant 400 : index
    %get3A_480 = tpu.vector_load %arg8[%get3A_479] {strides = array<i32>} : memref<25600xi32, #tpu.memory_space<vmem>>, vector<16xi32>,
    %get3A_481 = vector.shape_cast %get3A_480 : vector<16xi32> to vector<16xi32>
    %mul3A_482 = arith.constant 208 : i32
    %mul3A_483 = vector.broadcast %mul3A_482 : i32 to vector<16xi32>
    %mul3A_484 = arith.muli %get3A_481, %mul3A_483 : vector<16xi32>
    %add3A_485 = arith.addi %mul3A_484, %rem3A_478 : vector<16xi32>
    %swap3A_486 = arith.constant 16 : index
    %swap3A_487 = tpu.vector_load %arg17[%swap3A_486] {strides = array<i32>} : memref<64xi32, #tpu.memory_space<vmem>>, vector<16xi32>,
    %swap3A_488 = vector.shape_cast %swap3A_487 : vector<16xi32> to vector<16xi32>
    %swap3A_489 = vector.shape_cast %add3A_485 : vector<16xi32> to vector<16xi32>
    tpu.vector_store %arg17[%swap3A_486], %swap3A_489 {strides = array<i32>} : memref<64xi32, #tpu.memory_space<vmem>>, vector<16xi32>,
    %add3A_490 = arith.constant 416 : i32
    %add3A_491 = arith.addi %mul3A_2, %add3A_490 : i32
    %add3A_492 = vector.broadcast %add3A_491 : i32 to vector<16xi32>
    %add3A_493 = arith.addi %iota3A, %add3A_492 : vector<16xi32>
    %rem3A_494 = arith.constant 200 : i32
    %rem3A_495 = vector.broadcast %rem3A_494 : i32 to vector<16xi32>
    %rem3A_496 = arith.remsi %add3A_493, %rem3A_495 : vector<16xi32>
    %get3A_497 = arith.constant 416 : index
    %get3A_498 = tpu.vector_load %arg8[%get3A_497] {strides = array<i32>} : memref<25600xi32, #tpu.memory_space<vmem>>, vector<16xi32>,
    %get3A_499 = vector.shape_cast %get3A_498 : vector<16xi32> to vector<16xi32>
    %mul3A_500 = arith.constant 208 : i32
    %mul3A_501 = vector.broadcast %mul3A_500 : i32 to vector<16xi32>
    %mul3A_502 = arith.muli %get3A_499, %mul3A_501 : vector<16xi32>
    %add3A_503 = arith.addi %mul3A_502, %rem3A_496 : vector<16xi32>
    %swap3A_504 = arith.constant 32 : index
    %swap3A_505 = tpu.vector_load %arg17[%swap3A_504] {strides = array<i32>} : memref<64xi32, #tpu.memory_space<vmem>>, vector<16xi32>,
    %swap3A_506 = vector.shape_cast %swap3A_505 : vector<16xi32> to vector<16xi32>
    %swap3A_507 = vector.shape_cast %add3A_503 : vector<16xi32> to vector<16xi32>
    tpu.vector_store %arg17[%swap3A_504], %swap3A_507 {strides = array<i32>} : memref<64xi32, #tpu.memory_space<vmem>>, vector<16xi32>,
    %add3A_508 = arith.constant 432 : i32
    %add3A_509 = arith.addi %mul3A_2, %add3A_508 : i32
    %add3A_510 = vector.broadcast %add3A_509 : i32 to vector<16xi32>
    %add3A_511 = arith.addi %iota3A, %add3A_510 : vector<16xi32>
    %rem3A_512 = arith.constant 200 : i32
    %rem3A_513 = vector.broadcast %rem3A_512 : i32 to vector<16xi32>
    %rem3A_514 = arith.remsi %add3A_511, %rem3A_513 : vector<16xi32>
    %get3A_515 = arith.constant 432 : index
    %get3A_516 = tpu.vector_load %arg8[%get3A_515] {strides = array<i32>} : memref<25600xi32, #tpu.memory_space<vmem>>, vector<16xi32>,
    %get3A_517 = vector.shape_cast %get3A_516 : vector<16xi32> to vector<16xi32>
    %mul3A_518 = arith.constant 208 : i32
    %mul3A_519 = vector.broadcast %mul3A_518 : i32 to vector<16xi32>
    %mul3A_520 = arith.muli %get3A_517, %mul3A_519 : vector<16xi32>
    %add3A_521 = arith.addi %mul3A_520, %rem3A_514 : vector<16xi32>
    %swap3A_522 = arith.constant 48 : index
    %swap3A_523 = tpu.vector_load %arg17[%swap3A_522] {strides = array<i32>} : memref<64xi32, #tpu.memory_space<vmem>>, vector<16xi32>,
    %swap3A_524 = vector.shape_cast %swap3A_523 : vector<16xi32> to vector<16xi32>
    %swap3A_525 = vector.shape_cast %add3A_521 : vector<16xi32> to vector<16xi32>
    tpu.vector_store %arg17[%swap3A_522], %swap3A_525 {strides = array<i32>} : memref<64xi32, #tpu.memory_space<vmem>>, vector<16xi32>,
    %dma_start3A_526 = arith.constant 0 : i32
    %dma_start3A_527 = arith.constant 0 : i32
    %dma_start3A_528 = tpu.memref_slice %arg6[%dma_start3A_526, %dma_start3A_527] : memref<2704x128xf32, #tpu.memory_space<vmem_shared>> -> memref<2704x128xf32, #tpu.memory_space<vmem_shared>>
    tpu.enqueue_indirect_dma source(%dma_start3A_528 : memref<2704x128xf32, #tpu.memory_space<vmem_shared>>) target(%arg25 : memref<64x128xf32, #tpu.memory_space<vmem>>) offsets(%arg17 : memref<64xi32, #tpu.memory_space<vmem>>) semaphore(%arg34 : memref<!tpu.dma_semaphore, #tpu.memory_space<semaphore_mem>>)
    %add3A_529 = arith.constant 448 : i32
    %add3A_530 = arith.addi %mul3A_2, %add3A_529 : i32
    %add3A_531 = vector.broadcast %add3A_530 : i32 to vector<16xi32>
    %add3A_532 = arith.addi %iota3A, %add3A_531 : vector<16xi32>
    %rem3A_533 = arith.constant 200 : i32
    %rem3A_534 = vector.broadcast %rem3A_533 : i32 to vector<16xi32>
    %rem3A_535 = arith.remsi %add3A_532, %rem3A_534 : vector<16xi32>
    %get3A_536 = arith.constant 448 : index
    %get3A_537 = tpu.vector_load %arg8[%get3A_536] {strides = array<i32>} : memref<25600xi32, #tpu.memory_space<vmem>>, vector<16xi32>,
    %get3A_538 = vector.shape_cast %get3A_537 : vector<16xi32> to vector<16xi32>
    %mul3A_539 = arith.constant 208 : i32
    %mul3A_540 = vector.broadcast %mul3A_539 : i32 to vector<16xi32>
    %mul3A_541 = arith.muli %get3A_538, %mul3A_540 : vector<16xi32>
    %add3A_542 = arith.addi %mul3A_541, %rem3A_535 : vector<16xi32>
    %swap3A_543 = arith.constant 0 : index
    %swap3A_544 = tpu.vector_load %arg18[%swap3A_543] {strides = array<i32>} : memref<64xi32, #tpu.memory_space<vmem>>, vector<16xi32>,
    %swap3A_545 = vector.shape_cast %swap3A_544 : vector<16xi32> to vector<16xi32>
    %swap3A_546 = vector.shape_cast %add3A_542 : vector<16xi32> to vector<16xi32>
    tpu.vector_store %arg18[%swap3A_543], %swap3A_546 {strides = array<i32>} : memref<64xi32, #tpu.memory_space<vmem>>, vector<16xi32>,
    %add3A_547 = arith.constant 464 : i32
    %add3A_548 = arith.addi %mul3A_2, %add3A_547 : i32
    %add3A_549 = vector.broadcast %add3A_548 : i32 to vector<16xi32>
    %add3A_550 = arith.addi %iota3A, %add3A_549 : vector<16xi32>
    %rem3A_551 = arith.constant 200 : i32
    %rem3A_552 = vector.broadcast %rem3A_551 : i32 to vector<16xi32>
    %rem3A_553 = arith.remsi %add3A_550, %rem3A_552 : vector<16xi32>
    %get3A_554 = arith.constant 464 : index
    %get3A_555 = tpu.vector_load %arg8[%get3A_554] {strides = array<i32>} : memref<25600xi32, #tpu.memory_space<vmem>>, vector<16xi32>,
    %get3A_556 = vector.shape_cast %get3A_555 : vector<16xi32> to vector<16xi32>
    %mul3A_557 = arith.constant 208 : i32
    %mul3A_558 = vector.broadcast %mul3A_557 : i32 to vector<16xi32>
    %mul3A_559 = arith.muli %get3A_556, %mul3A_558 : vector<16xi32>
    %add3A_560 = arith.addi %mul3A_559, %rem3A_553 : vector<16xi32>
    %swap3A_561 = arith.constant 16 : index
    %swap3A_562 = tpu.vector_load %arg18[%swap3A_561] {strides = array<i32>} : memref<64xi32, #tpu.memory_space<vmem>>, vector<16xi32>,
    %swap3A_563 = vector.shape_cast %swap3A_562 : vector<16xi32> to vector<16xi32>
    %swap3A_564 = vector.shape_cast %add3A_560 : vector<16xi32> to vector<16xi32>
    tpu.vector_store %arg18[%swap3A_561], %swap3A_564 {strides = array<i32>} : memref<64xi32, #tpu.memory_space<vmem>>, vector<16xi32>,
    %add3A_565 = arith.constant 480 : i32
    %add3A_566 = arith.addi %mul3A_2, %add3A_565 : i32
    %add3A_567 = vector.broadcast %add3A_566 : i32 to vector<16xi32>
    %add3A_568 = arith.addi %iota3A, %add3A_567 : vector<16xi32>
    %rem3A_569 = arith.constant 200 : i32
    %rem3A_570 = vector.broadcast %rem3A_569 : i32 to vector<16xi32>
    %rem3A_571 = arith.remsi %add3A_568, %rem3A_570 : vector<16xi32>
    %get3A_572 = arith.constant 480 : index
    %get3A_573 = tpu.vector_load %arg8[%get3A_572] {strides = array<i32>} : memref<25600xi32, #tpu.memory_space<vmem>>, vector<16xi32>,
    %get3A_574 = vector.shape_cast %get3A_573 : vector<16xi32> to vector<16xi32>
    %mul3A_575 = arith.constant 208 : i32
    %mul3A_576 = vector.broadcast %mul3A_575 : i32 to vector<16xi32>
    %mul3A_577 = arith.muli %get3A_574, %mul3A_576 : vector<16xi32>
    %add3A_578 = arith.addi %mul3A_577, %rem3A_571 : vector<16xi32>
    %swap3A_579 = arith.constant 32 : index
    %swap3A_580 = tpu.vector_load %arg18[%swap3A_579] {strides = array<i32>} : memref<64xi32, #tpu.memory_space<vmem>>, vector<16xi32>,
    %swap3A_581 = vector.shape_cast %swap3A_580 : vector<16xi32> to vector<16xi32>
    %swap3A_582 = vector.shape_cast %add3A_578 : vector<16xi32> to vector<16xi32>
    tpu.vector_store %arg18[%swap3A_579], %swap3A_582 {strides = array<i32>} : memref<64xi32, #tpu.memory_space<vmem>>, vector<16xi32>,
    %add3A_583 = arith.constant 496 : i32
    %add3A_584 = arith.addi %mul3A_2, %add3A_583 : i32
    %add3A_585 = vector.broadcast %add3A_584 : i32 to vector<16xi32>
    %add3A_586 = arith.addi %iota3A, %add3A_585 : vector<16xi32>
    %rem3A_587 = arith.constant 200 : i32
    %rem3A_588 = vector.broadcast %rem3A_587 : i32 to vector<16xi32>
    %rem3A_589 = arith.remsi %add3A_586, %rem3A_588 : vector<16xi32>
    %get3A_590 = arith.constant 496 : index
    %get3A_591 = tpu.vector_load %arg8[%get3A_590] {strides = array<i32>} : memref<25600xi32, #tpu.memory_space<vmem>>, vector<16xi32>,
    %get3A_592 = vector.shape_cast %get3A_591 : vector<16xi32> to vector<16xi32>
    %mul3A_593 = arith.constant 208 : i32
    %mul3A_594 = vector.broadcast %mul3A_593 : i32 to vector<16xi32>
    %mul3A_595 = arith.muli %get3A_592, %mul3A_594 : vector<16xi32>
    %add3A_596 = arith.addi %mul3A_595, %rem3A_589 : vector<16xi32>
    %swap3A_597 = arith.constant 48 : index
    %swap3A_598 = tpu.vector_load %arg18[%swap3A_597] {strides = array<i32>} : memref<64xi32, #tpu.memory_space<vmem>>, vector<16xi32>,
    %swap3A_599 = vector.shape_cast %swap3A_598 : vector<16xi32> to vector<16xi32>
    %swap3A_600 = vector.shape_cast %add3A_596 : vector<16xi32> to vector<16xi32>
    tpu.vector_store %arg18[%swap3A_597], %swap3A_600 {strides = array<i32>} : memref<64xi32, #tpu.memory_space<vmem>>, vector<16xi32>,
    %dma_start3A_601 = arith.constant 0 : i32
    %dma_start3A_602 = arith.constant 0 : i32
    %dma_start3A_603 = tpu.memref_slice %arg6[%dma_start3A_601, %dma_start3A_602] : memref<2704x128xf32, #tpu.memory_space<vmem_shared>> -> memref<2704x128xf32, #tpu.memory_space<vmem_shared>>
    tpu.enqueue_indirect_dma source(%dma_start3A_603 : memref<2704x128xf32, #tpu.memory_space<vmem_shared>>) target(%arg26 : memref<64x128xf32, #tpu.memory_space<vmem>>) offsets(%arg18 : memref<64xi32, #tpu.memory_space<vmem>>) semaphore(%arg35 : memref<!tpu.dma_semaphore, #tpu.memory_space<semaphore_mem>>)
    %dma_wait3A_604 = arith.constant 0 : i32
    %dma_wait3A_605 = arith.constant 0 : i32
    %dma_wait3A_606 = tpu.memref_slice %arg6[%dma_wait3A_604, %dma_wait3A_605] : memref<2704x128xf32, #tpu.memory_space<vmem_shared>> -> memref<2704x128xf32, #tpu.memory_space<vmem_shared>>
    tpu.wait_indirect_dma semaphore(%arg28 : memref<!tpu.dma_semaphore, #tpu.memory_space<semaphore_mem>>) src(%dma_wait3A_606 : memref<2704x128xf32, #tpu.memory_space<vmem_shared>>) dst(%arg19 : memref<64x128xf32, #tpu.memory_space<vmem>>)
    %add3A_607 = arith.constant 0 : i32
    %add3A_608 = arith.addi %mul3A_2, %add3A_607 : i32
    %dma_start3A_609 = arith.constant 0 : i32
    %dma_start3A_610 = tpu.memref_slice %arg5[%add3A_608, %dma_start3A_609] : memref<819200x128xf32, #tpu.memory_space<hbm>> -> memref<64x128xf32, #tpu.memory_space<hbm>>
    %dma_start3A_611 = arith.constant 0 : i32
    %dma_start3A_612 = tpu.memref_slice %arg5[%add3A_608, %dma_start3A_611] : memref<819200x128xf32, #tpu.memory_space<hbm>> -> memref<64x128xf32, #tpu.memory_space<hbm>>
    tpu.enqueue_dma source(%arg19 : memref<64x128xf32, #tpu.memory_space<vmem>>) target(%dma_start3A_612 : memref<64x128xf32, #tpu.memory_space<hbm>>) target_semaphore(%arg36 : memref<!tpu.dma_semaphore, #tpu.memory_space<semaphore_mem>>)
    %dma_wait3A_613 = arith.constant 0 : i32
    %dma_wait3A_614 = arith.constant 0 : i32
    %dma_wait3A_615 = tpu.memref_slice %arg6[%dma_wait3A_613, %dma_wait3A_614] : memref<2704x128xf32, #tpu.memory_space<vmem_shared>> -> memref<2704x128xf32, #tpu.memory_space<vmem_shared>>
    tpu.wait_indirect_dma semaphore(%arg29 : memref<!tpu.dma_semaphore, #tpu.memory_space<semaphore_mem>>) src(%dma_wait3A_615 : memref<2704x128xf32, #tpu.memory_space<vmem_shared>>) dst(%arg20 : memref<64x128xf32, #tpu.memory_space<vmem>>)
    %add3A_616 = arith.constant 64 : i32
    %add3A_617 = arith.addi %mul3A_2, %add3A_616 : i32
    %dma_start3A_618 = arith.constant 0 : i32
    %dma_start3A_619 = tpu.memref_slice %arg5[%add3A_617, %dma_start3A_618] : memref<819200x128xf32, #tpu.memory_space<hbm>> -> memref<64x128xf32, #tpu.memory_space<hbm>>
    %dma_start3A_620 = arith.constant 0 : i32
    %dma_start3A_621 = tpu.memref_slice %arg5[%add3A_617, %dma_start3A_620] : memref<819200x128xf32, #tpu.memory_space<hbm>> -> memref<64x128xf32, #tpu.memory_space<hbm>>
    tpu.enqueue_dma source(%arg20 : memref<64x128xf32, #tpu.memory_space<vmem>>) target(%dma_start3A_621 : memref<64x128xf32, #tpu.memory_space<hbm>>) target_semaphore(%arg37 : memref<!tpu.dma_semaphore, #tpu.memory_space<semaphore_mem>>)
    %dma_wait3A_622 = arith.constant 0 : i32
    %dma_wait3A_623 = arith.constant 0 : i32
    %dma_wait3A_624 = tpu.memref_slice %arg6[%dma_wait3A_622, %dma_wait3A_623] : memref<2704x128xf32, #tpu.memory_space<vmem_shared>> -> memref<2704x128xf32, #tpu.memory_space<vmem_shared>>
    tpu.wait_indirect_dma semaphore(%arg30 : memref<!tpu.dma_semaphore, #tpu.memory_space<semaphore_mem>>) src(%dma_wait3A_624 : memref<2704x128xf32, #tpu.memory_space<vmem_shared>>) dst(%arg21 : memref<64x128xf32, #tpu.memory_space<vmem>>)
    %add3A_625 = arith.constant 128 : i32
    %add3A_626 = arith.addi %mul3A_2, %add3A_625 : i32
    %dma_start3A_627 = arith.constant 0 : i32
    %dma_start3A_628 = tpu.memref_slice %arg5[%add3A_626, %dma_start3A_627] : memref<819200x128xf32, #tpu.memory_space<hbm>> -> memref<64x128xf32, #tpu.memory_space<hbm>>
    %dma_start3A_629 = arith.constant 0 : i32
    %dma_start3A_630 = tpu.memref_slice %arg5[%add3A_626, %dma_start3A_629] : memref<819200x128xf32, #tpu.memory_space<hbm>> -> memref<64x128xf32, #tpu.memory_space<hbm>>
    tpu.enqueue_dma source(%arg21 : memref<64x128xf32, #tpu.memory_space<vmem>>) target(%dma_start3A_630 : memref<64x128xf32, #tpu.memory_space<hbm>>) target_semaphore(%arg38 : memref<!tpu.dma_semaphore, #tpu.memory_space<semaphore_mem>>)
    %dma_wait3A_631 = arith.constant 0 : i32
    %dma_wait3A_632 = arith.constant 0 : i32
    %dma_wait3A_633 = tpu.memref_slice %arg6[%dma_wait3A_631, %dma_wait3A_632] : memref<2704x128xf32, #tpu.memory_space<vmem_shared>> -> memref<2704x128xf32, #tpu.memory_space<vmem_shared>>
    tpu.wait_indirect_dma semaphore(%arg31 : memref<!tpu.dma_semaphore, #tpu.memory_space<semaphore_mem>>) src(%dma_wait3A_633 : memref<2704x128xf32, #tpu.memory_space<vmem_shared>>) dst(%arg22 : memref<64x128xf32, #tpu.memory_space<vmem>>)
    %add3A_634 = arith.constant 192 : i32
    %add3A_635 = arith.addi %mul3A_2, %add3A_634 : i32
    %dma_start3A_636 = arith.constant 0 : i32
    %dma_start3A_637 = tpu.memref_slice %arg5[%add3A_635, %dma_start3A_636] : memref<819200x128xf32, #tpu.memory_space<hbm>> -> memref<64x128xf32, #tpu.memory_space<hbm>>
    %dma_start3A_638 = arith.constant 0 : i32
    %dma_start3A_639 = tpu.memref_slice %arg5[%add3A_635, %dma_start3A_638] : memref<819200x128xf32, #tpu.memory_space<hbm>> -> memref<64x128xf32, #tpu.memory_space<hbm>>
    tpu.enqueue_dma source(%arg22 : memref<64x128xf32, #tpu.memory_space<vmem>>) target(%dma_start3A_639 : memref<64x128xf32, #tpu.memory_space<hbm>>) target_semaphore(%arg39 : memref<!tpu.dma_semaphore, #tpu.memory_space<semaphore_mem>>)
    %dma_wait3A_640 = arith.constant 0 : i32
    %dma_wait3A_641 = arith.constant 0 : i32
    %dma_wait3A_642 = tpu.memref_slice %arg6[%dma_wait3A_640, %dma_wait3A_641] : memref<2704x128xf32, #tpu.memory_space<vmem_shared>> -> memref<2704x128xf32, #tpu.memory_space<vmem_shared>>
    tpu.wait_indirect_dma semaphore(%arg32 : memref<!tpu.dma_semaphore, #tpu.memory_space<semaphore_mem>>) src(%dma_wait3A_642 : memref<2704x128xf32, #tpu.memory_space<vmem_shared>>) dst(%arg23 : memref<64x128xf32, #tpu.memory_space<vmem>>)
    %add3A_643 = arith.constant 256 : i32
    %add3A_644 = arith.addi %mul3A_2, %add3A_643 : i32
    %dma_start3A_645 = arith.constant 0 : i32
    %dma_start3A_646 = tpu.memref_slice %arg5[%add3A_644, %dma_start3A_645] : memref<819200x128xf32, #tpu.memory_space<hbm>> -> memref<64x128xf32, #tpu.memory_space<hbm>>
    %dma_start3A_647 = arith.constant 0 : i32
    %dma_start3A_648 = tpu.memref_slice %arg5[%add3A_644, %dma_start3A_647] : memref<819200x128xf32, #tpu.memory_space<hbm>> -> memref<64x128xf32, #tpu.memory_space<hbm>>
    tpu.enqueue_dma source(%arg23 : memref<64x128xf32, #tpu.memory_space<vmem>>) target(%dma_start3A_648 : memref<64x128xf32, #tpu.memory_space<hbm>>) target_semaphore(%arg40 : memref<!tpu.dma_semaphore, #tpu.memory_space<semaphore_mem>>)
    %dma_wait3A_649 = arith.constant 0 : i32
    %dma_wait3A_650 = arith.constant 0 : i32
    %dma_wait3A_651 = tpu.memref_slice %arg6[%dma_wait3A_649, %dma_wait3A_650] : memref<2704x128xf32, #tpu.memory_space<vmem_shared>> -> memref<2704x128xf32, #tpu.memory_space<vmem_shared>>
    tpu.wait_indirect_dma semaphore(%arg33 : memref<!tpu.dma_semaphore, #tpu.memory_space<semaphore_mem>>) src(%dma_wait3A_651 : memref<2704x128xf32, #tpu.memory_space<vmem_shared>>) dst(%arg24 : memref<64x128xf32, #tpu.memory_space<vmem>>)
    %add3A_652 = arith.constant 320 : i32
    %add3A_653 = arith.addi %mul3A_2, %add3A_652 : i32
    %dma_start3A_654 = arith.constant 0 : i32
    %dma_start3A_655 = tpu.memref_slice %arg5[%add3A_653, %dma_start3A_654] : memref<819200x128xf32, #tpu.memory_space<hbm>> -> memref<64x128xf32, #tpu.memory_space<hbm>>
    %dma_start3A_656 = arith.constant 0 : i32
    %dma_start3A_657 = tpu.memref_slice %arg5[%add3A_653, %dma_start3A_656] : memref<819200x128xf32, #tpu.memory_space<hbm>> -> memref<64x128xf32, #tpu.memory_space<hbm>>
    tpu.enqueue_dma source(%arg24 : memref<64x128xf32, #tpu.memory_space<vmem>>) target(%dma_start3A_657 : memref<64x128xf32, #tpu.memory_space<hbm>>) target_semaphore(%arg41 : memref<!tpu.dma_semaphore, #tpu.memory_space<semaphore_mem>>)
    %dma_wait3A_658 = arith.constant 0 : i32
    %dma_wait3A_659 = arith.constant 0 : i32
    %dma_wait3A_660 = tpu.memref_slice %arg6[%dma_wait3A_658, %dma_wait3A_659] : memref<2704x128xf32, #tpu.memory_space<vmem_shared>> -> memref<2704x128xf32, #tpu.memory_space<vmem_shared>>
    tpu.wait_indirect_dma semaphore(%arg34 : memref<!tpu.dma_semaphore, #tpu.memory_space<semaphore_mem>>) src(%dma_wait3A_660 : memref<2704x128xf32, #tpu.memory_space<vmem_shared>>) dst(%arg25 : memref<64x128xf32, #tpu.memory_space<vmem>>)
    %add3A_661 = arith.constant 384 : i32
    %add3A_662 = arith.addi %mul3A_2, %add3A_661 : i32
    %dma_start3A_663 = arith.constant 0 : i32
    %dma_start3A_664 = tpu.memref_slice %arg5[%add3A_662, %dma_start3A_663] : memref<819200x128xf32, #tpu.memory_space<hbm>> -> memref<64x128xf32, #tpu.memory_space<hbm>>
    %dma_start3A_665 = arith.constant 0 : i32
    %dma_start3A_666 = tpu.memref_slice %arg5[%add3A_662, %dma_start3A_665] : memref<819200x128xf32, #tpu.memory_space<hbm>> -> memref<64x128xf32, #tpu.memory_space<hbm>>
    tpu.enqueue_dma source(%arg25 : memref<64x128xf32, #tpu.memory_space<vmem>>) target(%dma_start3A_666 : memref<64x128xf32, #tpu.memory_space<hbm>>) target_semaphore(%arg42 : memref<!tpu.dma_semaphore, #tpu.memory_space<semaphore_mem>>)
    %scan3A = arith.constant 0 : i32
    %scan3A_667 = arith.constant 1 : i32
    %scan3A_668 = arith.constant 49 : i32
    %scan3A_669 = arith.addi %scan3A_667, %scan3A_668 : i32
    %scan3A_670 = arith.constant 1 : i32
    %scan3A_671 = scf.for %scan3A_714 = %scan3A_667 to %scan3A_669 step %scan3A_670 iter_args(%scan3A_715 = %scan3A) -> (i32)  : i32 {
      %mul3A_716 = arith.constant 8 : i32
      %mul3A_717 = arith.muli %scan3A_714, %mul3A_716 : i32
      %add3A_718 = arith.constant 0 : i32
      %add3A_719 = arith.addi %mul3A_717, %add3A_718 : i32
      %dma_wait3A_720 = arith.constant 0 : i32
      %dma_wait3A_721 = tpu.memref_slice %arg5[%mul3A_2, %dma_wait3A_720] : memref<819200x128xf32, #tpu.memory_space<hbm>> -> memref<64x128xf32, #tpu.memory_space<hbm>>
      %dma_wait3A_722 = arith.constant 0 : i32
      %dma_wait3A_723 = tpu.memref_slice %arg5[%mul3A_2, %dma_wait3A_722] : memref<819200x128xf32, #tpu.memory_space<hbm>> -> memref<64x128xf32, #tpu.memory_space<hbm>>
      tpu.wait_dma2 semaphore(%arg36 : memref<!tpu.dma_semaphore, #tpu.memory_space<semaphore_mem>>) src(%arg19 : memref<64x128xf32, #tpu.memory_space<vmem>>) dst(%dma_wait3A_723 : memref<64x128xf32, #tpu.memory_space<hbm>>)
      %mul3A_724 = arith.constant 64 : i32
      %mul3A_725 = arith.muli %add3A_719, %mul3A_724 : i32
      %add3A_726 = arith.constant 0 : i32
      %add3A_727 = arith.addi %mul3A_725, %add3A_726 : i32
      %add3A_728 = arith.addi %mul3A_2, %add3A_727 : i32
      %add3A_729 = vector.broadcast %add3A_728 : i32 to vector<16xi32>
      %add3A_730 = arith.addi %iota3A, %add3A_729 : vector<16xi32>
      %rem3A_731 = arith.constant 200 : i32
      %rem3A_732 = vector.broadcast %rem3A_731 : i32 to vector<16xi32>
      %rem3A_733 = arith.remsi %add3A_730, %rem3A_732 : vector<16xi32>
      %get3A_734 = arith.index_cast %add3A_727 : i32 to index
      %get3A_735 = tpu.vector_load %arg8[%get3A_734] {strides = array<i32>} : memref<25600xi32, #tpu.memory_space<vmem>>, vector<16xi32>,
      %get3A_736 = vector.shape_cast %get3A_735 : vector<16xi32> to vector<16xi32>
      %mul3A_737 = arith.constant 208 : i32
      %mul3A_738 = vector.broadcast %mul3A_737 : i32 to vector<16xi32>
      %mul3A_739 = arith.muli %get3A_736, %mul3A_738 : vector<16xi32>
      %add3A_740 = arith.addi %mul3A_739, %rem3A_733 : vector<16xi32>
      %swap3A_741 = arith.constant 0 : index
      %swap3A_742 = tpu.vector_load %arg11[%swap3A_741] {strides = array<i32>} : memref<64xi32, #tpu.memory_space<vmem>>, vector<16xi32>,
      %swap3A_743 = vector.shape_cast %swap3A_742 : vector<16xi32> to vector<16xi32>
      %swap3A_744 = vector.shape_cast %add3A_740 : vector<16xi32> to vector<16xi32>
      tpu.vector_store %arg11[%swap3A_741], %swap3A_744 {strides = array<i32>} : memref<64xi32, #tpu.memory_space<vmem>>, vector<16xi32>,
      %mul3A_745 = arith.constant 64 : i32
      %mul3A_746 = arith.muli %add3A_719, %mul3A_745 : i32
      %add3A_747 = arith.constant 16 : i32
      %add3A_748 = arith.addi %mul3A_746, %add3A_747 : i32
      %add3A_749 = arith.addi %mul3A_2, %add3A_748 : i32
      %add3A_750 = vector.broadcast %add3A_749 : i32 to vector<16xi32>
      %add3A_751 = arith.addi %iota3A, %add3A_750 : vector<16xi32>
      %rem3A_752 = arith.constant 200 : i32
      %rem3A_753 = vector.broadcast %rem3A_752 : i32 to vector<16xi32>
      %rem3A_754 = arith.remsi %add3A_751, %rem3A_753 : vector<16xi32>
      %get3A_755 = arith.index_cast %add3A_748 : i32 to index
      %get3A_756 = tpu.vector_load %arg8[%get3A_755] {strides = array<i32>} : memref<25600xi32, #tpu.memory_space<vmem>>, vector<16xi32>,
      %get3A_757 = vector.shape_cast %get3A_756 : vector<16xi32> to vector<16xi32>
      %mul3A_758 = arith.constant 208 : i32
      %mul3A_759 = vector.broadcast %mul3A_758 : i32 to vector<16xi32>
      %mul3A_760 = arith.muli %get3A_757, %mul3A_759 : vector<16xi32>
      %add3A_761 = arith.addi %mul3A_760, %rem3A_754 : vector<16xi32>
      %swap3A_762 = arith.constant 16 : index
      %swap3A_763 = tpu.vector_load %arg11[%swap3A_762] {strides = array<i32>} : memref<64xi32, #tpu.memory_space<vmem>>, vector<16xi32>,
      %swap3A_764 = vector.shape_cast %swap3A_763 : vector<16xi32> to vector<16xi32>
      %swap3A_765 = vector.shape_cast %add3A_761 : vector<16xi32> to vector<16xi32>
      tpu.vector_store %arg11[%swap3A_762], %swap3A_765 {strides = array<i32>} : memref<64xi32, #tpu.memory_space<vmem>>, vector<16xi32>,
      %mul3A_766 = arith.constant 64 : i32
      %mul3A_767 = arith.muli %add3A_719, %mul3A_766 : i32
      %add3A_768 = arith.constant 32 : i32
      %add3A_769 = arith.addi %mul3A_767, %add3A_768 : i32
      %add3A_770 = arith.addi %mul3A_2, %add3A_769 : i32
      %add3A_771 = vector.broadcast %add3A_770 : i32 to vector<16xi32>
      %add3A_772 = arith.addi %iota3A, %add3A_771 : vector<16xi32>
      %rem3A_773 = arith.constant 200 : i32
      %rem3A_774 = vector.broadcast %rem3A_773 : i32 to vector<16xi32>
      %rem3A_775 = arith.remsi %add3A_772, %rem3A_774 : vector<16xi32>
      %get3A_776 = arith.index_cast %add3A_769 : i32 to index
      %get3A_777 = tpu.vector_load %arg8[%get3A_776] {strides = array<i32>} : memref<25600xi32, #tpu.memory_space<vmem>>, vector<16xi32>,
      %get3A_778 = vector.shape_cast %get3A_777 : vector<16xi32> to vector<16xi32>
      %mul3A_779 = arith.constant 208 : i32
      %mul3A_780 = vector.broadcast %mul3A_779 : i32 to vector<16xi32>
      %mul3A_781 = arith.muli %get3A_778, %mul3A_780 : vector<16xi32>
      %add3A_782 = arith.addi %mul3A_781, %rem3A_775 : vector<16xi32>
      %swap3A_783 = arith.constant 32 : index
      %swap3A_784 = tpu.vector_load %arg11[%swap3A_783] {strides = array<i32>} : memref<64xi32, #tpu.memory_space<vmem>>, vector<16xi32>,
      %swap3A_785 = vector.shape_cast %swap3A_784 : vector<16xi32> to vector<16xi32>
      %swap3A_786 = vector.shape_cast %add3A_782 : vector<16xi32> to vector<16xi32>
      tpu.vector_store %arg11[%swap3A_783], %swap3A_786 {strides = array<i32>} : memref<64xi32, #tpu.memory_space<vmem>>, vector<16xi32>,
      %mul3A_787 = arith.constant 64 : i32
      %mul3A_788 = arith.muli %add3A_719, %mul3A_787 : i32
      %add3A_789 = arith.constant 48 : i32
      %add3A_790 = arith.addi %mul3A_788, %add3A_789 : i32
      %add3A_791 = arith.addi %mul3A_2, %add3A_790 : i32
      %add3A_792 = vector.broadcast %add3A_791 : i32 to vector<16xi32>
      %add3A_793 = arith.addi %iota3A, %add3A_792 : vector<16xi32>
      %rem3A_794 = arith.constant 200 : i32
      %rem3A_795 = vector.broadcast %rem3A_794 : i32 to vector<16xi32>
      %rem3A_796 = arith.remsi %add3A_793, %rem3A_795 : vector<16xi32>
      %get3A_797 = arith.index_cast %add3A_790 : i32 to index
      %get3A_798 = tpu.vector_load %arg8[%get3A_797] {strides = array<i32>} : memref<25600xi32, #tpu.memory_space<vmem>>, vector<16xi32>,
      %get3A_799 = vector.shape_cast %get3A_798 : vector<16xi32> to vector<16xi32>
      %mul3A_800 = arith.constant 208 : i32
      %mul3A_801 = vector.broadcast %mul3A_800 : i32 to vector<16xi32>
      %mul3A_802 = arith.muli %get3A_799, %mul3A_801 : vector<16xi32>
      %add3A_803 = arith.addi %mul3A_802, %rem3A_796 : vector<16xi32>
      %swap3A_804 = arith.constant 48 : index
      %swap3A_805 = tpu.vector_load %arg11[%swap3A_804] {strides = array<i32>} : memref<64xi32, #tpu.memory_space<vmem>>, vector<16xi32>,
      %swap3A_806 = vector.shape_cast %swap3A_805 : vector<16xi32> to vector<16xi32>
      %swap3A_807 = vector.shape_cast %add3A_803 : vector<16xi32> to vector<16xi32>
      tpu.vector_store %arg11[%swap3A_804], %swap3A_807 {strides = array<i32>} : memref<64xi32, #tpu.memory_space<vmem>>, vector<16xi32>,
      %dma_start3A_808 = arith.constant 0 : i32
      %dma_start3A_809 = arith.constant 0 : i32
      %dma_start3A_810 = tpu.memref_slice %arg6[%dma_start3A_808, %dma_start3A_809] : memref<2704x128xf32, #tpu.memory_space<vmem_shared>> -> memref<2704x128xf32, #tpu.memory_space<vmem_shared>>
      tpu.enqueue_indirect_dma source(%dma_start3A_810 : memref<2704x128xf32, #tpu.memory_space<vmem_shared>>) target(%arg19 : memref<64x128xf32, #tpu.memory_space<vmem>>) offsets(%arg11 : memref<64xi32, #tpu.memory_space<vmem>>) semaphore(%arg28 : memref<!tpu.dma_semaphore, #tpu.memory_space<semaphore_mem>>)
      %dma_wait3A_811 = arith.constant 0 : i32
      %dma_wait3A_812 = arith.constant 0 : i32
      %dma_wait3A_813 = tpu.memref_slice %arg6[%dma_wait3A_811, %dma_wait3A_812] : memref<2704x128xf32, #tpu.memory_space<vmem_shared>> -> memref<2704x128xf32, #tpu.memory_space<vmem_shared>>
      tpu.wait_indirect_dma semaphore(%arg35 : memref<!tpu.dma_semaphore, #tpu.memory_space<semaphore_mem>>) src(%dma_wait3A_813 : memref<2704x128xf32, #tpu.memory_space<vmem_shared>>) dst(%arg26 : memref<64x128xf32, #tpu.memory_space<vmem>>)
      %sub3A = arith.constant 1 : i32
      %sub3A_814 = arith.subi %add3A_719, %sub3A : i32
      %mul3A_815 = arith.constant 64 : i32
      %mul3A_816 = arith.muli %sub3A_814, %mul3A_815 : i32
      %add3A_817 = arith.addi %mul3A_2, %mul3A_816 : i32
      %dma_start3A_818 = arith.constant 0 : i32
      %dma_start3A_819 = tpu.memref_slice %arg5[%add3A_817, %dma_start3A_818] : memref<819200x128xf32, #tpu.memory_space<hbm>> -> memref<64x128xf32, #tpu.memory_space<hbm>>
      %dma_start3A_820 = arith.constant 0 : i32
      %dma_start3A_821 = tpu.memref_slice %arg5[%add3A_817, %dma_start3A_820] : memref<819200x128xf32, #tpu.memory_space<hbm>> -> memref<64x128xf32, #tpu.memory_space<hbm>>
      tpu.enqueue_dma source(%arg26 : memref<64x128xf32, #tpu.memory_space<vmem>>) target(%dma_start3A_821 : memref<64x128xf32, #tpu.memory_space<hbm>>) target_semaphore(%arg43 : memref<!tpu.dma_semaphore, #tpu.memory_space<semaphore_mem>>)
      %mul3A_822 = arith.constant 8 : i32
      %mul3A_823 = arith.muli %scan3A_714, %mul3A_822 : i32
      %add3A_824 = arith.constant 1 : i32
      %add3A_825 = arith.addi %mul3A_823, %add3A_824 : i32
      %dma_wait3A_826 = arith.constant 0 : i32
      %dma_wait3A_827 = tpu.memref_slice %arg5[%mul3A_2, %dma_wait3A_826] : memref<819200x128xf32, #tpu.memory_space<hbm>> -> memref<64x128xf32, #tpu.memory_space<hbm>>
      %dma_wait3A_828 = arith.constant 0 : i32
      %dma_wait3A_829 = tpu.memref_slice %arg5[%mul3A_2, %dma_wait3A_828] : memref<819200x128xf32, #tpu.memory_space<hbm>> -> memref<64x128xf32, #tpu.memory_space<hbm>>
      tpu.wait_dma2 semaphore(%arg37 : memref<!tpu.dma_semaphore, #tpu.memory_space<semaphore_mem>>) src(%arg20 : memref<64x128xf32, #tpu.memory_space<vmem>>) dst(%dma_wait3A_829 : memref<64x128xf32, #tpu.memory_space<hbm>>)
      %mul3A_830 = arith.constant 64 : i32
      %mul3A_831 = arith.muli %add3A_825, %mul3A_830 : i32
      %add3A_832 = arith.constant 0 : i32
      %add3A_833 = arith.addi %mul3A_831, %add3A_832 : i32
      %add3A_834 = arith.addi %mul3A_2, %add3A_833 : i32
      %add3A_835 = vector.broadcast %add3A_834 : i32 to vector<16xi32>
      %add3A_836 = arith.addi %iota3A, %add3A_835 : vector<16xi32>
      %rem3A_837 = arith.constant 200 : i32
      %rem3A_838 = vector.broadcast %rem3A_837 : i32 to vector<16xi32>
      %rem3A_839 = arith.remsi %add3A_836, %rem3A_838 : vector<16xi32>
      %get3A_840 = arith.index_cast %add3A_833 : i32 to index
      %get3A_841 = tpu.vector_load %arg8[%get3A_840] {strides = array<i32>} : memref<25600xi32, #tpu.memory_space<vmem>>, vector<16xi32>,
      %get3A_842 = vector.shape_cast %get3A_841 : vector<16xi32> to vector<16xi32>
      %mul3A_843 = arith.constant 208 : i32
      %mul3A_844 = vector.broadcast %mul3A_843 : i32 to vector<16xi32>
      %mul3A_845 = arith.muli %get3A_842, %mul3A_844 : vector<16xi32>
      %add3A_846 = arith.addi %mul3A_845, %rem3A_839 : vector<16xi32>
      %swap3A_847 = arith.constant 0 : index
      %swap3A_848 = tpu.vector_load %arg12[%swap3A_847] {strides = array<i32>} : memref<64xi32, #tpu.memory_space<vmem>>, vector<16xi32>,
      %swap3A_849 = vector.shape_cast %swap3A_848 : vector<16xi32> to vector<16xi32>
      %swap3A_850 = vector.shape_cast %add3A_846 : vector<16xi32> to vector<16xi32>
      tpu.vector_store %arg12[%swap3A_847], %swap3A_850 {strides = array<i32>} : memref<64xi32, #tpu.memory_space<vmem>>, vector<16xi32>,
      %mul3A_851 = arith.constant 64 : i32
      %mul3A_852 = arith.muli %add3A_825, %mul3A_851 : i32
      %add3A_853 = arith.constant 16 : i32
      %add3A_854 = arith.addi %mul3A_852, %add3A_853 : i32
      %add3A_855 = arith.addi %mul3A_2, %add3A_854 : i32
      %add3A_856 = vector.broadcast %add3A_855 : i32 to vector<16xi32>
      %add3A_857 = arith.addi %iota3A, %add3A_856 : vector<16xi32>
      %rem3A_858 = arith.constant 200 : i32
      %rem3A_859 = vector.broadcast %rem3A_858 : i32 to vector<16xi32>
      %rem3A_860 = arith.remsi %add3A_857, %rem3A_859 : vector<16xi32>
      %get3A_861 = arith.index_cast %add3A_854 : i32 to index
      %get3A_862 = tpu.vector_load %arg8[%get3A_861] {strides = array<i32>} : memref<25600xi32, #tpu.memory_space<vmem>>, vector<16xi32>,
      %get3A_863 = vector.shape_cast %get3A_862 : vector<16xi32> to vector<16xi32>
      %mul3A_864 = arith.constant 208 : i32
      %mul3A_865 = vector.broadcast %mul3A_864 : i32 to vector<16xi32>
      %mul3A_866 = arith.muli %get3A_863, %mul3A_865 : vector<16xi32>
      %add3A_867 = arith.addi %mul3A_866, %rem3A_860 : vector<16xi32>
      %swap3A_868 = arith.constant 16 : index
      %swap3A_869 = tpu.vector_load %arg12[%swap3A_868] {strides = array<i32>} : memref<64xi32, #tpu.memory_space<vmem>>, vector<16xi32>,
      %swap3A_870 = vector.shape_cast %swap3A_869 : vector<16xi32> to vector<16xi32>
      %swap3A_871 = vector.shape_cast %add3A_867 : vector<16xi32> to vector<16xi32>
      tpu.vector_store %arg12[%swap3A_868], %swap3A_871 {strides = array<i32>} : memref<64xi32, #tpu.memory_space<vmem>>, vector<16xi32>,
      %mul3A_872 = arith.constant 64 : i32
      %mul3A_873 = arith.muli %add3A_825, %mul3A_872 : i32
      %add3A_874 = arith.constant 32 : i32
      %add3A_875 = arith.addi %mul3A_873, %add3A_874 : i32
      %add3A_876 = arith.addi %mul3A_2, %add3A_875 : i32
      %add3A_877 = vector.broadcast %add3A_876 : i32 to vector<16xi32>
      %add3A_878 = arith.addi %iota3A, %add3A_877 : vector<16xi32>
      %rem3A_879 = arith.constant 200 : i32
      %rem3A_880 = vector.broadcast %rem3A_879 : i32 to vector<16xi32>
      %rem3A_881 = arith.remsi %add3A_878, %rem3A_880 : vector<16xi32>
      %get3A_882 = arith.index_cast %add3A_875 : i32 to index
      %get3A_883 = tpu.vector_load %arg8[%get3A_882] {strides = array<i32>} : memref<25600xi32, #tpu.memory_space<vmem>>, vector<16xi32>,
      %get3A_884 = vector.shape_cast %get3A_883 : vector<16xi32> to vector<16xi32>
      %mul3A_885 = arith.constant 208 : i32
      %mul3A_886 = vector.broadcast %mul3A_885 : i32 to vector<16xi32>
      %mul3A_887 = arith.muli %get3A_884, %mul3A_886 : vector<16xi32>
      %add3A_888 = arith.addi %mul3A_887, %rem3A_881 : vector<16xi32>
      %swap3A_889 = arith.constant 32 : index
      %swap3A_890 = tpu.vector_load %arg12[%swap3A_889] {strides = array<i32>} : memref<64xi32, #tpu.memory_space<vmem>>, vector<16xi32>,
      %swap3A_891 = vector.shape_cast %swap3A_890 : vector<16xi32> to vector<16xi32>
      %swap3A_892 = vector.shape_cast %add3A_888 : vector<16xi32> to vector<16xi32>
      tpu.vector_store %arg12[%swap3A_889], %swap3A_892 {strides = array<i32>} : memref<64xi32, #tpu.memory_space<vmem>>, vector<16xi32>,
      %mul3A_893 = arith.constant 64 : i32
      %mul3A_894 = arith.muli %add3A_825, %mul3A_893 : i32
      %add3A_895 = arith.constant 48 : i32
      %add3A_896 = arith.addi %mul3A_894, %add3A_895 : i32
      %add3A_897 = arith.addi %mul3A_2, %add3A_896 : i32
      %add3A_898 = vector.broadcast %add3A_897 : i32 to vector<16xi32>
      %add3A_899 = arith.addi %iota3A, %add3A_898 : vector<16xi32>
      %rem3A_900 = arith.constant 200 : i32
      %rem3A_901 = vector.broadcast %rem3A_900 : i32 to vector<16xi32>
      %rem3A_902 = arith.remsi %add3A_899, %rem3A_901 : vector<16xi32>
      %get3A_903 = arith.index_cast %add3A_896 : i32 to index
      %get3A_904 = tpu.vector_load %arg8[%get3A_903] {strides = array<i32>} : memref<25600xi32, #tpu.memory_space<vmem>>, vector<16xi32>,
      %get3A_905 = vector.shape_cast %get3A_904 : vector<16xi32> to vector<16xi32>
      %mul3A_906 = arith.constant 208 : i32
      %mul3A_907 = vector.broadcast %mul3A_906 : i32 to vector<16xi32>
      %mul3A_908 = arith.muli %get3A_905, %mul3A_907 : vector<16xi32>
      %add3A_909 = arith.addi %mul3A_908, %rem3A_902 : vector<16xi32>
      %swap3A_910 = arith.constant 48 : index
      %swap3A_911 = tpu.vector_load %arg12[%swap3A_910] {strides = array<i32>} : memref<64xi32, #tpu.memory_space<vmem>>, vector<16xi32>,
      %swap3A_912 = vector.shape_cast %swap3A_911 : vector<16xi32> to vector<16xi32>
      %swap3A_913 = vector.shape_cast %add3A_909 : vector<16xi32> to vector<16xi32>
      tpu.vector_store %arg12[%swap3A_910], %swap3A_913 {strides = array<i32>} : memref<64xi32, #tpu.memory_space<vmem>>, vector<16xi32>,
      %dma_start3A_914 = arith.constant 0 : i32
      %dma_start3A_915 = arith.constant 0 : i32
      %dma_start3A_916 = tpu.memref_slice %arg6[%dma_start3A_914, %dma_start3A_915] : memref<2704x128xf32, #tpu.memory_space<vmem_shared>> -> memref<2704x128xf32, #tpu.memory_space<vmem_shared>>
      tpu.enqueue_indirect_dma source(%dma_start3A_916 : memref<2704x128xf32, #tpu.memory_space<vmem_shared>>) target(%arg20 : memref<64x128xf32, #tpu.memory_space<vmem>>) offsets(%arg12 : memref<64xi32, #tpu.memory_space<vmem>>) semaphore(%arg29 : memref<!tpu.dma_semaphore, #tpu.memory_space<semaphore_mem>>)
      %dma_wait3A_917 = arith.constant 0 : i32
      %dma_wait3A_918 = arith.constant 0 : i32
      %dma_wait3A_919 = tpu.memref_slice %arg6[%dma_wait3A_917, %dma_wait3A_918] : memref<2704x128xf32, #tpu.memory_space<vmem_shared>> -> memref<2704x128xf32, #tpu.memory_space<vmem_shared>>
      tpu.wait_indirect_dma semaphore(%arg28 : memref<!tpu.dma_semaphore, #tpu.memory_space<semaphore_mem>>) src(%dma_wait3A_919 : memref<2704x128xf32, #tpu.memory_space<vmem_shared>>) dst(%arg19 : memref<64x128xf32, #tpu.memory_space<vmem>>)
      %sub3A_920 = arith.constant 1 : i32
      %sub3A_921 = arith.subi %add3A_825, %sub3A_920 : i32
      %mul3A_922 = arith.constant 64 : i32
      %mul3A_923 = arith.muli %sub3A_921, %mul3A_922 : i32
      %add3A_924 = arith.addi %mul3A_2, %mul3A_923 : i32
      %dma_start3A_925 = arith.constant 0 : i32
      %dma_start3A_926 = tpu.memref_slice %arg5[%add3A_924, %dma_start3A_925] : memref<819200x128xf32, #tpu.memory_space<hbm>> -> memref<64x128xf32, #tpu.memory_space<hbm>>
      %dma_start3A_927 = arith.constant 0 : i32
      %dma_start3A_928 = tpu.memref_slice %arg5[%add3A_924, %dma_start3A_927] : memref<819200x128xf32, #tpu.memory_space<hbm>> -> memref<64x128xf32, #tpu.memory_space<hbm>>
      tpu.enqueue_dma source(%arg19 : memref<64x128xf32, #tpu.memory_space<vmem>>) target(%dma_start3A_928 : memref<64x128xf32, #tpu.memory_space<hbm>>) target_semaphore(%arg36 : memref<!tpu.dma_semaphore, #tpu.memory_space<semaphore_mem>>)
      %mul3A_929 = arith.constant 8 : i32
      %mul3A_930 = arith.muli %scan3A_714, %mul3A_929 : i32
      %add3A_931 = arith.constant 2 : i32
      %add3A_932 = arith.addi %mul3A_930, %add3A_931 : i32
      %dma_wait3A_933 = arith.constant 0 : i32
      %dma_wait3A_934 = tpu.memref_slice %arg5[%mul3A_2, %dma_wait3A_933] : memref<819200x128xf32, #tpu.memory_space<hbm>> -> memref<64x128xf32, #tpu.memory_space<hbm>>
      %dma_wait3A_935 = arith.constant 0 : i32
      %dma_wait3A_936 = tpu.memref_slice %arg5[%mul3A_2, %dma_wait3A_935] : memref<819200x128xf32, #tpu.memory_space<hbm>> -> memref<64x128xf32, #tpu.memory_space<hbm>>
      tpu.wait_dma2 semaphore(%arg38 : memref<!tpu.dma_semaphore, #tpu.memory_space<semaphore_mem>>) src(%arg21 : memref<64x128xf32, #tpu.memory_space<vmem>>) dst(%dma_wait3A_936 : memref<64x128xf32, #tpu.memory_space<hbm>>)
      %mul3A_937 = arith.constant 64 : i32
      %mul3A_938 = arith.muli %add3A_932, %mul3A_937 : i32
      %add3A_939 = arith.constant 0 : i32
      %add3A_940 = arith.addi %mul3A_938, %add3A_939 : i32
      %add3A_941 = arith.addi %mul3A_2, %add3A_940 : i32
      %add3A_942 = vector.broadcast %add3A_941 : i32 to vector<16xi32>
      %add3A_943 = arith.addi %iota3A, %add3A_942 : vector<16xi32>
      %rem3A_944 = arith.constant 200 : i32
      %rem3A_945 = vector.broadcast %rem3A_944 : i32 to vector<16xi32>
      %rem3A_946 = arith.remsi %add3A_943, %rem3A_945 : vector<16xi32>
      %get3A_947 = arith.index_cast %add3A_940 : i32 to index
      %get3A_948 = tpu.vector_load %arg8[%get3A_947] {strides = array<i32>} : memref<25600xi32, #tpu.memory_space<vmem>>, vector<16xi32>,
      %get3A_949 = vector.shape_cast %get3A_948 : vector<16xi32> to vector<16xi32>
      %mul3A_950 = arith.constant 208 : i32
      %mul3A_951 = vector.broadcast %mul3A_950 : i32 to vector<16xi32>
      %mul3A_952 = arith.muli %get3A_949, %mul3A_951 : vector<16xi32>
      %add3A_953 = arith.addi %mul3A_952, %rem3A_946 : vector<16xi32>
      %swap3A_954 = arith.constant 0 : index
      %swap3A_955 = tpu.vector_load %arg13[%swap3A_954] {strides = array<i32>} : memref<64xi32, #tpu.memory_space<vmem>>, vector<16xi32>,
      %swap3A_956 = vector.shape_cast %swap3A_955 : vector<16xi32> to vector<16xi32>
      %swap3A_957 = vector.shape_cast %add3A_953 : vector<16xi32> to vector<16xi32>
      tpu.vector_store %arg13[%swap3A_954], %swap3A_957 {strides = array<i32>} : memref<64xi32, #tpu.memory_space<vmem>>, vector<16xi32>,
      %mul3A_958 = arith.constant 64 : i32
      %mul3A_959 = arith.muli %add3A_932, %mul3A_958 : i32
      %add3A_960 = arith.constant 16 : i32
      %add3A_961 = arith.addi %mul3A_959, %add3A_960 : i32
      %add3A_962 = arith.addi %mul3A_2, %add3A_961 : i32
      %add3A_963 = vector.broadcast %add3A_962 : i32 to vector<16xi32>
      %add3A_964 = arith.addi %iota3A, %add3A_963 : vector<16xi32>
      %rem3A_965 = arith.constant 200 : i32
      %rem3A_966 = vector.broadcast %rem3A_965 : i32 to vector<16xi32>
      %rem3A_967 = arith.remsi %add3A_964, %rem3A_966 : vector<16xi32>
      %get3A_968 = arith.index_cast %add3A_961 : i32 to index
      %get3A_969 = tpu.vector_load %arg8[%get3A_968] {strides = array<i32>} : memref<25600xi32, #tpu.memory_space<vmem>>, vector<16xi32>,
      %get3A_970 = vector.shape_cast %get3A_969 : vector<16xi32> to vector<16xi32>
      %mul3A_971 = arith.constant 208 : i32
      %mul3A_972 = vector.broadcast %mul3A_971 : i32 to vector<16xi32>
      %mul3A_973 = arith.muli %get3A_970, %mul3A_972 : vector<16xi32>
      %add3A_974 = arith.addi %mul3A_973, %rem3A_967 : vector<16xi32>
      %swap3A_975 = arith.constant 16 : index
      %swap3A_976 = tpu.vector_load %arg13[%swap3A_975] {strides = array<i32>} : memref<64xi32, #tpu.memory_space<vmem>>, vector<16xi32>,
      %swap3A_977 = vector.shape_cast %swap3A_976 : vector<16xi32> to vector<16xi32>
      %swap3A_978 = vector.shape_cast %add3A_974 : vector<16xi32> to vector<16xi32>
      tpu.vector_store %arg13[%swap3A_975], %swap3A_978 {strides = array<i32>} : memref<64xi32, #tpu.memory_space<vmem>>, vector<16xi32>,
      %mul3A_979 = arith.constant 64 : i32
      %mul3A_980 = arith.muli %add3A_932, %mul3A_979 : i32
      %add3A_981 = arith.constant 32 : i32
      %add3A_982 = arith.addi %mul3A_980, %add3A_981 : i32
      %add3A_983 = arith.addi %mul3A_2, %add3A_982 : i32
      %add3A_984 = vector.broadcast %add3A_983 : i32 to vector<16xi32>
      %add3A_985 = arith.addi %iota3A, %add3A_984 : vector<16xi32>
      %rem3A_986 = arith.constant 200 : i32
      %rem3A_987 = vector.broadcast %rem3A_986 : i32 to vector<16xi32>
      %rem3A_988 = arith.remsi %add3A_985, %rem3A_987 : vector<16xi32>
      %get3A_989 = arith.index_cast %add3A_982 : i32 to index
      %get3A_990 = tpu.vector_load %arg8[%get3A_989] {strides = array<i32>} : memref<25600xi32, #tpu.memory_space<vmem>>, vector<16xi32>,
      %get3A_991 = vector.shape_cast %get3A_990 : vector<16xi32> to vector<16xi32>
      %mul3A_992 = arith.constant 208 : i32
      %mul3A_993 = vector.broadcast %mul3A_992 : i32 to vector<16xi32>
      %mul3A_994 = arith.muli %get3A_991, %mul3A_993 : vector<16xi32>
      %add3A_995 = arith.addi %mul3A_994, %rem3A_988 : vector<16xi32>
      %swap3A_996 = arith.constant 32 : index
      %swap3A_997 = tpu.vector_load %arg13[%swap3A_996] {strides = array<i32>} : memref<64xi32, #tpu.memory_space<vmem>>, vector<16xi32>,
      %swap3A_998 = vector.shape_cast %swap3A_997 : vector<16xi32> to vector<16xi32>
      %swap3A_999 = vector.shape_cast %add3A_995 : vector<16xi32> to vector<16xi32>
      tpu.vector_store %arg13[%swap3A_996], %swap3A_999 {strides = array<i32>} : memref<64xi32, #tpu.memory_space<vmem>>, vector<16xi32>,
      %mul3A_1000 = arith.constant 64 : i32
      %mul3A_1001 = arith.muli %add3A_932, %mul3A_1000 : i32
      %add3A_1002 = arith.constant 48 : i32
      %add3A_1003 = arith.addi %mul3A_1001, %add3A_1002 : i32
      %add3A_1004 = arith.addi %mul3A_2, %add3A_1003 : i32
      %add3A_1005 = vector.broadcast %add3A_1004 : i32 to vector<16xi32>
      %add3A_1006 = arith.addi %iota3A, %add3A_1005 : vector<16xi32>
      %rem3A_1007 = arith.constant 200 : i32
      %rem3A_1008 = vector.broadcast %rem3A_1007 : i32 to vector<16xi32>
      %rem3A_1009 = arith.remsi %add3A_1006, %rem3A_1008 : vector<16xi32>
      %get3A_1010 = arith.index_cast %add3A_1003 : i32 to index
      %get3A_1011 = tpu.vector_load %arg8[%get3A_1010] {strides = array<i32>} : memref<25600xi32, #tpu.memory_space<vmem>>, vector<16xi32>,
      %get3A_1012 = vector.shape_cast %get3A_1011 : vector<16xi32> to vector<16xi32>
      %mul3A_1013 = arith.constant 208 : i32
      %mul3A_1014 = vector.broadcast %mul3A_1013 : i32 to vector<16xi32>
      %mul3A_1015 = arith.muli %get3A_1012, %mul3A_1014 : vector<16xi32>
      %add3A_1016 = arith.addi %mul3A_1015, %rem3A_1009 : vector<16xi32>
      %swap3A_1017 = arith.constant 48 : index
      %swap3A_1018 = tpu.vector_load %arg13[%swap3A_1017] {strides = array<i32>} : memref<64xi32, #tpu.memory_space<vmem>>, vector<16xi32>,
      %swap3A_1019 = vector.shape_cast %swap3A_1018 : vector<16xi32> to vector<16xi32>
      %swap3A_1020 = vector.shape_cast %add3A_1016 : vector<16xi32> to vector<16xi32>
      tpu.vector_store %arg13[%swap3A_1017], %swap3A_1020 {strides = array<i32>} : memref<64xi32, #tpu.memory_space<vmem>>, vector<16xi32>,
      %dma_start3A_1021 = arith.constant 0 : i32
      %dma_start3A_1022 = arith.constant 0 : i32
      %dma_start3A_1023 = tpu.memref_slice %arg6[%dma_start3A_1021, %dma_start3A_1022] : memref<2704x128xf32, #tpu.memory_space<vmem_shared>> -> memref<2704x128xf32, #tpu.memory_space<vmem_shared>>
      tpu.enqueue_indirect_dma source(%dma_start3A_1023 : memref<2704x128xf32, #tpu.memory_space<vmem_shared>>) target(%arg21 : memref<64x128xf32, #tpu.memory_space<vmem>>) offsets(%arg13 : memref<64xi32, #tpu.memory_space<vmem>>) semaphore(%arg30 : memref<!tpu.dma_semaphore, #tpu.memory_space<semaphore_mem>>)
      %dma_wait3A_1024 = arith.constant 0 : i32
      %dma_wait3A_1025 = arith.constant 0 : i32
      %dma_wait3A_1026 = tpu.memref_slice %arg6[%dma_wait3A_1024, %dma_wait3A_1025] : memref<2704x128xf32, #tpu.memory_space<vmem_shared>> -> memref<2704x128xf32, #tpu.memory_space<vmem_shared>>
      tpu.wait_indirect_dma semaphore(%arg29 : memref<!tpu.dma_semaphore, #tpu.memory_space<semaphore_mem>>) src(%dma_wait3A_1026 : memref<2704x128xf32, #tpu.memory_space<vmem_shared>>) dst(%arg20 : memref<64x128xf32, #tpu.memory_space<vmem>>)
      %sub3A_1027 = arith.constant 1 : i32
      %sub3A_1028 = arith.subi %add3A_932, %sub3A_1027 : i32
      %mul3A_1029 = arith.constant 64 : i32
      %mul3A_1030 = arith.muli %sub3A_1028, %mul3A_1029 : i32
      %add3A_1031 = arith.addi %mul3A_2, %mul3A_1030 : i32
      %dma_start3A_1032 = arith.constant 0 : i32
      %dma_start3A_1033 = tpu.memref_slice %arg5[%add3A_1031, %dma_start3A_1032] : memref<819200x128xf32, #tpu.memory_space<hbm>> -> memref<64x128xf32, #tpu.memory_space<hbm>>
      %dma_start3A_1034 = arith.constant 0 : i32
      %dma_start3A_1035 = tpu.memref_slice %arg5[%add3A_1031, %dma_start3A_1034] : memref<819200x128xf32, #tpu.memory_space<hbm>> -> memref<64x128xf32, #tpu.memory_space<hbm>>
      tpu.enqueue_dma source(%arg20 : memref<64x128xf32, #tpu.memory_space<vmem>>) target(%dma_start3A_1035 : memref<64x128xf32, #tpu.memory_space<hbm>>) target_semaphore(%arg37 : memref<!tpu.dma_semaphore, #tpu.memory_space<semaphore_mem>>)
      %mul3A_1036 = arith.constant 8 : i32
      %mul3A_1037 = arith.muli %scan3A_714, %mul3A_1036 : i32
      %add3A_1038 = arith.constant 3 : i32
      %add3A_1039 = arith.addi %mul3A_1037, %add3A_1038 : i32
      %dma_wait3A_1040 = arith.constant 0 : i32
      %dma_wait3A_1041 = tpu.memref_slice %arg5[%mul3A_2, %dma_wait3A_1040] : memref<819200x128xf32, #tpu.memory_space<hbm>> -> memref<64x128xf32, #tpu.memory_space<hbm>>
      %dma_wait3A_1042 = arith.constant 0 : i32
      %dma_wait3A_1043 = tpu.memref_slice %arg5[%mul3A_2, %dma_wait3A_1042] : memref<819200x128xf32, #tpu.memory_space<hbm>> -> memref<64x128xf32, #tpu.memory_space<hbm>>
      tpu.wait_dma2 semaphore(%arg39 : memref<!tpu.dma_semaphore, #tpu.memory_space<semaphore_mem>>) src(%arg22 : memref<64x128xf32, #tpu.memory_space<vmem>>) dst(%dma_wait3A_1043 : memref<64x128xf32, #tpu.memory_space<hbm>>)
      %mul3A_1044 = arith.constant 64 : i32
      %mul3A_1045 = arith.muli %add3A_1039, %mul3A_1044 : i32
      %add3A_1046 = arith.constant 0 : i32
      %add3A_1047 = arith.addi %mul3A_1045, %add3A_1046 : i32
      %add3A_1048 = arith.addi %mul3A_2, %add3A_1047 : i32
      %add3A_1049 = vector.broadcast %add3A_1048 : i32 to vector<16xi32>
      %add3A_1050 = arith.addi %iota3A, %add3A_1049 : vector<16xi32>
      %rem3A_1051 = arith.constant 200 : i32
      %rem3A_1052 = vector.broadcast %rem3A_1051 : i32 to vector<16xi32>
      %rem3A_1053 = arith.remsi %add3A_1050, %rem3A_1052 : vector<16xi32>
      %get3A_1054 = arith.index_cast %add3A_1047 : i32 to index
      %get3A_1055 = tpu.vector_load %arg8[%get3A_1054] {strides = array<i32>} : memref<25600xi32, #tpu.memory_space<vmem>>, vector<16xi32>,
      %get3A_1056 = vector.shape_cast %get3A_1055 : vector<16xi32> to vector<16xi32>
      %mul3A_1057 = arith.constant 208 : i32
      %mul3A_1058 = vector.broadcast %mul3A_1057 : i32 to vector<16xi32>
      %mul3A_1059 = arith.muli %get3A_1056, %mul3A_1058 : vector<16xi32>
      %add3A_1060 = arith.addi %mul3A_1059, %rem3A_1053 : vector<16xi32>
      %swap3A_1061 = arith.constant 0 : index
      %swap3A_1062 = tpu.vector_load %arg14[%swap3A_1061] {strides = array<i32>} : memref<64xi32, #tpu.memory_space<vmem>>, vector<16xi32>,
      %swap3A_1063 = vector.shape_cast %swap3A_1062 : vector<16xi32> to vector<16xi32>
      %swap3A_1064 = vector.shape_cast %add3A_1060 : vector<16xi32> to vector<16xi32>
      tpu.vector_store %arg14[%swap3A_1061], %swap3A_1064 {strides = array<i32>} : memref<64xi32, #tpu.memory_space<vmem>>, vector<16xi32>,
      %mul3A_1065 = arith.constant 64 : i32
      %mul3A_1066 = arith.muli %add3A_1039, %mul3A_1065 : i32
      %add3A_1067 = arith.constant 16 : i32
      %add3A_1068 = arith.addi %mul3A_1066, %add3A_1067 : i32
      %add3A_1069 = arith.addi %mul3A_2, %add3A_1068 : i32
      %add3A_1070 = vector.broadcast %add3A_1069 : i32 to vector<16xi32>
      %add3A_1071 = arith.addi %iota3A, %add3A_1070 : vector<16xi32>
      %rem3A_1072 = arith.constant 200 : i32
      %rem3A_1073 = vector.broadcast %rem3A_1072 : i32 to vector<16xi32>
      %rem3A_1074 = arith.remsi %add3A_1071, %rem3A_1073 : vector<16xi32>
      %get3A_1075 = arith.index_cast %add3A_1068 : i32 to index
      %get3A_1076 = tpu.vector_load %arg8[%get3A_1075] {strides = array<i32>} : memref<25600xi32, #tpu.memory_space<vmem>>, vector<16xi32>,
      %get3A_1077 = vector.shape_cast %get3A_1076 : vector<16xi32> to vector<16xi32>
      %mul3A_1078 = arith.constant 208 : i32
      %mul3A_1079 = vector.broadcast %mul3A_1078 : i32 to vector<16xi32>
      %mul3A_1080 = arith.muli %get3A_1077, %mul3A_1079 : vector<16xi32>
      %add3A_1081 = arith.addi %mul3A_1080, %rem3A_1074 : vector<16xi32>
      %swap3A_1082 = arith.constant 16 : index
      %swap3A_1083 = tpu.vector_load %arg14[%swap3A_1082] {strides = array<i32>} : memref<64xi32, #tpu.memory_space<vmem>>, vector<16xi32>,
      %swap3A_1084 = vector.shape_cast %swap3A_1083 : vector<16xi32> to vector<16xi32>
      %swap3A_1085 = vector.shape_cast %add3A_1081 : vector<16xi32> to vector<16xi32>
      tpu.vector_store %arg14[%swap3A_1082], %swap3A_1085 {strides = array<i32>} : memref<64xi32, #tpu.memory_space<vmem>>, vector<16xi32>,
      %mul3A_1086 = arith.constant 64 : i32
      %mul3A_1087 = arith.muli %add3A_1039, %mul3A_1086 : i32
      %add3A_1088 = arith.constant 32 : i32
      %add3A_1089 = arith.addi %mul3A_1087, %add3A_1088 : i32
      %add3A_1090 = arith.addi %mul3A_2, %add3A_1089 : i32
      %add3A_1091 = vector.broadcast %add3A_1090 : i32 to vector<16xi32>
      %add3A_1092 = arith.addi %iota3A, %add3A_1091 : vector<16xi32>
      %rem3A_1093 = arith.constant 200 : i32
      %rem3A_1094 = vector.broadcast %rem3A_1093 : i32 to vector<16xi32>
      %rem3A_1095 = arith.remsi %add3A_1092, %rem3A_1094 : vector<16xi32>
      %get3A_1096 = arith.index_cast %add3A_1089 : i32 to index
      %get3A_1097 = tpu.vector_load %arg8[%get3A_1096] {strides = array<i32>} : memref<25600xi32, #tpu.memory_space<vmem>>, vector<16xi32>,
      %get3A_1098 = vector.shape_cast %get3A_1097 : vector<16xi32> to vector<16xi32>
      %mul3A_1099 = arith.constant 208 : i32
      %mul3A_1100 = vector.broadcast %mul3A_1099 : i32 to vector<16xi32>
      %mul3A_1101 = arith.muli %get3A_1098, %mul3A_1100 : vector<16xi32>
      %add3A_1102 = arith.addi %mul3A_1101, %rem3A_1095 : vector<16xi32>
      %swap3A_1103 = arith.constant 32 : index
      %swap3A_1104 = tpu.vector_load %arg14[%swap3A_1103] {strides = array<i32>} : memref<64xi32, #tpu.memory_space<vmem>>, vector<16xi32>,
      %swap3A_1105 = vector.shape_cast %swap3A_1104 : vector<16xi32> to vector<16xi32>
      %swap3A_1106 = vector.shape_cast %add3A_1102 : vector<16xi32> to vector<16xi32>
      tpu.vector_store %arg14[%swap3A_1103], %swap3A_1106 {strides = array<i32>} : memref<64xi32, #tpu.memory_space<vmem>>, vector<16xi32>,
      %mul3A_1107 = arith.constant 64 : i32
      %mul3A_1108 = arith.muli %add3A_1039, %mul3A_1107 : i32
      %add3A_1109 = arith.constant 48 : i32
      %add3A_1110 = arith.addi %mul3A_1108, %add3A_1109 : i32
      %add3A_1111 = arith.addi %mul3A_2, %add3A_1110 : i32
      %add3A_1112 = vector.broadcast %add3A_1111 : i32 to vector<16xi32>
      %add3A_1113 = arith.addi %iota3A, %add3A_1112 : vector<16xi32>
      %rem3A_1114 = arith.constant 200 : i32
      %rem3A_1115 = vector.broadcast %rem3A_1114 : i32 to vector<16xi32>
      %rem3A_1116 = arith.remsi %add3A_1113, %rem3A_1115 : vector<16xi32>
      %get3A_1117 = arith.index_cast %add3A_1110 : i32 to index
      %get3A_1118 = tpu.vector_load %arg8[%get3A_1117] {strides = array<i32>} : memref<25600xi32, #tpu.memory_space<vmem>>, vector<16xi32>,
      %get3A_1119 = vector.shape_cast %get3A_1118 : vector<16xi32> to vector<16xi32>
      %mul3A_1120 = arith.constant 208 : i32
      %mul3A_1121 = vector.broadcast %mul3A_1120 : i32 to vector<16xi32>
      %mul3A_1122 = arith.muli %get3A_1119, %mul3A_1121 : vector<16xi32>
      %add3A_1123 = arith.addi %mul3A_1122, %rem3A_1116 : vector<16xi32>
      %swap3A_1124 = arith.constant 48 : index
      %swap3A_1125 = tpu.vector_load %arg14[%swap3A_1124] {strides = array<i32>} : memref<64xi32, #tpu.memory_space<vmem>>, vector<16xi32>,
      %swap3A_1126 = vector.shape_cast %swap3A_1125 : vector<16xi32> to vector<16xi32>
      %swap3A_1127 = vector.shape_cast %add3A_1123 : vector<16xi32> to vector<16xi32>
      tpu.vector_store %arg14[%swap3A_1124], %swap3A_1127 {strides = array<i32>} : memref<64xi32, #tpu.memory_space<vmem>>, vector<16xi32>,
      %dma_start3A_1128 = arith.constant 0 : i32
      %dma_start3A_1129 = arith.constant 0 : i32
      %dma_start3A_1130 = tpu.memref_slice %arg6[%dma_start3A_1128, %dma_start3A_1129] : memref<2704x128xf32, #tpu.memory_space<vmem_shared>> -> memref<2704x128xf32, #tpu.memory_space<vmem_shared>>
      tpu.enqueue_indirect_dma source(%dma_start3A_1130 : memref<2704x128xf32, #tpu.memory_space<vmem_shared>>) target(%arg22 : memref<64x128xf32, #tpu.memory_space<vmem>>) offsets(%arg14 : memref<64xi32, #tpu.memory_space<vmem>>) semaphore(%arg31 : memref<!tpu.dma_semaphore, #tpu.memory_space<semaphore_mem>>)
      %dma_wait3A_1131 = arith.constant 0 : i32
      %dma_wait3A_1132 = arith.constant 0 : i32
      %dma_wait3A_1133 = tpu.memref_slice %arg6[%dma_wait3A_1131, %dma_wait3A_1132] : memref<2704x128xf32, #tpu.memory_space<vmem_shared>> -> memref<2704x128xf32, #tpu.memory_space<vmem_shared>>
      tpu.wait_indirect_dma semaphore(%arg30 : memref<!tpu.dma_semaphore, #tpu.memory_space<semaphore_mem>>) src(%dma_wait3A_1133 : memref<2704x128xf32, #tpu.memory_space<vmem_shared>>) dst(%arg21 : memref<64x128xf32, #tpu.memory_space<vmem>>)
      %sub3A_1134 = arith.constant 1 : i32
      %sub3A_1135 = arith.subi %add3A_1039, %sub3A_1134 : i32
      %mul3A_1136 = arith.constant 64 : i32
      %mul3A_1137 = arith.muli %sub3A_1135, %mul3A_1136 : i32
      %add3A_1138 = arith.addi %mul3A_2, %mul3A_1137 : i32
      %dma_start3A_1139 = arith.constant 0 : i32
      %dma_start3A_1140 = tpu.memref_slice %arg5[%add3A_1138, %dma_start3A_1139] : memref<819200x128xf32, #tpu.memory_space<hbm>> -> memref<64x128xf32, #tpu.memory_space<hbm>>
      %dma_start3A_1141 = arith.constant 0 : i32
      %dma_start3A_1142 = tpu.memref_slice %arg5[%add3A_1138, %dma_start3A_1141] : memref<819200x128xf32, #tpu.memory_space<hbm>> -> memref<64x128xf32, #tpu.memory_space<hbm>>
      tpu.enqueue_dma source(%arg21 : memref<64x128xf32, #tpu.memory_space<vmem>>) target(%dma_start3A_1142 : memref<64x128xf32, #tpu.memory_space<hbm>>) target_semaphore(%arg38 : memref<!tpu.dma_semaphore, #tpu.memory_space<semaphore_mem>>)
      %mul3A_1143 = arith.constant 8 : i32
      %mul3A_1144 = arith.muli %scan3A_714, %mul3A_1143 : i32
      %add3A_1145 = arith.constant 4 : i32
      %add3A_1146 = arith.addi %mul3A_1144, %add3A_1145 : i32
      %dma_wait3A_1147 = arith.constant 0 : i32
      %dma_wait3A_1148 = tpu.memref_slice %arg5[%mul3A_2, %dma_wait3A_1147] : memref<819200x128xf32, #tpu.memory_space<hbm>> -> memref<64x128xf32, #tpu.memory_space<hbm>>
      %dma_wait3A_1149 = arith.constant 0 : i32
      %dma_wait3A_1150 = tpu.memref_slice %arg5[%mul3A_2, %dma_wait3A_1149] : memref<819200x128xf32, #tpu.memory_space<hbm>> -> memref<64x128xf32, #tpu.memory_space<hbm>>
      tpu.wait_dma2 semaphore(%arg40 : memref<!tpu.dma_semaphore, #tpu.memory_space<semaphore_mem>>) src(%arg23 : memref<64x128xf32, #tpu.memory_space<vmem>>) dst(%dma_wait3A_1150 : memref<64x128xf32, #tpu.memory_space<hbm>>)
      %mul3A_1151 = arith.constant 64 : i32
      %mul3A_1152 = arith.muli %add3A_1146, %mul3A_1151 : i32
      %add3A_1153 = arith.constant 0 : i32
      %add3A_1154 = arith.addi %mul3A_1152, %add3A_1153 : i32
      %add3A_1155 = arith.addi %mul3A_2, %add3A_1154 : i32
      %add3A_1156 = vector.broadcast %add3A_1155 : i32 to vector<16xi32>
      %add3A_1157 = arith.addi %iota3A, %add3A_1156 : vector<16xi32>
      %rem3A_1158 = arith.constant 200 : i32
      %rem3A_1159 = vector.broadcast %rem3A_1158 : i32 to vector<16xi32>
      %rem3A_1160 = arith.remsi %add3A_1157, %rem3A_1159 : vector<16xi32>
      %get3A_1161 = arith.index_cast %add3A_1154 : i32 to index
      %get3A_1162 = tpu.vector_load %arg8[%get3A_1161] {strides = array<i32>} : memref<25600xi32, #tpu.memory_space<vmem>>, vector<16xi32>,
      %get3A_1163 = vector.shape_cast %get3A_1162 : vector<16xi32> to vector<16xi32>
      %mul3A_1164 = arith.constant 208 : i32
      %mul3A_1165 = vector.broadcast %mul3A_1164 : i32 to vector<16xi32>
      %mul3A_1166 = arith.muli %get3A_1163, %mul3A_1165 : vector<16xi32>
      %add3A_1167 = arith.addi %mul3A_1166, %rem3A_1160 : vector<16xi32>
      %swap3A_1168 = arith.constant 0 : index
      %swap3A_1169 = tpu.vector_load %arg15[%swap3A_1168] {strides = array<i32>} : memref<64xi32, #tpu.memory_space<vmem>>, vector<16xi32>,
      %swap3A_1170 = vector.shape_cast %swap3A_1169 : vector<16xi32> to vector<16xi32>
      %swap3A_1171 = vector.shape_cast %add3A_1167 : vector<16xi32> to vector<16xi32>
      tpu.vector_store %arg15[%swap3A_1168], %swap3A_1171 {strides = array<i32>} : memref<64xi32, #tpu.memory_space<vmem>>, vector<16xi32>,
      %mul3A_1172 = arith.constant 64 : i32
      %mul3A_1173 = arith.muli %add3A_1146, %mul3A_1172 : i32
      %add3A_1174 = arith.constant 16 : i32
      %add3A_1175 = arith.addi %mul3A_1173, %add3A_1174 : i32
      %add3A_1176 = arith.addi %mul3A_2, %add3A_1175 : i32
      %add3A_1177 = vector.broadcast %add3A_1176 : i32 to vector<16xi32>
      %add3A_1178 = arith.addi %iota3A, %add3A_1177 : vector<16xi32>
      %rem3A_1179 = arith.constant 200 : i32
      %rem3A_1180 = vector.broadcast %rem3A_1179 : i32 to vector<16xi32>
      %rem3A_1181 = arith.remsi %add3A_1178, %rem3A_1180 : vector<16xi32>
      %get3A_1182 = arith.index_cast %add3A_1175 : i32 to index
      %get3A_1183 = tpu.vector_load %arg8[%get3A_1182] {strides = array<i32>} : memref<25600xi32, #tpu.memory_space<vmem>>, vector<16xi32>,
      %get3A_1184 = vector.shape_cast %get3A_1183 : vector<16xi32> to vector<16xi32>
      %mul3A_1185 = arith.constant 208 : i32
      %mul3A_1186 = vector.broadcast %mul3A_1185 : i32 to vector<16xi32>
      %mul3A_1187 = arith.muli %get3A_1184, %mul3A_1186 : vector<16xi32>
      %add3A_1188 = arith.addi %mul3A_1187, %rem3A_1181 : vector<16xi32>
      %swap3A_1189 = arith.constant 16 : index
      %swap3A_1190 = tpu.vector_load %arg15[%swap3A_1189] {strides = array<i32>} : memref<64xi32, #tpu.memory_space<vmem>>, vector<16xi32>,
      %swap3A_1191 = vector.shape_cast %swap3A_1190 : vector<16xi32> to vector<16xi32>
      %swap3A_1192 = vector.shape_cast %add3A_1188 : vector<16xi32> to vector<16xi32>
      tpu.vector_store %arg15[%swap3A_1189], %swap3A_1192 {strides = array<i32>} : memref<64xi32, #tpu.memory_space<vmem>>, vector<16xi32>,
      %mul3A_1193 = arith.constant 64 : i32
      %mul3A_1194 = arith.muli %add3A_1146, %mul3A_1193 : i32
      %add3A_1195 = arith.constant 32 : i32
      %add3A_1196 = arith.addi %mul3A_1194, %add3A_1195 : i32
      %add3A_1197 = arith.addi %mul3A_2, %add3A_1196 : i32
      %add3A_1198 = vector.broadcast %add3A_1197 : i32 to vector<16xi32>
      %add3A_1199 = arith.addi %iota3A, %add3A_1198 : vector<16xi32>
      %rem3A_1200 = arith.constant 200 : i32
      %rem3A_1201 = vector.broadcast %rem3A_1200 : i32 to vector<16xi32>
      %rem3A_1202 = arith.remsi %add3A_1199, %rem3A_1201 : vector<16xi32>
      %get3A_1203 = arith.index_cast %add3A_1196 : i32 to index
      %get3A_1204 = tpu.vector_load %arg8[%get3A_1203] {strides = array<i32>} : memref<25600xi32, #tpu.memory_space<vmem>>, vector<16xi32>,
      %get3A_1205 = vector.shape_cast %get3A_1204 : vector<16xi32> to vector<16xi32>
      %mul3A_1206 = arith.constant 208 : i32
      %mul3A_1207 = vector.broadcast %mul3A_1206 : i32 to vector<16xi32>
      %mul3A_1208 = arith.muli %get3A_1205, %mul3A_1207 : vector<16xi32>
      %add3A_1209 = arith.addi %mul3A_1208, %rem3A_1202 : vector<16xi32>
      %swap3A_1210 = arith.constant 32 : index
      %swap3A_1211 = tpu.vector_load %arg15[%swap3A_1210] {strides = array<i32>} : memref<64xi32, #tpu.memory_space<vmem>>, vector<16xi32>,
      %swap3A_1212 = vector.shape_cast %swap3A_1211 : vector<16xi32> to vector<16xi32>
      %swap3A_1213 = vector.shape_cast %add3A_1209 : vector<16xi32> to vector<16xi32>
      tpu.vector_store %arg15[%swap3A_1210], %swap3A_1213 {strides = array<i32>} : memref<64xi32, #tpu.memory_space<vmem>>, vector<16xi32>,
      %mul3A_1214 = arith.constant 64 : i32
      %mul3A_1215 = arith.muli %add3A_1146, %mul3A_1214 : i32
      %add3A_1216 = arith.constant 48 : i32
      %add3A_1217 = arith.addi %mul3A_1215, %add3A_1216 : i32
      %add3A_1218 = arith.addi %mul3A_2, %add3A_1217 : i32
      %add3A_1219 = vector.broadcast %add3A_1218 : i32 to vector<16xi32>
      %add3A_1220 = arith.addi %iota3A, %add3A_1219 : vector<16xi32>
      %rem3A_1221 = arith.constant 200 : i32
      %rem3A_1222 = vector.broadcast %rem3A_1221 : i32 to vector<16xi32>
      %rem3A_1223 = arith.remsi %add3A_1220, %rem3A_1222 : vector<16xi32>
      %get3A_1224 = arith.index_cast %add3A_1217 : i32 to index
      %get3A_1225 = tpu.vector_load %arg8[%get3A_1224] {strides = array<i32>} : memref<25600xi32, #tpu.memory_space<vmem>>, vector<16xi32>,
      %get3A_1226 = vector.shape_cast %get3A_1225 : vector<16xi32> to vector<16xi32>
      %mul3A_1227 = arith.constant 208 : i32
      %mul3A_1228 = vector.broadcast %mul3A_1227 : i32 to vector<16xi32>
      %mul3A_1229 = arith.muli %get3A_1226, %mul3A_1228 : vector<16xi32>
      %add3A_1230 = arith.addi %mul3A_1229, %rem3A_1223 : vector<16xi32>
      %swap3A_1231 = arith.constant 48 : index
      %swap3A_1232 = tpu.vector_load %arg15[%swap3A_1231] {strides = array<i32>} : memref<64xi32, #tpu.memory_space<vmem>>, vector<16xi32>,
      %swap3A_1233 = vector.shape_cast %swap3A_1232 : vector<16xi32> to vector<16xi32>
      %swap3A_1234 = vector.shape_cast %add3A_1230 : vector<16xi32> to vector<16xi32>
      tpu.vector_store %arg15[%swap3A_1231], %swap3A_1234 {strides = array<i32>} : memref<64xi32, #tpu.memory_space<vmem>>, vector<16xi32>,
      %dma_start3A_1235 = arith.constant 0 : i32
      %dma_start3A_1236 = arith.constant 0 : i32
      %dma_start3A_1237 = tpu.memref_slice %arg6[%dma_start3A_1235, %dma_start3A_1236] : memref<2704x128xf32, #tpu.memory_space<vmem_shared>> -> memref<2704x128xf32, #tpu.memory_space<vmem_shared>>
      tpu.enqueue_indirect_dma source(%dma_start3A_1237 : memref<2704x128xf32, #tpu.memory_space<vmem_shared>>) target(%arg23 : memref<64x128xf32, #tpu.memory_space<vmem>>) offsets(%arg15 : memref<64xi32, #tpu.memory_space<vmem>>) semaphore(%arg32 : memref<!tpu.dma_semaphore, #tpu.memory_space<semaphore_mem>>)
      %dma_wait3A_1238 = arith.constant 0 : i32
      %dma_wait3A_1239 = arith.constant 0 : i32
      %dma_wait3A_1240 = tpu.memref_slice %arg6[%dma_wait3A_1238, %dma_wait3A_1239] : memref<2704x128xf32, #tpu.memory_space<vmem_shared>> -> memref<2704x128xf32, #tpu.memory_space<vmem_shared>>
      tpu.wait_indirect_dma semaphore(%arg31 : memref<!tpu.dma_semaphore, #tpu.memory_space<semaphore_mem>>) src(%dma_wait3A_1240 : memref<2704x128xf32, #tpu.memory_space<vmem_shared>>) dst(%arg22 : memref<64x128xf32, #tpu.memory_space<vmem>>)
      %sub3A_1241 = arith.constant 1 : i32
      %sub3A_1242 = arith.subi %add3A_1146, %sub3A_1241 : i32
      %mul3A_1243 = arith.constant 64 : i32
      %mul3A_1244 = arith.muli %sub3A_1242, %mul3A_1243 : i32
      %add3A_1245 = arith.addi %mul3A_2, %mul3A_1244 : i32
      %dma_start3A_1246 = arith.constant 0 : i32
      %dma_start3A_1247 = tpu.memref_slice %arg5[%add3A_1245, %dma_start3A_1246] : memref<819200x128xf32, #tpu.memory_space<hbm>> -> memref<64x128xf32, #tpu.memory_space<hbm>>
      %dma_start3A_1248 = arith.constant 0 : i32
      %dma_start3A_1249 = tpu.memref_slice %arg5[%add3A_1245, %dma_start3A_1248] : memref<819200x128xf32, #tpu.memory_space<hbm>> -> memref<64x128xf32, #tpu.memory_space<hbm>>
      tpu.enqueue_dma source(%arg22 : memref<64x128xf32, #tpu.memory_space<vmem>>) target(%dma_start3A_1249 : memref<64x128xf32, #tpu.memory_space<hbm>>) target_semaphore(%arg39 : memref<!tpu.dma_semaphore, #tpu.memory_space<semaphore_mem>>)
      %mul3A_1250 = arith.constant 8 : i32
      %mul3A_1251 = arith.muli %scan3A_714, %mul3A_1250 : i32
      %add3A_1252 = arith.constant 5 : i32
      %add3A_1253 = arith.addi %mul3A_1251, %add3A_1252 : i32
      %dma_wait3A_1254 = arith.constant 0 : i32
      %dma_wait3A_1255 = tpu.memref_slice %arg5[%mul3A_2, %dma_wait3A_1254] : memref<819200x128xf32, #tpu.memory_space<hbm>> -> memref<64x128xf32, #tpu.memory_space<hbm>>
      %dma_wait3A_1256 = arith.constant 0 : i32
      %dma_wait3A_1257 = tpu.memref_slice %arg5[%mul3A_2, %dma_wait3A_1256] : memref<819200x128xf32, #tpu.memory_space<hbm>> -> memref<64x128xf32, #tpu.memory_space<hbm>>
      tpu.wait_dma2 semaphore(%arg41 : memref<!tpu.dma_semaphore, #tpu.memory_space<semaphore_mem>>) src(%arg24 : memref<64x128xf32, #tpu.memory_space<vmem>>) dst(%dma_wait3A_1257 : memref<64x128xf32, #tpu.memory_space<hbm>>)
      %mul3A_1258 = arith.constant 64 : i32
      %mul3A_1259 = arith.muli %add3A_1253, %mul3A_1258 : i32
      %add3A_1260 = arith.constant 0 : i32
      %add3A_1261 = arith.addi %mul3A_1259, %add3A_1260 : i32
      %add3A_1262 = arith.addi %mul3A_2, %add3A_1261 : i32
      %add3A_1263 = vector.broadcast %add3A_1262 : i32 to vector<16xi32>
      %add3A_1264 = arith.addi %iota3A, %add3A_1263 : vector<16xi32>
      %rem3A_1265 = arith.constant 200 : i32
      %rem3A_1266 = vector.broadcast %rem3A_1265 : i32 to vector<16xi32>
      %rem3A_1267 = arith.remsi %add3A_1264, %rem3A_1266 : vector<16xi32>
      %get3A_1268 = arith.index_cast %add3A_1261 : i32 to index
      %get3A_1269 = tpu.vector_load %arg8[%get3A_1268] {strides = array<i32>} : memref<25600xi32, #tpu.memory_space<vmem>>, vector<16xi32>,
      %get3A_1270 = vector.shape_cast %get3A_1269 : vector<16xi32> to vector<16xi32>
      %mul3A_1271 = arith.constant 208 : i32
      %mul3A_1272 = vector.broadcast %mul3A_1271 : i32 to vector<16xi32>
      %mul3A_1273 = arith.muli %get3A_1270, %mul3A_1272 : vector<16xi32>
      %add3A_1274 = arith.addi %mul3A_1273, %rem3A_1267 : vector<16xi32>
      %swap3A_1275 = arith.constant 0 : index
      %swap3A_1276 = tpu.vector_load %arg16[%swap3A_1275] {strides = array<i32>} : memref<64xi32, #tpu.memory_space<vmem>>, vector<16xi32>,
      %swap3A_1277 = vector.shape_cast %swap3A_1276 : vector<16xi32> to vector<16xi32>
      %swap3A_1278 = vector.shape_cast %add3A_1274 : vector<16xi32> to vector<16xi32>
      tpu.vector_store %arg16[%swap3A_1275], %swap3A_1278 {strides = array<i32>} : memref<64xi32, #tpu.memory_space<vmem>>, vector<16xi32>,
      %mul3A_1279 = arith.constant 64 : i32
      %mul3A_1280 = arith.muli %add3A_1253, %mul3A_1279 : i32
      %add3A_1281 = arith.constant 16 : i32
      %add3A_1282 = arith.addi %mul3A_1280, %add3A_1281 : i32
      %add3A_1283 = arith.addi %mul3A_2, %add3A_1282 : i32
      %add3A_1284 = vector.broadcast %add3A_1283 : i32 to vector<16xi32>
      %add3A_1285 = arith.addi %iota3A, %add3A_1284 : vector<16xi32>
      %rem3A_1286 = arith.constant 200 : i32
      %rem3A_1287 = vector.broadcast %rem3A_1286 : i32 to vector<16xi32>
      %rem3A_1288 = arith.remsi %add3A_1285, %rem3A_1287 : vector<16xi32>
      %get3A_1289 = arith.index_cast %add3A_1282 : i32 to index
      %get3A_1290 = tpu.vector_load %arg8[%get3A_1289] {strides = array<i32>} : memref<25600xi32, #tpu.memory_space<vmem>>, vector<16xi32>,
      %get3A_1291 = vector.shape_cast %get3A_1290 : vector<16xi32> to vector<16xi32>
      %mul3A_1292 = arith.constant 208 : i32
      %mul3A_1293 = vector.broadcast %mul3A_1292 : i32 to vector<16xi32>
      %mul3A_1294 = arith.muli %get3A_1291, %mul3A_1293 : vector<16xi32>
      %add3A_1295 = arith.addi %mul3A_1294, %rem3A_1288 : vector<16xi32>
      %swap3A_1296 = arith.constant 16 : index
      %swap3A_1297 = tpu.vector_load %arg16[%swap3A_1296] {strides = array<i32>} : memref<64xi32, #tpu.memory_space<vmem>>, vector<16xi32>,
      %swap3A_1298 = vector.shape_cast %swap3A_1297 : vector<16xi32> to vector<16xi32>
      %swap3A_1299 = vector.shape_cast %add3A_1295 : vector<16xi32> to vector<16xi32>
      tpu.vector_store %arg16[%swap3A_1296], %swap3A_1299 {strides = array<i32>} : memref<64xi32, #tpu.memory_space<vmem>>, vector<16xi32>,
      %mul3A_1300 = arith.constant 64 : i32
      %mul3A_1301 = arith.muli %add3A_1253, %mul3A_1300 : i32
      %add3A_1302 = arith.constant 32 : i32
      %add3A_1303 = arith.addi %mul3A_1301, %add3A_1302 : i32
      %add3A_1304 = arith.addi %mul3A_2, %add3A_1303 : i32
      %add3A_1305 = vector.broadcast %add3A_1304 : i32 to vector<16xi32>
      %add3A_1306 = arith.addi %iota3A, %add3A_1305 : vector<16xi32>
      %rem3A_1307 = arith.constant 200 : i32
      %rem3A_1308 = vector.broadcast %rem3A_1307 : i32 to vector<16xi32>
      %rem3A_1309 = arith.remsi %add3A_1306, %rem3A_1308 : vector<16xi32>
      %get3A_1310 = arith.index_cast %add3A_1303 : i32 to index
      %get3A_1311 = tpu.vector_load %arg8[%get3A_1310] {strides = array<i32>} : memref<25600xi32, #tpu.memory_space<vmem>>, vector<16xi32>,
      %get3A_1312 = vector.shape_cast %get3A_1311 : vector<16xi32> to vector<16xi32>
      %mul3A_1313 = arith.constant 208 : i32
      %mul3A_1314 = vector.broadcast %mul3A_1313 : i32 to vector<16xi32>
      %mul3A_1315 = arith.muli %get3A_1312, %mul3A_1314 : vector<16xi32>
      %add3A_1316 = arith.addi %mul3A_1315, %rem3A_1309 : vector<16xi32>
      %swap3A_1317 = arith.constant 32 : index
      %swap3A_1318 = tpu.vector_load %arg16[%swap3A_1317] {strides = array<i32>} : memref<64xi32, #tpu.memory_space<vmem>>, vector<16xi32>,
      %swap3A_1319 = vector.shape_cast %swap3A_1318 : vector<16xi32> to vector<16xi32>
      %swap3A_1320 = vector.shape_cast %add3A_1316 : vector<16xi32> to vector<16xi32>
      tpu.vector_store %arg16[%swap3A_1317], %swap3A_1320 {strides = array<i32>} : memref<64xi32, #tpu.memory_space<vmem>>, vector<16xi32>,
      %mul3A_1321 = arith.constant 64 : i32
      %mul3A_1322 = arith.muli %add3A_1253, %mul3A_1321 : i32
      %add3A_1323 = arith.constant 48 : i32
      %add3A_1324 = arith.addi %mul3A_1322, %add3A_1323 : i32
      %add3A_1325 = arith.addi %mul3A_2, %add3A_1324 : i32
      %add3A_1326 = vector.broadcast %add3A_1325 : i32 to vector<16xi32>
      %add3A_1327 = arith.addi %iota3A, %add3A_1326 : vector<16xi32>
      %rem3A_1328 = arith.constant 200 : i32
      %rem3A_1329 = vector.broadcast %rem3A_1328 : i32 to vector<16xi32>
      %rem3A_1330 = arith.remsi %add3A_1327, %rem3A_1329 : vector<16xi32>
      %get3A_1331 = arith.index_cast %add3A_1324 : i32 to index
      %get3A_1332 = tpu.vector_load %arg8[%get3A_1331] {strides = array<i32>} : memref<25600xi32, #tpu.memory_space<vmem>>, vector<16xi32>,
      %get3A_1333 = vector.shape_cast %get3A_1332 : vector<16xi32> to vector<16xi32>
      %mul3A_1334 = arith.constant 208 : i32
      %mul3A_1335 = vector.broadcast %mul3A_1334 : i32 to vector<16xi32>
      %mul3A_1336 = arith.muli %get3A_1333, %mul3A_1335 : vector<16xi32>
      %add3A_1337 = arith.addi %mul3A_1336, %rem3A_1330 : vector<16xi32>
      %swap3A_1338 = arith.constant 48 : index
      %swap3A_1339 = tpu.vector_load %arg16[%swap3A_1338] {strides = array<i32>} : memref<64xi32, #tpu.memory_space<vmem>>, vector<16xi32>,
      %swap3A_1340 = vector.shape_cast %swap3A_1339 : vector<16xi32> to vector<16xi32>
      %swap3A_1341 = vector.shape_cast %add3A_1337 : vector<16xi32> to vector<16xi32>
      tpu.vector_store %arg16[%swap3A_1338], %swap3A_1341 {strides = array<i32>} : memref<64xi32, #tpu.memory_space<vmem>>, vector<16xi32>,
      %dma_start3A_1342 = arith.constant 0 : i32
      %dma_start3A_1343 = arith.constant 0 : i32
      %dma_start3A_1344 = tpu.memref_slice %arg6[%dma_start3A_1342, %dma_start3A_1343] : memref<2704x128xf32, #tpu.memory_space<vmem_shared>> -> memref<2704x128xf32, #tpu.memory_space<vmem_shared>>
      tpu.enqueue_indirect_dma source(%dma_start3A_1344 : memref<2704x128xf32, #tpu.memory_space<vmem_shared>>) target(%arg24 : memref<64x128xf32, #tpu.memory_space<vmem>>) offsets(%arg16 : memref<64xi32, #tpu.memory_space<vmem>>) semaphore(%arg33 : memref<!tpu.dma_semaphore, #tpu.memory_space<semaphore_mem>>)
      %dma_wait3A_1345 = arith.constant 0 : i32
      %dma_wait3A_1346 = arith.constant 0 : i32
      %dma_wait3A_1347 = tpu.memref_slice %arg6[%dma_wait3A_1345, %dma_wait3A_1346] : memref<2704x128xf32, #tpu.memory_space<vmem_shared>> -> memref<2704x128xf32, #tpu.memory_space<vmem_shared>>
      tpu.wait_indirect_dma semaphore(%arg32 : memref<!tpu.dma_semaphore, #tpu.memory_space<semaphore_mem>>) src(%dma_wait3A_1347 : memref<2704x128xf32, #tpu.memory_space<vmem_shared>>) dst(%arg23 : memref<64x128xf32, #tpu.memory_space<vmem>>)
      %sub3A_1348 = arith.constant 1 : i32
      %sub3A_1349 = arith.subi %add3A_1253, %sub3A_1348 : i32
      %mul3A_1350 = arith.constant 64 : i32
      %mul3A_1351 = arith.muli %sub3A_1349, %mul3A_1350 : i32
      %add3A_1352 = arith.addi %mul3A_2, %mul3A_1351 : i32
      %dma_start3A_1353 = arith.constant 0 : i32
      %dma_start3A_1354 = tpu.memref_slice %arg5[%add3A_1352, %dma_start3A_1353] : memref<819200x128xf32, #tpu.memory_space<hbm>> -> memref<64x128xf32, #tpu.memory_space<hbm>>
      %dma_start3A_1355 = arith.constant 0 : i32
      %dma_start3A_1356 = tpu.memref_slice %arg5[%add3A_1352, %dma_start3A_1355] : memref<819200x128xf32, #tpu.memory_space<hbm>> -> memref<64x128xf32, #tpu.memory_space<hbm>>
      tpu.enqueue_dma source(%arg23 : memref<64x128xf32, #tpu.memory_space<vmem>>) target(%dma_start3A_1356 : memref<64x128xf32, #tpu.memory_space<hbm>>) target_semaphore(%arg40 : memref<!tpu.dma_semaphore, #tpu.memory_space<semaphore_mem>>)
      %mul3A_1357 = arith.constant 8 : i32
      %mul3A_1358 = arith.muli %scan3A_714, %mul3A_1357 : i32
      %add3A_1359 = arith.constant 6 : i32
      %add3A_1360 = arith.addi %mul3A_1358, %add3A_1359 : i32
      %dma_wait3A_1361 = arith.constant 0 : i32
      %dma_wait3A_1362 = tpu.memref_slice %arg5[%mul3A_2, %dma_wait3A_1361] : memref<819200x128xf32, #tpu.memory_space<hbm>> -> memref<64x128xf32, #tpu.memory_space<hbm>>
      %dma_wait3A_1363 = arith.constant 0 : i32
      %dma_wait3A_1364 = tpu.memref_slice %arg5[%mul3A_2, %dma_wait3A_1363] : memref<819200x128xf32, #tpu.memory_space<hbm>> -> memref<64x128xf32, #tpu.memory_space<hbm>>
      tpu.wait_dma2 semaphore(%arg42 : memref<!tpu.dma_semaphore, #tpu.memory_space<semaphore_mem>>) src(%arg25 : memref<64x128xf32, #tpu.memory_space<vmem>>) dst(%dma_wait3A_1364 : memref<64x128xf32, #tpu.memory_space<hbm>>)
      %mul3A_1365 = arith.constant 64 : i32
      %mul3A_1366 = arith.muli %add3A_1360, %mul3A_1365 : i32
      %add3A_1367 = arith.constant 0 : i32
      %add3A_1368 = arith.addi %mul3A_1366, %add3A_1367 : i32
      %add3A_1369 = arith.addi %mul3A_2, %add3A_1368 : i32
      %add3A_1370 = vector.broadcast %add3A_1369 : i32 to vector<16xi32>
      %add3A_1371 = arith.addi %iota3A, %add3A_1370 : vector<16xi32>
      %rem3A_1372 = arith.constant 200 : i32
      %rem3A_1373 = vector.broadcast %rem3A_1372 : i32 to vector<16xi32>
      %rem3A_1374 = arith.remsi %add3A_1371, %rem3A_1373 : vector<16xi32>
      %get3A_1375 = arith.index_cast %add3A_1368 : i32 to index
      %get3A_1376 = tpu.vector_load %arg8[%get3A_1375] {strides = array<i32>} : memref<25600xi32, #tpu.memory_space<vmem>>, vector<16xi32>,
      %get3A_1377 = vector.shape_cast %get3A_1376 : vector<16xi32> to vector<16xi32>
      %mul3A_1378 = arith.constant 208 : i32
      %mul3A_1379 = vector.broadcast %mul3A_1378 : i32 to vector<16xi32>
      %mul3A_1380 = arith.muli %get3A_1377, %mul3A_1379 : vector<16xi32>
      %add3A_1381 = arith.addi %mul3A_1380, %rem3A_1374 : vector<16xi32>
      %swap3A_1382 = arith.constant 0 : index
      %swap3A_1383 = tpu.vector_load %arg17[%swap3A_1382] {strides = array<i32>} : memref<64xi32, #tpu.memory_space<vmem>>, vector<16xi32>,
      %swap3A_1384 = vector.shape_cast %swap3A_1383 : vector<16xi32> to vector<16xi32>
      %swap3A_1385 = vector.shape_cast %add3A_1381 : vector<16xi32> to vector<16xi32>
      tpu.vector_store %arg17[%swap3A_1382], %swap3A_1385 {strides = array<i32>} : memref<64xi32, #tpu.memory_space<vmem>>, vector<16xi32>,
      %mul3A_1386 = arith.constant 64 : i32
      %mul3A_1387 = arith.muli %add3A_1360, %mul3A_1386 : i32
      %add3A_1388 = arith.constant 16 : i32
      %add3A_1389 = arith.addi %mul3A_1387, %add3A_1388 : i32
      %add3A_1390 = arith.addi %mul3A_2, %add3A_1389 : i32
      %add3A_1391 = vector.broadcast %add3A_1390 : i32 to vector<16xi32>
      %add3A_1392 = arith.addi %iota3A, %add3A_1391 : vector<16xi32>
      %rem3A_1393 = arith.constant 200 : i32
      %rem3A_1394 = vector.broadcast %rem3A_1393 : i32 to vector<16xi32>
      %rem3A_1395 = arith.remsi %add3A_1392, %rem3A_1394 : vector<16xi32>
      %get3A_1396 = arith.index_cast %add3A_1389 : i32 to index
      %get3A_1397 = tpu.vector_load %arg8[%get3A_1396] {strides = array<i32>} : memref<25600xi32, #tpu.memory_space<vmem>>, vector<16xi32>,
      %get3A_1398 = vector.shape_cast %get3A_1397 : vector<16xi32> to vector<16xi32>
      %mul3A_1399 = arith.constant 208 : i32
      %mul3A_1400 = vector.broadcast %mul3A_1399 : i32 to vector<16xi32>
      %mul3A_1401 = arith.muli %get3A_1398, %mul3A_1400 : vector<16xi32>
      %add3A_1402 = arith.addi %mul3A_1401, %rem3A_1395 : vector<16xi32>
      %swap3A_1403 = arith.constant 16 : index
      %swap3A_1404 = tpu.vector_load %arg17[%swap3A_1403] {strides = array<i32>} : memref<64xi32, #tpu.memory_space<vmem>>, vector<16xi32>,
      %swap3A_1405 = vector.shape_cast %swap3A_1404 : vector<16xi32> to vector<16xi32>
      %swap3A_1406 = vector.shape_cast %add3A_1402 : vector<16xi32> to vector<16xi32>
      tpu.vector_store %arg17[%swap3A_1403], %swap3A_1406 {strides = array<i32>} : memref<64xi32, #tpu.memory_space<vmem>>, vector<16xi32>,
      %mul3A_1407 = arith.constant 64 : i32
      %mul3A_1408 = arith.muli %add3A_1360, %mul3A_1407 : i32
      %add3A_1409 = arith.constant 32 : i32
      %add3A_1410 = arith.addi %mul3A_1408, %add3A_1409 : i32
      %add3A_1411 = arith.addi %mul3A_2, %add3A_1410 : i32
      %add3A_1412 = vector.broadcast %add3A_1411 : i32 to vector<16xi32>
      %add3A_1413 = arith.addi %iota3A, %add3A_1412 : vector<16xi32>
      %rem3A_1414 = arith.constant 200 : i32
      %rem3A_1415 = vector.broadcast %rem3A_1414 : i32 to vector<16xi32>
      %rem3A_1416 = arith.remsi %add3A_1413, %rem3A_1415 : vector<16xi32>
      %get3A_1417 = arith.index_cast %add3A_1410 : i32 to index
      %get3A_1418 = tpu.vector_load %arg8[%get3A_1417] {strides = array<i32>} : memref<25600xi32, #tpu.memory_space<vmem>>, vector<16xi32>,
      %get3A_1419 = vector.shape_cast %get3A_1418 : vector<16xi32> to vector<16xi32>
      %mul3A_1420 = arith.constant 208 : i32
      %mul3A_1421 = vector.broadcast %mul3A_1420 : i32 to vector<16xi32>
      %mul3A_1422 = arith.muli %get3A_1419, %mul3A_1421 : vector<16xi32>
      %add3A_1423 = arith.addi %mul3A_1422, %rem3A_1416 : vector<16xi32>
      %swap3A_1424 = arith.constant 32 : index
      %swap3A_1425 = tpu.vector_load %arg17[%swap3A_1424] {strides = array<i32>} : memref<64xi32, #tpu.memory_space<vmem>>, vector<16xi32>,
      %swap3A_1426 = vector.shape_cast %swap3A_1425 : vector<16xi32> to vector<16xi32>
      %swap3A_1427 = vector.shape_cast %add3A_1423 : vector<16xi32> to vector<16xi32>
      tpu.vector_store %arg17[%swap3A_1424], %swap3A_1427 {strides = array<i32>} : memref<64xi32, #tpu.memory_space<vmem>>, vector<16xi32>,
      %mul3A_1428 = arith.constant 64 : i32
      %mul3A_1429 = arith.muli %add3A_1360, %mul3A_1428 : i32
      %add3A_1430 = arith.constant 48 : i32
      %add3A_1431 = arith.addi %mul3A_1429, %add3A_1430 : i32
      %add3A_1432 = arith.addi %mul3A_2, %add3A_1431 : i32
      %add3A_1433 = vector.broadcast %add3A_1432 : i32 to vector<16xi32>
      %add3A_1434 = arith.addi %iota3A, %add3A_1433 : vector<16xi32>
      %rem3A_1435 = arith.constant 200 : i32
      %rem3A_1436 = vector.broadcast %rem3A_1435 : i32 to vector<16xi32>
      %rem3A_1437 = arith.remsi %add3A_1434, %rem3A_1436 : vector<16xi32>
      %get3A_1438 = arith.index_cast %add3A_1431 : i32 to index
      %get3A_1439 = tpu.vector_load %arg8[%get3A_1438] {strides = array<i32>} : memref<25600xi32, #tpu.memory_space<vmem>>, vector<16xi32>,
      %get3A_1440 = vector.shape_cast %get3A_1439 : vector<16xi32> to vector<16xi32>
      %mul3A_1441 = arith.constant 208 : i32
      %mul3A_1442 = vector.broadcast %mul3A_1441 : i32 to vector<16xi32>
      %mul3A_1443 = arith.muli %get3A_1440, %mul3A_1442 : vector<16xi32>
      %add3A_1444 = arith.addi %mul3A_1443, %rem3A_1437 : vector<16xi32>
      %swap3A_1445 = arith.constant 48 : index
      %swap3A_1446 = tpu.vector_load %arg17[%swap3A_1445] {strides = array<i32>} : memref<64xi32, #tpu.memory_space<vmem>>, vector<16xi32>,
      %swap3A_1447 = vector.shape_cast %swap3A_1446 : vector<16xi32> to vector<16xi32>
      %swap3A_1448 = vector.shape_cast %add3A_1444 : vector<16xi32> to vector<16xi32>
      tpu.vector_store %arg17[%swap3A_1445], %swap3A_1448 {strides = array<i32>} : memref<64xi32, #tpu.memory_space<vmem>>, vector<16xi32>,
      %dma_start3A_1449 = arith.constant 0 : i32
      %dma_start3A_1450 = arith.constant 0 : i32
      %dma_start3A_1451 = tpu.memref_slice %arg6[%dma_start3A_1449, %dma_start3A_1450] : memref<2704x128xf32, #tpu.memory_space<vmem_shared>> -> memref<2704x128xf32, #tpu.memory_space<vmem_shared>>
      tpu.enqueue_indirect_dma source(%dma_start3A_1451 : memref<2704x128xf32, #tpu.memory_space<vmem_shared>>) target(%arg25 : memref<64x128xf32, #tpu.memory_space<vmem>>) offsets(%arg17 : memref<64xi32, #tpu.memory_space<vmem>>) semaphore(%arg34 : memref<!tpu.dma_semaphore, #tpu.memory_space<semaphore_mem>>)
      %dma_wait3A_1452 = arith.constant 0 : i32
      %dma_wait3A_1453 = arith.constant 0 : i32
      %dma_wait3A_1454 = tpu.memref_slice %arg6[%dma_wait3A_1452, %dma_wait3A_1453] : memref<2704x128xf32, #tpu.memory_space<vmem_shared>> -> memref<2704x128xf32, #tpu.memory_space<vmem_shared>>
      tpu.wait_indirect_dma semaphore(%arg33 : memref<!tpu.dma_semaphore, #tpu.memory_space<semaphore_mem>>) src(%dma_wait3A_1454 : memref<2704x128xf32, #tpu.memory_space<vmem_shared>>) dst(%arg24 : memref<64x128xf32, #tpu.memory_space<vmem>>)
      %sub3A_1455 = arith.constant 1 : i32
      %sub3A_1456 = arith.subi %add3A_1360, %sub3A_1455 : i32
      %mul3A_1457 = arith.constant 64 : i32
      %mul3A_1458 = arith.muli %sub3A_1456, %mul3A_1457 : i32
      %add3A_1459 = arith.addi %mul3A_2, %mul3A_1458 : i32
      %dma_start3A_1460 = arith.constant 0 : i32
      %dma_start3A_1461 = tpu.memref_slice %arg5[%add3A_1459, %dma_start3A_1460] : memref<819200x128xf32, #tpu.memory_space<hbm>> -> memref<64x128xf32, #tpu.memory_space<hbm>>
      %dma_start3A_1462 = arith.constant 0 : i32
      %dma_start3A_1463 = tpu.memref_slice %arg5[%add3A_1459, %dma_start3A_1462] : memref<819200x128xf32, #tpu.memory_space<hbm>> -> memref<64x128xf32, #tpu.memory_space<hbm>>
      tpu.enqueue_dma source(%arg24 : memref<64x128xf32, #tpu.memory_space<vmem>>) target(%dma_start3A_1463 : memref<64x128xf32, #tpu.memory_space<hbm>>) target_semaphore(%arg41 : memref<!tpu.dma_semaphore, #tpu.memory_space<semaphore_mem>>)
      %mul3A_1464 = arith.constant 8 : i32
      %mul3A_1465 = arith.muli %scan3A_714, %mul3A_1464 : i32
      %add3A_1466 = arith.constant 7 : i32
      %add3A_1467 = arith.addi %mul3A_1465, %add3A_1466 : i32
      %dma_wait3A_1468 = arith.constant 0 : i32
      %dma_wait3A_1469 = tpu.memref_slice %arg5[%mul3A_2, %dma_wait3A_1468] : memref<819200x128xf32, #tpu.memory_space<hbm>> -> memref<64x128xf32, #tpu.memory_space<hbm>>
      %dma_wait3A_1470 = arith.constant 0 : i32
      %dma_wait3A_1471 = tpu.memref_slice %arg5[%mul3A_2, %dma_wait3A_1470] : memref<819200x128xf32, #tpu.memory_space<hbm>> -> memref<64x128xf32, #tpu.memory_space<hbm>>
      tpu.wait_dma2 semaphore(%arg43 : memref<!tpu.dma_semaphore, #tpu.memory_space<semaphore_mem>>) src(%arg26 : memref<64x128xf32, #tpu.memory_space<vmem>>) dst(%dma_wait3A_1471 : memref<64x128xf32, #tpu.memory_space<hbm>>)
      %mul3A_1472 = arith.constant 64 : i32
      %mul3A_1473 = arith.muli %add3A_1467, %mul3A_1472 : i32
      %add3A_1474 = arith.constant 0 : i32
      %add3A_1475 = arith.addi %mul3A_1473, %add3A_1474 : i32
      %add3A_1476 = arith.addi %mul3A_2, %add3A_1475 : i32
      %add3A_1477 = vector.broadcast %add3A_1476 : i32 to vector<16xi32>
      %add3A_1478 = arith.addi %iota3A, %add3A_1477 : vector<16xi32>
      %rem3A_1479 = arith.constant 200 : i32
      %rem3A_1480 = vector.broadcast %rem3A_1479 : i32 to vector<16xi32>
      %rem3A_1481 = arith.remsi %add3A_1478, %rem3A_1480 : vector<16xi32>
      %get3A_1482 = arith.index_cast %add3A_1475 : i32 to index
      %get3A_1483 = tpu.vector_load %arg8[%get3A_1482] {strides = array<i32>} : memref<25600xi32, #tpu.memory_space<vmem>>, vector<16xi32>,
      %get3A_1484 = vector.shape_cast %get3A_1483 : vector<16xi32> to vector<16xi32>
      %mul3A_1485 = arith.constant 208 : i32
      %mul3A_1486 = vector.broadcast %mul3A_1485 : i32 to vector<16xi32>
      %mul3A_1487 = arith.muli %get3A_1484, %mul3A_1486 : vector<16xi32>
      %add3A_1488 = arith.addi %mul3A_1487, %rem3A_1481 : vector<16xi32>
      %swap3A_1489 = arith.constant 0 : index
      %swap3A_1490 = tpu.vector_load %arg18[%swap3A_1489] {strides = array<i32>} : memref<64xi32, #tpu.memory_space<vmem>>, vector<16xi32>,
      %swap3A_1491 = vector.shape_cast %swap3A_1490 : vector<16xi32> to vector<16xi32>
      %swap3A_1492 = vector.shape_cast %add3A_1488 : vector<16xi32> to vector<16xi32>
      tpu.vector_store %arg18[%swap3A_1489], %swap3A_1492 {strides = array<i32>} : memref<64xi32, #tpu.memory_space<vmem>>, vector<16xi32>,
      %mul3A_1493 = arith.constant 64 : i32
      %mul3A_1494 = arith.muli %add3A_1467, %mul3A_1493 : i32
      %add3A_1495 = arith.constant 16 : i32
      %add3A_1496 = arith.addi %mul3A_1494, %add3A_1495 : i32
      %add3A_1497 = arith.addi %mul3A_2, %add3A_1496 : i32
      %add3A_1498 = vector.broadcast %add3A_1497 : i32 to vector<16xi32>
      %add3A_1499 = arith.addi %iota3A, %add3A_1498 : vector<16xi32>
      %rem3A_1500 = arith.constant 200 : i32
      %rem3A_1501 = vector.broadcast %rem3A_1500 : i32 to vector<16xi32>
      %rem3A_1502 = arith.remsi %add3A_1499, %rem3A_1501 : vector<16xi32>
      %get3A_1503 = arith.index_cast %add3A_1496 : i32 to index
      %get3A_1504 = tpu.vector_load %arg8[%get3A_1503] {strides = array<i32>} : memref<25600xi32, #tpu.memory_space<vmem>>, vector<16xi32>,
      %get3A_1505 = vector.shape_cast %get3A_1504 : vector<16xi32> to vector<16xi32>
      %mul3A_1506 = arith.constant 208 : i32
      %mul3A_1507 = vector.broadcast %mul3A_1506 : i32 to vector<16xi32>
      %mul3A_1508 = arith.muli %get3A_1505, %mul3A_1507 : vector<16xi32>
      %add3A_1509 = arith.addi %mul3A_1508, %rem3A_1502 : vector<16xi32>
      %swap3A_1510 = arith.constant 16 : index
      %swap3A_1511 = tpu.vector_load %arg18[%swap3A_1510] {strides = array<i32>} : memref<64xi32, #tpu.memory_space<vmem>>, vector<16xi32>,
      %swap3A_1512 = vector.shape_cast %swap3A_1511 : vector<16xi32> to vector<16xi32>
      %swap3A_1513 = vector.shape_cast %add3A_1509 : vector<16xi32> to vector<16xi32>
      tpu.vector_store %arg18[%swap3A_1510], %swap3A_1513 {strides = array<i32>} : memref<64xi32, #tpu.memory_space<vmem>>, vector<16xi32>,
      %mul3A_1514 = arith.constant 64 : i32
      %mul3A_1515 = arith.muli %add3A_1467, %mul3A_1514 : i32
      %add3A_1516 = arith.constant 32 : i32
      %add3A_1517 = arith.addi %mul3A_1515, %add3A_1516 : i32
      %add3A_1518 = arith.addi %mul3A_2, %add3A_1517 : i32
      %add3A_1519 = vector.broadcast %add3A_1518 : i32 to vector<16xi32>
      %add3A_1520 = arith.addi %iota3A, %add3A_1519 : vector<16xi32>
      %rem3A_1521 = arith.constant 200 : i32
      %rem3A_1522 = vector.broadcast %rem3A_1521 : i32 to vector<16xi32>
      %rem3A_1523 = arith.remsi %add3A_1520, %rem3A_1522 : vector<16xi32>
      %get3A_1524 = arith.index_cast %add3A_1517 : i32 to index
      %get3A_1525 = tpu.vector_load %arg8[%get3A_1524] {strides = array<i32>} : memref<25600xi32, #tpu.memory_space<vmem>>, vector<16xi32>,
      %get3A_1526 = vector.shape_cast %get3A_1525 : vector<16xi32> to vector<16xi32>
      %mul3A_1527 = arith.constant 208 : i32
      %mul3A_1528 = vector.broadcast %mul3A_1527 : i32 to vector<16xi32>
      %mul3A_1529 = arith.muli %get3A_1526, %mul3A_1528 : vector<16xi32>
      %add3A_1530 = arith.addi %mul3A_1529, %rem3A_1523 : vector<16xi32>
      %swap3A_1531 = arith.constant 32 : index
      %swap3A_1532 = tpu.vector_load %arg18[%swap3A_1531] {strides = array<i32>} : memref<64xi32, #tpu.memory_space<vmem>>, vector<16xi32>,
      %swap3A_1533 = vector.shape_cast %swap3A_1532 : vector<16xi32> to vector<16xi32>
      %swap3A_1534 = vector.shape_cast %add3A_1530 : vector<16xi32> to vector<16xi32>
      tpu.vector_store %arg18[%swap3A_1531], %swap3A_1534 {strides = array<i32>} : memref<64xi32, #tpu.memory_space<vmem>>, vector<16xi32>,
      %mul3A_1535 = arith.constant 64 : i32
      %mul3A_1536 = arith.muli %add3A_1467, %mul3A_1535 : i32
      %add3A_1537 = arith.constant 48 : i32
      %add3A_1538 = arith.addi %mul3A_1536, %add3A_1537 : i32
      %add3A_1539 = arith.addi %mul3A_2, %add3A_1538 : i32
      %add3A_1540 = vector.broadcast %add3A_1539 : i32 to vector<16xi32>
      %add3A_1541 = arith.addi %iota3A, %add3A_1540 : vector<16xi32>
      %rem3A_1542 = arith.constant 200 : i32
      %rem3A_1543 = vector.broadcast %rem3A_1542 : i32 to vector<16xi32>
      %rem3A_1544 = arith.remsi %add3A_1541, %rem3A_1543 : vector<16xi32>
      %get3A_1545 = arith.index_cast %add3A_1538 : i32 to index
      %get3A_1546 = tpu.vector_load %arg8[%get3A_1545] {strides = array<i32>} : memref<25600xi32, #tpu.memory_space<vmem>>, vector<16xi32>,
      %get3A_1547 = vector.shape_cast %get3A_1546 : vector<16xi32> to vector<16xi32>
      %mul3A_1548 = arith.constant 208 : i32
      %mul3A_1549 = vector.broadcast %mul3A_1548 : i32 to vector<16xi32>
      %mul3A_1550 = arith.muli %get3A_1547, %mul3A_1549 : vector<16xi32>
      %add3A_1551 = arith.addi %mul3A_1550, %rem3A_1544 : vector<16xi32>
      %swap3A_1552 = arith.constant 48 : index
      %swap3A_1553 = tpu.vector_load %arg18[%swap3A_1552] {strides = array<i32>} : memref<64xi32, #tpu.memory_space<vmem>>, vector<16xi32>,
      %swap3A_1554 = vector.shape_cast %swap3A_1553 : vector<16xi32> to vector<16xi32>
      %swap3A_1555 = vector.shape_cast %add3A_1551 : vector<16xi32> to vector<16xi32>
      tpu.vector_store %arg18[%swap3A_1552], %swap3A_1555 {strides = array<i32>} : memref<64xi32, #tpu.memory_space<vmem>>, vector<16xi32>,
      %dma_start3A_1556 = arith.constant 0 : i32
      %dma_start3A_1557 = arith.constant 0 : i32
      %dma_start3A_1558 = tpu.memref_slice %arg6[%dma_start3A_1556, %dma_start3A_1557] : memref<2704x128xf32, #tpu.memory_space<vmem_shared>> -> memref<2704x128xf32, #tpu.memory_space<vmem_shared>>
      tpu.enqueue_indirect_dma source(%dma_start3A_1558 : memref<2704x128xf32, #tpu.memory_space<vmem_shared>>) target(%arg26 : memref<64x128xf32, #tpu.memory_space<vmem>>) offsets(%arg18 : memref<64xi32, #tpu.memory_space<vmem>>) semaphore(%arg35 : memref<!tpu.dma_semaphore, #tpu.memory_space<semaphore_mem>>)
      %dma_wait3A_1559 = arith.constant 0 : i32
      %dma_wait3A_1560 = arith.constant 0 : i32
      %dma_wait3A_1561 = tpu.memref_slice %arg6[%dma_wait3A_1559, %dma_wait3A_1560] : memref<2704x128xf32, #tpu.memory_space<vmem_shared>> -> memref<2704x128xf32, #tpu.memory_space<vmem_shared>>
      tpu.wait_indirect_dma semaphore(%arg34 : memref<!tpu.dma_semaphore, #tpu.memory_space<semaphore_mem>>) src(%dma_wait3A_1561 : memref<2704x128xf32, #tpu.memory_space<vmem_shared>>) dst(%arg25 : memref<64x128xf32, #tpu.memory_space<vmem>>)
      %sub3A_1562 = arith.constant 1 : i32
      %sub3A_1563 = arith.subi %add3A_1467, %sub3A_1562 : i32
      %mul3A_1564 = arith.constant 64 : i32
      %mul3A_1565 = arith.muli %sub3A_1563, %mul3A_1564 : i32
      %add3A_1566 = arith.addi %mul3A_2, %mul3A_1565 : i32
      %dma_start3A_1567 = arith.constant 0 : i32
      %dma_start3A_1568 = tpu.memref_slice %arg5[%add3A_1566, %dma_start3A_1567] : memref<819200x128xf32, #tpu.memory_space<hbm>> -> memref<64x128xf32, #tpu.memory_space<hbm>>
      %dma_start3A_1569 = arith.constant 0 : i32
      %dma_start3A_1570 = tpu.memref_slice %arg5[%add3A_1566, %dma_start3A_1569] : memref<819200x128xf32, #tpu.memory_space<hbm>> -> memref<64x128xf32, #tpu.memory_space<hbm>>
      tpu.enqueue_dma source(%arg25 : memref<64x128xf32, #tpu.memory_space<vmem>>) target(%dma_start3A_1570 : memref<64x128xf32, #tpu.memory_space<hbm>>) target_semaphore(%arg42 : memref<!tpu.dma_semaphore, #tpu.memory_space<semaphore_mem>>)
      %scan3A_1571 = arith.constant 0 : i32
      scf.yield %scan3A_1571 : i32
    }
    %scan3A_672 = arith.constant 49 : i32
    %dma_wait3A_673 = arith.constant 0 : i32
    %dma_wait3A_674 = arith.constant 0 : i32
    %dma_wait3A_675 = tpu.memref_slice %arg6[%dma_wait3A_673, %dma_wait3A_674] : memref<2704x128xf32, #tpu.memory_space<vmem_shared>> -> memref<2704x128xf32, #tpu.memory_space<vmem_shared>>
    tpu.wait_indirect_dma semaphore(%arg35 : memref<!tpu.dma_semaphore, #tpu.memory_space<semaphore_mem>>) src(%dma_wait3A_675 : memref<2704x128xf32, #tpu.memory_space<vmem_shared>>) dst(%arg26 : memref<64x128xf32, #tpu.memory_space<vmem>>)
    %add3A_676 = arith.constant 25536 : i32
    %add3A_677 = arith.addi %mul3A_2, %add3A_676 : i32
    %dma_start3A_678 = arith.constant 0 : i32
    %dma_start3A_679 = tpu.memref_slice %arg5[%add3A_677, %dma_start3A_678] : memref<819200x128xf32, #tpu.memory_space<hbm>> -> memref<64x128xf32, #tpu.memory_space<hbm>>
    %dma_start3A_680 = arith.constant 0 : i32
    %dma_start3A_681 = tpu.memref_slice %arg5[%add3A_677, %dma_start3A_680] : memref<819200x128xf32, #tpu.memory_space<hbm>> -> memref<64x128xf32, #tpu.memory_space<hbm>>
    tpu.enqueue_dma source(%arg26 : memref<64x128xf32, #tpu.memory_space<vmem>>) target(%dma_start3A_681 : memref<64x128xf32, #tpu.memory_space<hbm>>) target_semaphore(%arg43 : memref<!tpu.dma_semaphore, #tpu.memory_space<semaphore_mem>>)
    %dma_wait3A_682 = arith.constant 0 : i32
    %dma_wait3A_683 = tpu.memref_slice %arg5[%mul3A_2, %dma_wait3A_682] : memref<819200x128xf32, #tpu.memory_space<hbm>> -> memref<64x128xf32, #tpu.memory_space<hbm>>
    %dma_wait3A_684 = arith.constant 0 : i32
    %dma_wait3A_685 = tpu.memref_slice %arg5[%mul3A_2, %dma_wait3A_684] : memref<819200x128xf32, #tpu.memory_space<hbm>> -> memref<64x128xf32, #tpu.memory_space<hbm>>
    tpu.wait_dma2 semaphore(%arg36 : memref<!tpu.dma_semaphore, #tpu.memory_space<semaphore_mem>>) src(%arg19 : memref<64x128xf32, #tpu.memory_space<vmem>>) dst(%dma_wait3A_685 : memref<64x128xf32, #tpu.memory_space<hbm>>)
    %dma_wait3A_686 = arith.constant 0 : i32
    %dma_wait3A_687 = tpu.memref_slice %arg5[%mul3A_2, %dma_wait3A_686] : memref<819200x128xf32, #tpu.memory_space<hbm>> -> memref<64x128xf32, #tpu.memory_space<hbm>>
    %dma_wait3A_688 = arith.constant 0 : i32
    %dma_wait3A_689 = tpu.memref_slice %arg5[%mul3A_2, %dma_wait3A_688] : memref<819200x128xf32, #tpu.memory_space<hbm>> -> memref<64x128xf32, #tpu.memory_space<hbm>>
    tpu.wait_dma2 semaphore(%arg37 : memref<!tpu.dma_semaphore, #tpu.memory_space<semaphore_mem>>) src(%arg20 : memref<64x128xf32, #tpu.memory_space<vmem>>) dst(%dma_wait3A_689 : memref<64x128xf32, #tpu.memory_space<hbm>>)
    %dma_wait3A_690 = arith.constant 0 : i32
    %dma_wait3A_691 = tpu.memref_slice %arg5[%mul3A_2, %dma_wait3A_690] : memref<819200x128xf32, #tpu.memory_space<hbm>> -> memref<64x128xf32, #tpu.memory_space<hbm>>
    %dma_wait3A_692 = arith.constant 0 : i32
    %dma_wait3A_693 = tpu.memref_slice %arg5[%mul3A_2, %dma_wait3A_692] : memref<819200x128xf32, #tpu.memory_space<hbm>> -> memref<64x128xf32, #tpu.memory_space<hbm>>
    tpu.wait_dma2 semaphore(%arg38 : memref<!tpu.dma_semaphore, #tpu.memory_space<semaphore_mem>>) src(%arg21 : memref<64x128xf32, #tpu.memory_space<vmem>>) dst(%dma_wait3A_693 : memref<64x128xf32, #tpu.memory_space<hbm>>)
    %dma_wait3A_694 = arith.constant 0 : i32
    %dma_wait3A_695 = tpu.memref_slice %arg5[%mul3A_2, %dma_wait3A_694] : memref<819200x128xf32, #tpu.memory_space<hbm>> -> memref<64x128xf32, #tpu.memory_space<hbm>>
    %dma_wait3A_696 = arith.constant 0 : i32
    %dma_wait3A_697 = tpu.memref_slice %arg5[%mul3A_2, %dma_wait3A_696] : memref<819200x128xf32, #tpu.memory_space<hbm>> -> memref<64x128xf32, #tpu.memory_space<hbm>>
    tpu.wait_dma2 semaphore(%arg39 : memref<!tpu.dma_semaphore, #tpu.memory_space<semaphore_mem>>) src(%arg22 : memref<64x128xf32, #tpu.memory_space<vmem>>) dst(%dma_wait3A_697 : memref<64x128xf32, #tpu.memory_space<hbm>>)
    %dma_wait3A_698 = arith.constant 0 : i32
    %dma_wait3A_699 = tpu.memref_slice %arg5[%mul3A_2, %dma_wait3A_698] : memref<819200x128xf32, #tpu.memory_space<hbm>> -> memref<64x128xf32, #tpu.memory_space<hbm>>
    %dma_wait3A_700 = arith.constant 0 : i32
    %dma_wait3A_701 = tpu.memref_slice %arg5[%mul3A_2, %dma_wait3A_700] : memref<819200x128xf32, #tpu.memory_space<hbm>> -> memref<64x128xf32, #tpu.memory_space<hbm>>
    tpu.wait_dma2 semaphore(%arg40 : memref<!tpu.dma_semaphore, #tpu.memory_space<semaphore_mem>>) src(%arg23 : memref<64x128xf32, #tpu.memory_space<vmem>>) dst(%dma_wait3A_701 : memref<64x128xf32, #tpu.memory_space<hbm>>)
    %dma_wait3A_702 = arith.constant 0 : i32
    %dma_wait3A_703 = tpu.memref_slice %arg5[%mul3A_2, %dma_wait3A_702] : memref<819200x128xf32, #tpu.memory_space<hbm>> -> memref<64x128xf32, #tpu.memory_space<hbm>>
    %dma_wait3A_704 = arith.constant 0 : i32
    %dma_wait3A_705 = tpu.memref_slice %arg5[%mul3A_2, %dma_wait3A_704] : memref<819200x128xf32, #tpu.memory_space<hbm>> -> memref<64x128xf32, #tpu.memory_space<hbm>>
    tpu.wait_dma2 semaphore(%arg41 : memref<!tpu.dma_semaphore, #tpu.memory_space<semaphore_mem>>) src(%arg24 : memref<64x128xf32, #tpu.memory_space<vmem>>) dst(%dma_wait3A_705 : memref<64x128xf32, #tpu.memory_space<hbm>>)
    %dma_wait3A_706 = arith.constant 0 : i32
    %dma_wait3A_707 = tpu.memref_slice %arg5[%mul3A_2, %dma_wait3A_706] : memref<819200x128xf32, #tpu.memory_space<hbm>> -> memref<64x128xf32, #tpu.memory_space<hbm>>
    %dma_wait3A_708 = arith.constant 0 : i32
    %dma_wait3A_709 = tpu.memref_slice %arg5[%mul3A_2, %dma_wait3A_708] : memref<819200x128xf32, #tpu.memory_space<hbm>> -> memref<64x128xf32, #tpu.memory_space<hbm>>
    tpu.wait_dma2 semaphore(%arg42 : memref<!tpu.dma_semaphore, #tpu.memory_space<semaphore_mem>>) src(%arg25 : memref<64x128xf32, #tpu.memory_space<vmem>>) dst(%dma_wait3A_709 : memref<64x128xf32, #tpu.memory_space<hbm>>)
    %dma_wait3A_710 = arith.constant 0 : i32
    %dma_wait3A_711 = tpu.memref_slice %arg5[%mul3A_2, %dma_wait3A_710] : memref<819200x128xf32, #tpu.memory_space<hbm>> -> memref<64x128xf32, #tpu.memory_space<hbm>>
    %dma_wait3A_712 = arith.constant 0 : i32
    %dma_wait3A_713 = tpu.memref_slice %arg5[%mul3A_2, %dma_wait3A_712] : memref<819200x128xf32, #tpu.memory_space<hbm>> -> memref<64x128xf32, #tpu.memory_space<hbm>>
    tpu.wait_dma2 semaphore(%arg43 : memref<!tpu.dma_semaphore, #tpu.memory_space<semaphore_mem>>) src(%arg26 : memref<64x128xf32, #tpu.memory_space<vmem>>) dst(%dma_wait3A_713 : memref<64x128xf32, #tpu.memory_space<hbm>>)
    return
  }
}

</mosaic_0001>

<sc_bundles>
// kernel: _run.3.cloned.1.call-start
scs
__scs_entry_jumppad:
0x0: {  	(pc) =	sbr.rel $0x88, $3  }
0x1: {  	(tag) =	ssettag $0x0;
	lr =	simm.s32 $0x1  }
0x2: {  	[smem:$0x3F9E] =	sst lr;
	_ =	strace $0xD0000000  }
0x3: {  	_ = 	snop  }
0x4: {  	_ = 	snop  }
0x5: {  	_ = 	snop  }
0x6: {  	_ = 	snop  }
0x7: {  	_ = 	snop  }
__scs_overlays_trampoline_lowered:
0x8: {  	[smem:$0x3FAD] =	sst s0  }
0x9: {  	[smem:$0x3FAE] =	sst s1  }
0xa: {  	[smem:$0x3FAF] =	sst s2  }
0xb: {  	[smem:$0x3FB0] =	sst s3  }
0xc: {  	[smem:$0x3FB1] =	sst s4  }
0xd: {  	[smem:$0x3FB2] =	sst s5  }
0xe: {  	[smem:$0x3FB3] =	sst s6  }
0xf: {  	[smem:$0x3FB4] =	sst s7  }
0x10: {  	[smem:$0x3FB5] =	sst s8  }
0x11: {  	[smem:$0x3FB6] =	sst s9;
	s0 =	simm.s32 @!p0 $0x0  }
0x12: {  	s1 =	sld [smem:$0x3F9C];
	s0 =	simm.s32 @p0 $0x1  }
0x13: {  	[smem:$0x3FB7] =	sst s0;
	s0 =	simm.s32 @!p1 $0x0  }
0x14: {  	s2 =	sld [smem:$0x3F9B];
	s0 =	simm.s32 @p1 $0x1  }
0x15: {  	[smem:$0x3FB8] =	sst s0;
	s0 =	simm.s32 @!p2 $0x0  }
0x16: {  	s3 =	sld [smem:$0x3FDB];
	s0 =	simm.s32 @p2 $0x1  }
0x17: {  	s4 =	simm.s32 $0x1BF5;
	[smem:$0x3FBA] =	sst s0  }
0x18: {  	s0 =	sld [smem:$0x3F9D];
	_ =	swait.ge [sflag:s4], $0x0  }
0x19: {  	s7 =	sld [smem:$0x3F9E]  }
0x1a: {  	s8 =	sadd.s32 $0xFFFFE003, lr  }
0x1b: {  	s9 =	sadd.s32 $0xFFFFFEF7, lr;
	s5 =	simm.s32 $0xFFFFFFFF;
	p2 =	slt.u32 s8, $0xFFFFF086  }
0x1c: {  	p1 =	slt.u32 s9, $0xF7A;
	s5 =	simm.s32 @!p2 $0x0  }
0x1d: {  	s5 =	simm.s32 @p1 $0x1;
	p0 =	seq.s32 s7, s2  }
0x1e: {  	s7 =	smul.u32 @!p0 $0xF7A, s2;
	p2 =	seq.s32 @!p0 s5, $0x0  }
0x1f: {  	s9 =	smul.u32 $0xF7A, s1;
	s8 =	simm.s32 @!p0 $0x1BF5;
	p2 =	por !p2, p0  }
0x20: {  	[sflag:s8] =	ssyncset.s32 @!p0 $0xFFFFF086;
	s6 =	sadd.s32 @!p0 s3, s7;
	s7 =	simm.s32 @!p0 $0x108  }
0x21: {  	s3 =	sadd.s32 s3, s9;
	s6 =	sadd.s32 @!p0 $0x88, s6;
	s7 =	simm.s32 @p2 $0x1082  }
0x22: {  	[simem:s7], [sflag:s8] =	dma.local @!p0 [hbm:s6], $0xF7A  }
0x23: {  	s9 =	sor.u32 $0xD0000000, s2;
	s6 =	simm.s32 $0x108;
	_ =	swait.ge @!p0 [sflag:s8], $0x0  }
0x24: {  	s3 =	sadd.s32 $0x88, s3;
	s6 =	simm.s32 @!p1 $0x1082;
	[sflag:s4] =	ssyncset.s32 $0xFFFFF086  }
0x25: {  	[simem:s6], [sflag:s4] =	dma.local [hbm:s3], $0xF7A  }
0x26: {  	[smem:$0x3F9E] =	sst s1;
	(tag) =	ssettag s2;
	_ =	strace s9  }
0x27: {  	s1 =	sld [smem:$0x3FAE]  }
0x28: {  	s2 =	sld [smem:$0x3FAF]  }
0x29: {  	s4 =	sld [smem:$0x3FB1]  }
0x2a: {  	p0 =	seq.s32 s5, $0x0;
	s5 =	sld [smem:$0x3FB2]  }
0x2b: {  	s6 =	sld [smem:$0x3FB3]  }
0x2c: {  	s7 =	sld [smem:$0x3FB4]  }
0x2d: {  	s3 =	simm.s32 $0x108;
	s8 =	sld [smem:$0x3FB5]  }
0x2e: {  	s3 =	simm.s32 @!p0 $0x1082;
	s9 =	sld [smem:$0x3FB6]  }
0x2f: {  	lr =	sadd.s32 s0, s3;
	s0 =	sld [smem:$0x3FAD]  }
0x30: {  	s3 =	sld [smem:$0x3FB0]  }
0x31: {  	[smem:$0x3FB9] =	sst s10  }
0x32: {  	s10 =	sld [smem:$0x3FB7];
	_ =	sdelay $0x3  }
0x33: {  	p0 =	seq.s32 s10, $0x1;
	s10 =	sld [smem:$0x3FB9];
	_ =	sdelay $0x3  }
0x34: {  	[smem:$0x3FB9] =	sst s10  }
0x35: {  	s10 =	sld [smem:$0x3FB8];
	_ =	sdelay $0x3  }
0x36: {  	p1 =	seq.s32 s10, $0x1;
	s10 =	sld [smem:$0x3FB9];
	_ =	sdelay $0x3  }
0x37: {  	[smem:$0x3FB9] =	sst s10  }
0x38: {  	s10 =	sld [smem:$0x3FBA]  }
0x39: {  	_ = 	snop;
	(pc) =	sbr.ind lr, $3  }
0x3a: {  	_ = 	snop  }
0x3b: {  	_ = 	snop  }
0x3c: {  	p2 =	seq.s32 s10, $0x1;
	s10 =	sld [smem:$0x3FB9]  }
0x3d: {  	_ =	shalt  }
0x3e: {  	_ =	shalt  }
0x3f: {  	_ =	shalt  }
0x40: {  	_ =	shalt  }
0x41: {  	_ =	shalt  }
0x42: {  	_ =	shalt  }
0x43: {  	_ =	shalt  }
0x44: {  	_ =	shalt  }
0x45: {  	_ =	shalt  }
0x46: {  	_ =	shalt  }
0x47: {  	_ =	shalt  }
0x48: {  	_ =	shalt  }
0x49: {  	_ =	shalt  }
0x4a: {  	_ =	shalt  }
0x4b: {  	_ =	shalt  }
0x4c: {  	_ =	shalt  }
0x4d: {  	_ =	shalt  }
0x4e: {  	_ =	shalt  }
0x4f: {  	_ =	shalt  }
0x50: {  	_ =	shalt  }
0x51: {  	_ =	shalt  }
0x52: {  	_ =	shalt  }
0x53: {  	_ =	shalt  }
0x54: {  	_ =	shalt  }
0x55: {  	_ =	shalt  }
0x56: {  	_ =	shalt  }
0x57: {  	_ =	shalt  }
0x58: {  	_ =	shalt  }
0x59: {  	_ =	shalt  }
0x5a: {  	_ =	shalt  }
0x5b: {  	_ =	shalt  }
0x5c: {  	_ =	shalt  }
0x5d: {  	_ =	shalt  }
0x5e: {  	_ =	shalt  }
0x5f: {  	_ =	shalt  }
0x60: {  	_ =	shalt  }
0x61: {  	_ =	shalt  }
0x62: {  	_ =	shalt  }
0x63: {  	_ =	shalt  }
0x64: {  	_ =	shalt  }
0x65: {  	_ =	shalt  }
0x66: {  	_ =	shalt  }
0x67: {  	_ =	shalt  }
0x68: {  	_ =	shalt  }
0x69: {  	_ =	shalt  }
0x6a: {  	_ =	shalt  }
0x6b: {  	_ =	shalt  }
0x6c: {  	_ =	shalt  }
0x6d: {  	_ =	shalt  }
0x6e: {  	_ =	shalt  }
0x6f: {  	_ =	shalt  }
0x70: {  	_ =	shalt  }
0x71: {  	_ =	shalt  }
0x72: {  	_ =	shalt  }
0x73: {  	_ =	shalt  }
0x74: {  	_ =	shalt  }
0x75: {  	_ =	shalt  }
0x76: {  	_ =	shalt  }
0x77: {  	_ =	shalt  }
0x78: {  	_ =	shalt  }
0x79: {  	_ =	shalt  }
0x7a: {  	_ =	shalt  }
0x7b: {  	_ =	shalt  }
0x7c: {  	_ =	shalt  }
0x7d: {  	_ =	shalt  }
0x7e: {  	_ =	shalt  }
0x7f: {  	_ =	shalt  }
0x80: {  	_ =	shalt  }
0x81: {  	_ =	shalt  }
0x82: {  	_ =	shalt  }
0x83: {  	_ =	shalt  }
0x84: {  	_ =	shalt  }
0x85: {  	_ =	shalt  }
0x86: {  	_ =	shalt  }
0x87: {  	_ =	shalt  }
.Lfunc_end0:
.L_simem_size_0:
called_computation_lowered:
.L_overlay_start_0:
0x88: {  	s2 =	sld [smem:$0x3FD9]  }
0x89: {  	s3 =	sld [smem:$0x3FFE];
	_ =	sdelay $0x1  }
0x8a: {  	s1 =	srdreg.scid  }
0x8b: {  	s0 =	sand.u32 $0x1, s1  }
0x8c: {  	s18 =	sshll.u32 s0, $0xA;
	s2 =	sadd.s32 s3, s2  }
0x8d: {  	s2 =	sadd.s32 s2, s18  }
0x8e: {  	[smem:$0x3FC5] =	sst s2  }
0x8f: {  	_ = 	snop  }
0x90: {  	s2 =	sld [smem:$0x3FC9]  }
0x91: {  	s19 =	sld [smem:$0x3FC8]  }
0x92: {  	s4 =	sld [smem:$0x3FC7]  }
0x93: {  	s5 =	sld [smem:$0x3FD0];
	(tm) =	ssettm $0x1  }
0x94: {  	s6 =	sld [smem:$0x3FFB];
	_ =	sdelay $0x3  }
0x95: {  	_ =	strace s6  }
0x96: {  	s6 =	sld [smem:$0x3FFC];
	_ =	sdelay $0x3  }
0x97: {  	_ =	strace s6  }
0x98: {  	s6 =	sld [smem:$0x3FFD];
	_ =	sdelay $0x3  }
0x99: {  	_ =	strace s6  }
0x9a: {  	_ =	strace $0x8FFFFFFF  }
0x9b: {  	s20 =	sld [smem:$0x3FDB];
	_ =	sdelay $0x1  }
0x9c: {  	s7 =	simm.s32 $_scs_section_size  }
0x9d: {  	s8 =	simm.s32 $_size__tile_overlayer_lowered;
	s9 =	simm.s32 $_tile_overlayer_lowered  }
0x9e: {  	s23 =	simm.s32 $0x1BFF;
	s22 =	sshll.u32 s9, $0x1;
	s6 =	sadd.s32 s7, s20  }
0x9f: {  	s10 =	simm.s32 $0x0;
	s21 =	sshll.u32 s8, $0x1;
	s8 =	sadd.s32 s22, s6  }
0xa0: {  	[timem:s10], [sflag:s23] =	dma.local [hbm:s8], s21  }
0xa1: {  	_ =	swait.ge [sflag:s23], s21  }
0xa2: {  	s7 =	ssub.s32 $0x0, s21;
	[sflag:s23] =	ssyncset.done $0x0  }
0xa3: {  	[sflag:s23] =	ssyncadd.s32 s7;
	_ =	sdelay $0x1  }
0xa4: {  	s24 =	simm.s32 $0x1B8B  }
0xa5: {  	_ =	swait.ge [sflag:s24], $0x1  }
0xa6: {  	[sflag:s24] =	ssyncset.done $0x0  }
0xa7: {  	s25 =	simm.s32 $0x1B8E;
	[sflag:s24] =	ssyncadd.s32 $0xFFFFFFFF  }
0xa8: {  	s26 =	simm.s32 $execute0_lowered;
	[smem:$0x3FD2] =	sst s25  }
0xa9: {  	s7 =	sshll.u32 s26, $0x1;
	_ =	strace $0x80000046;
	[dreg:$0x1] =	wrdreg $0xFFFFFFFF  }
0xaa: {  	s28 =	simm.s32 $_size_execute0_lowered;
	s6 =	sadd.s32 s6, s7;
	[dreg:$0x0] =	wrdreg $0x0  }
0xab: {  	s7 =	sshll.u32 s28, $0x1;
	[dreg:$0x2] =	wrdreg s6  }
0xac: {  	[dreg:$0x3] =	wrdreg s7  }
0xad: {  	[dreg:$0x4] =	wrdreg $0xC0  }
0xae: {  	_ =	task [dreg:s10], $0x5FFFF  }
0xaf: {  	[dreg:$0x1] =	wrdreg $0xFFFFFFFF  }
0xb0: {  	[dreg:$0x0] =	wrdreg $0x60  }
0xb1: {  	[dreg:$0x2] =	wrdreg s2  }
0xb2: {  	[dreg:$0x3] =	wrdreg s19  }
0xb3: {  	[dreg:$0x4] =	wrdreg s4  }
0xb4: {  	[dreg:$0x5] =	wrdreg s5  }
0xb5: {  	[dreg:$0x6] =	wrdreg $0x0  }
0xb6: {  	[dreg:$0x7] =	wrdreg $0x9  }
0xb7: {  	_ =	task.clear_ibuf [dreg:s10], $0x8FFFF;
	_ =	strace $0x90000046  }
0xb8: {  	s29 =	simm.s32 $0x9;
	_ =	strace $0x80000048  }
0xb9: {  	_ =	swait.ge [sflag:s29], $0x1  }
0xba: {  	[sflag:s29] =	ssyncadd.s32 $0xFFFFFFFF  }
0xbb: {  	_ =	strace $0x90000048  }
0xbc: {  	_ =	sfence  }
0xbd: {  	s30 =	sld [smem:$0x0];
	_ =	sdelay $0x2  }
0xbe: {  	s31 =	sshll.u32 s1, $0xD;
	s1 =	sshrl.u32 s1, $0x2  }
0xbf: {  	s3 =	sand.u32 $0x4000, s31;
	s1 =	sadd.s32 s1, s30  }
0xc0: {  	s0 =	sor.u32 s3, s0;
	s1 =	sshll.u32 s1, $0x11  }
0xc1: {  	s0 =	sor.u32 s1, s0  }
0xc2: {  	s0 =	sadd.s32 $0x8F2B, s0  }
0xc3: {  	[sflag:s0] =	ssyncadd.remote.s32 $0x1  }
0xc4: {  	_ =	sfence.sel $0xFFFF  }
0xc5: {  	[dreg:$0x0] =	wrdreg $0xFFFFFFFF;
	(pc) =	sbr.abs _section_cstart, $3  }
0xc6: {  	[dreg:$0x1] =	wrdreg $0xFFFFFFFF  }
0xc7: {  	_ =	task.clear_ibuf [dreg:s10], $0x2FFFF;
	_ =	strace $0x9FFFFFFF  }
0xc8: {  	(tm) =	ssettm $0x7FFFFFFF  }
0xc9: {  	_ =	shalt  }
tec
execute0_lowered:
.L_overlay_start_1:
0x0: {  	(tag) =	ssettag $0x1  }
0x1: {  	s0 =	srdreg.scid  }
0x2: {  	s21 =	stileid.u32;
	s1 =	sand.u32 $0x1, s0  }
0x3: {  	s3 =	smul.u32 $0xD0, s21;
	s0 =	sshll.u32 s1, $0x4  }
0x4: {  	s2 =	sor.u32 s21, s0  }
0x5: {  	v0 =	vlaneseq.u32;
	s4 =	sadd.s32 $0x10, s3;
	s0 =	smul.u32 $0x6400, s2  }
0x6: {  	v1 =	vor.u32 s3, v0;
	s14 =	sadd.s32 $0x20, s3;
	s5 =	sadd.s32 $0x30, s3;
	v2 =	vor.u32 s4, v0  }
0x7: {  	s15 =	sadd.s32 $0x40, s3;
	v3 =	vor.u32 s14, v0;
	v4 =	vor.u32 s5, v0;
	v14 =	vor.u32 s0, v0;
	s16 =	sor.u32 $0x10, s0  }
0x8: {  	s17 =	sadd.s32 $0x50, s3;
	v5 =	vor.u32 s15, v0;
	s23 =	sor.u32 $0x20, s0;
	v12 =	vmulhi.u32 $0x51EB851F, v14;
	v15 =	vor.u32 s16, v0  }
0x9: {  	s6 =	sadd.s32 $0x60, s3;
	v6 =	vor.u32 s17, v0;
	s26 =	sor.u32 $0x40, s0;
	v18 =	vor.u32 s23, v0;
	v13 =	vmulhi.u32 $0x51EB851F, v15  }
0xa: {  	s18 =	sadd.s32 $0x70, s3;
	v7 =	vor.u32 s6, v0;
	s11 =	sor.u32 $0x50, s0;
	v20 =	vor.u32 s26, v0;
	v19 =	vmulhi.u32 $0x51EB851F, v18  }
0xb: {  	s19 =	sadd.s32 $0x80, s3;
	v8 =	vor.u32 s18, v0;
	s12 =	sor.u32 $0x60, s0;
	v22 =	vor.u32 s11, v0;
	v21 =	vmulhi.u32 $0x51EB851F, v20  }
0xc: {  	s22 =	sadd.s32 $0xA0, s3;
	v9 =	vor.u32 s19, v0;
	s10 =	sor.u32 $0xC0, s0;
	v24 =	vor.u32 s12, v0;
	v23 =	vmulhi.u32 $0x51EB851F, v22  }
0xd: {  	s9 =	rddreg [dreg:$0x0];
	s20 =	sadd.s32 $0x90, s3;
	v11 =	vor.u32 s22, v0;
	s22 =	sor.u32 $0x120, s0;
	v30 =	vor.u32 s10, v0;
	v25 =	vmulhi.u32 $0x51EB851F, v24  }
0xe: {  	v10 =	vor.u32 s20, v0;
	s13 =	sor.u32 $0x70, s0;
	s18 =	sshrl.u32 s0, $0x3;
	s16 =	sor.u32 $0xB0, s0;
	v37 =	vor.u32 s22, v0;
	v31 =	vmulhi.u32 $0x51EB851F, v30  }
0xf: {  	v26 =	vor.u32 s13, v0;
	s9 =	sadd.s32 s9, s18;
	s23 =	sor.u32 $0x130, s0;
	s18 =	sor.u32 $0x170, s0;
	v28 =	vor.u32 s16, v0;
	v38 =	vmulhi.u32 $0x51EB851F, v37  }
0x10: {  	s22 =	sor.u32 $0x1C0, s0;
	v39 =	vor.u32 s23, v0;
	v41 =	vor.u32 s18, v0;
	v29 =	vmulhi.u32 $0x51EB851F, v28  }
0x11: {  	s16 =	sor.u32 $0x110, s0;
	s23 =	sor.u32 $0x1D0, s0;
	v46 =	vor.u32 s22, v0;
	v12 =	vshrl.u32 v12, $0x6;
	v54 =	vmulhi.u32 $0x51EB851F, v39  }
0x12: {  	s24 =	sadd.s32 $0xB0, s3;
	s6 =	rddreg [dreg:$0x3];
	s4 =	simm.s32 $0x0;
	v35 =	vor.u32 s16, v0;
	v61 =	vmulhi.u32 $0x51EB851F, v41;
	v47 =	vor.u32 s23, v0  }
0x13: {  	s3 =	sadd.s32 $0xC0, s3;
	[smem:$0x7FF] =	sst s4;
	v52 =	vmulhi.u32 $0x51EB851F, v46;
	v13 =	vshrl.u32 v13, $0x6;
	v16 =	vmul.u32 $0xC8, v12  }
0x14: {  	s20 =	sshll.u32 s21, $0x4;
	s11 =	rddreg [dreg:$0x1];
	v12 =	vor.u32 s24, v0;
	v36 =	vmulhi.u32 $0x51EB851F, v35;
	s24 =	sor.u32 $0x140, s0;
	v17 =	vmul.u32 $0xC8, v13  }
0x15: {  	s25 =	sor.u32 $0x30, s0;
	s11 =	sadd.s32 s11, s20;
	v53 =	vshrl.u32 v38, $0x6;
	v13 =	vor.u32 s3, v0;
	s3 =	rddreg [dreg:$0x4];
	v55 =	vor.u32 s24, v0  }
0x16: {  	_ =	strace $0x80000047;
	[dreg:$0x8] =	wrdreg s11;
	v14 =	vsub.s32 v14, v16;
	v15 =	vsub.s32 v15, v17;
	v17 =	vor.u32 s25, v0  }
0x17: {  	s11 =	sor.u32 $0x190, s0;
	s16 =	sshll.u32 s24, $0x4;
	s24 =	sor.u32 $0x1E0, s0;
	v16 =	vshrl.u32 v19, $0x6;
	v36 =	vshrl.u32 v36, $0x6;
	v19 =	vmulhi.u32 $0x51EB851F, v17  }
0x18: {  	v57 =	vmulhi.u32 $0x51EB851F, v55;
	v42 =	vor.u32 s11, v0;
	v48 =	vor.u32 s24, v0  }
0x19: {  	v16 =	vmul.u32 $0xC8, v16;
	s25 =	sor.u32 $0x150, s0;
	v36 =	vmul.u32 $0xC8, v36;
	v19 =	vshrl.u32 v19, $0x6  }
0x1a: {  	v43 =	vmulhi.u32 $0x51EB851F, v42;
	v56 =	vor.u32 s25, v0;
	v19 =	vmul.u32 $0xC8, v19  }
0x1b: {  	v16 =	vsub.s32 v18, v16;
	v18 =	vshrl.u32 v21, $0x6;
	v21 =	vmulhi.u32 $0x51EB851F, v26  }
0x1c: {  	v18 =	vmul.u32 $0xC8, v18;
	v17 =	vsub.s32 v17, v19;
	v19 =	vshrl.u32 v23, $0x6  }
0x1d: {  	v21 =	vshrl.u32 v21, $0x6;
	v23 =	vshrl.u32 v25, $0x6;
	v19 =	vmul.u32 $0xC8, v19  }
0x1e: {  	s7 =	sor.u32 $0x80, s0;
	v40 =	vmulhi.u32 $0x51EB851F, v56;
	v21 =	vmul.u32 $0xC8, v21;
	v23 =	vmul.u32 $0xC8, v23  }
0x1f: {  	s14 =	sor.u32 $0x90, s0;
	v18 =	vsub.s32 v20, v18;
	v25 =	vor.u32 s7, v0;
	v19 =	vsub.s32 v22, v19  }
0x20: {  	s15 =	sor.u32 $0xA0, s0;
	v22 =	vmulhi.u32 $0x51EB851F, v25;
	v20 =	vsub.s32 v24, v23;
	v23 =	vor.u32 s14, v0  }
0x21: {  	v21 =	vsub.s32 v26, v21;
	v26 =	vor.u32 s15, v0;
	s14 =	smul.u32 $0x1A000, s21;
	v24 =	vmulhi.u32 $0x51EB851F, v23  }
0x22: {  	v43 =	vshrl.u32 v43, $0x6;
	v27 =	vmulhi.u32 $0x51EB851F, v26;
	v22 =	vshrl.u32 v22, $0x6  }
0x23: {  	v43 =	vmul.u32 $0xC8, v43;
	s19 =	sshrl.u32 s14, $0x2;
	v22 =	vmul.u32 $0xC8, v22;
	v24 =	vshrl.u32 v24, $0x6  }
0x24: {  	[dreg:$0x7] =	wrdreg s9;
	v59 =	vshrl.u32 v40, $0x6;
	v27 =	vshrl.u32 v27, $0x6;
	s9 =	sadd.s32 s19, s3;
	s19 =	sor.u32 $0x180, s0;
	v24 =	vmul.u32 $0xC8, v24  }
0x25: {  	s15 =	sor.u32 $0xF0, s0;
	v63 =	vor.u32 s19, v0;
	v22 =	vsub.s32 v25, v22;
	v25 =	vmul.u32 $0xC8, v27  }
0x26: {  	s29 =	simm.s32 $0x11D80;
	s31 =	simm.s32 $0xDB00;
	s28 =	simm.s32 $0xDD00;
	v27 =	vshrl.u32 v29, $0x6;
	v29 =	vshrl.u32 v31, $0x6;
	v31 =	vor.u32 s15, v0  }
0x27: {  	s30 =	simm.s32 $0x9;
	p0 =	sgt.u32 s21, $0xC;
	s15 =	sor.u32 $0x100, s0;
	v23 =	vsub.s32 v23, v24;
	v27 =	vmul.u32 $0xC8, v27;
	v32 =	vmulhi.u32 $0x51EB851F, v31  }
0x28: {  	s8 =	sor.u32 $0xD0, s0;
	s17 =	sor.u32 $0xE0, s0;
	s12 =	ssub.s32 $0x2, s1;
	v33 =	vor.u32 s15, v0;
	v24 =	vsub.s32 v26, v25;
	v26 =	vmul.u32 $0xC8, v29  }
0x29: {  	s5 =	sshll.u32 s26, $0x4;
	s26 =	sshll.u32 s7, $0x4;
	s13 =	sshrl.u32 s12, $0x1;
	v29 =	vor.u32 s8, v0;
	v34 =	vmulhi.u32 $0x51EB851F, v33;
	v25 =	vsub.s32 v28, v27  }
0x2a: {  	s20 =	smul.u32 $0x64000, s2;
	s8 =	ssub.s32 s12, s13;
	s12 =	sor.u32 $0x1A0, s0;
	v27 =	vmulhi.u32 $0x51EB851F, v29;
	v28 =	vor.u32 s17, v0;
	v32 =	vshrl.u32 v32, $0x6  }
0x2b: {  	s5 =	sadd.s32 s6, s5;
	s2 =	smul.u32 $0x320000, s2;
	s13 =	sor.u32 $0x1B0, s0;
	v44 =	vor.u32 s12, v0;
	v26 =	vsub.s32 v30, v26;
	v30 =	vmulhi.u32 $0x51EB851F, v28  }
0x2c: {  	s22 =	simm.s32 $0x40;
	s20 =	sadd.s32 s6, s20;
	s17 =	sor.u32 $0x160, s0;
	v45 =	vor.u32 s13, v0;
	v32 =	vmul.u32 $0xC8, v32;
	v49 =	vmulhi.u32 $0x51EB851F, v44  }
0x2d: {  	s23 =	simm.s32 $0xD;
	[dreg:$0x9] =	wrdreg s20;
	s0 =	sor.u32 $0x1F0, s0;
	v34 =	vshrl.u32 v34, $0x6;
	v58 =	vor.u32 s17, v0;
	v51 =	vmulhi.u32 $0x51EB851F, v45  }
0x2e: {  	s2 =	sshrl.u32 s2, $0x3;
	[dreg:$0xa] =	wrdreg s5;
	s5 =	sadd.s32 s6, s26;
	v50 =	vor.u32 s0, v0;
	v27 =	vshrl.u32 v27, $0x6;
	v60 =	vmulhi.u32 $0x51EB851F, v58  }
0x2f: {  	s20 =	smul.u32 $0x64000, s21;
	s2 =	sadd.s32 s6, s2;
	[dreg:$0xb] =	wrdreg s5;
	v34 =	vmul.u32 $0xC8, v34;
	v27 =	vmul.u32 $0xC8, v27;
	v30 =	vshrl.u32 v30, $0x6  }
0x30: {  	s2 =	sadd.s32 $0x63C00, s2;
	s11 =	simm.s32 $0x3;
	s7 =	sshll.u32 s10, $0x4;
	v30 =	vmul.u32 $0xC8, v30;
	v62 =	vshrl.u32 v60, $0x6;
	v60 =	vshrl.u32 v51, $0x6  }
0x31: {  	s24 =	simm.s32 $0x8;
	[dreg:$0x10] =	wrdreg s2;
	s5 =	sadd.s32 s6, s7;
	v27 =	vsub.s32 v29, v27;
	v29 =	vsub.s32 v31, v32;
	v31 =	vsub.s32 v35, v36  }
0x32: {  	s2 =	simm.s32 $0xDD80;
	[dreg:$0xc] =	wrdreg s5;
	s14 =	simm.s32 $0x6;
	v32 =	vmul.u32 $0xC8, v53;
	v36 =	vshrl.u32 v57, $0x6;
	v57 =	vmulhi.u32 $0x51EB851F, v47  }
0x33: {  	s18 =	sshll.u32 s19, $0x4;
	s26 =	sshrl.u32 s9, $0x3;
	s19 =	simm.s32 $0x11;
	v28 =	vsub.s32 v28, v30;
	v30 =	vsub.s32 v33, v34;
	v33 =	vshrl.u32 v54, $0x6  }
0x34: {  	s9 =	simm.s32 $0x19D80;
	s10 =	sshll.u32 s15, $0x4;
	s15 =	smul.u32 $0x64000, s1;
	v36 =	vmul.u32 $0xC8, v36;
	v32 =	vsub.s32 v37, v32;
	v37 =	vmul.u32 $0xC8, v59  }
0x35: {  	[dreg:$0x13] =	wrdreg s26;
	s1 =	smul.u32 $0x640000, s1;
	s5 =	sadd.s32 s6, s10;
	v33 =	vmul.u32 $0xC8, v33;
	v59 =	vmulhi.u32 $0x51EB851F, v48;
	v40 =	vshrl.u32 v57, $0x6  }
0x36: {  	s26 =	simm.s32 $0xF;
	s10 =	simm.s32 $0x10;
	[dreg:$0xd] =	wrdreg s5;
	v34 =	vsub.s32 v55, v36;
	v35 =	vsub.s32 v56, v37;
	v56 =	vmulhi.u32 $0x51EB851F, v63  }
0x37: {  	s5 =	sadd.s32 s6, s16;
	s1 =	sadd.s32 s1, s6;
	s25 =	smax.u32 s8, $0x1;
	v36 =	vmul.u32 $0xC8, v62;
	v55 =	vshrl.u32 v61, $0x6;
	v61 =	vshrl.u32 v52, $0x6  }
0x38: {  	s8 =	simm.s32 $0xDA80;
	s12 =	simm.s32 $0x4;
	s13 =	simm.s32 $0x5;
	v62 =	vmulhi.u32 $0x51EB851F, v50;
	v33 =	vsub.s32 v39, v33;
	v39 =	vshrl.u32 v56, $0x6  }
0x39: {  	s16 =	simm.s32 $0xA;
	s17 =	smul.u32 $0x6400, s21;
	[dreg:$0xe] =	wrdreg s5;
	v37 =	vmul.u32 $0xC8, v55;
	v36 =	vsub.s32 v58, v36;
	v39 =	vmul.u32 $0xC8, v39  }
0x3a: {  	s5 =	sadd.s32 s6, s18;
	s1 =	sadd.s32 s20, s1;
	[dreg:$0x11] =	wrdreg s25;
	v58 =	vshrl.u32 v49, $0x6;
	v49 =	vmul.u32 $0xC8, v61;
	v51 =	vshrl.u32 v62, $0x6  }
0x3b: {  	s6 =	simm.s32 $0x10;
	s20 =	simm.s32 $0xC;
	s25 =	simm.s32 $0xE;
	v37 =	vsub.s32 v41, v37;
	v41 =	vmul.u32 $0xC8, v58;
	v38 =	vsub.s32 v63, v39  }
0x3c: {  	s18 =	simm.s32 $0x15D80;
	s21 =	simm.s32 $0x1BD80;
	[dreg:$0xf] =	wrdreg s5;
	v39 =	vsub.s32 v42, v43;
	v43 =	vmul.u32 $0xC8, v60;
	v42 =	vshrl.u32 v59, $0x6  }
0x3d: {  	s1 =	sadd.s32 $0x1C00, s1;
	s5 =	simm.s32 $0x0;
	s7 =	sadd.s32 s17, s15;
	v51 =	vmul.u32 $0xC8, v51;
	v63 =	vmul.u32 $0xC8, v40;
	v53 =	vmul.u32 $0xC8, v42  }
0x3e: {  	[dreg:$0x12] =	wrdreg s1;
	s17 =	simm.s32 $0xD980;
	s1 =	simm.s32 $0xFD80;
	v40 =	vsub.s32 v44, v41;
	v42 =	vsub.s32 v46, v49;
	v41 =	vsub.s32 v45, v43  }
0x3f: {  	s15 =	simm.s32 $0x7;
	[dreg:$0x6] =	wrdreg s7;
	s7 =	simm.s32 $0xDA00;
	v43 =	vsub.s32 v47, v63;
	v45 =	vsub.s32 v50, v51;
	v44 =	vsub.s32 v48, v53  }
.LBB2_1:
.Ltmp0:
0x40: {  	(pc) =	sbr.rel @p0 .LBB2_5-.Ltmp0, $4  }
0x41: {  	_ = 	snop  }
0x42: {  	[dreg:$0x14] =	wrdreg s5  }
0x43: {  	s0 =	rddreg [dreg:$0x7];
	s5 =	simm.s32 $0x5500  }
0x44: {  	[tilespmem:s5], [sflag:$0x1] =	stream.linear.gather [hbm4b:s0+s4], $0x6400, $0x38;
	[tilespmem:$0x1DD80] =	vst v63  }
0x45: {  	s0 =	stileid.u32  }
0x46: {  	s5 =	rddreg [dreg:$0x2];
	s0 =	sshll.u32 s0, $0x6  }
0x47: {  	s8 =	rddreg [dreg:$0x13];
	s29 =	simm.s32 $0x5480;
	s0 =	sor.u32 $0x1C02, s0  }
0x48: {  	[spmem:s8], [sflag:s0] =	dma.local [hbm:s5], $0xD00  }
0x49: {  	s31 =	simm.s32 $0x12;
	s0 =	simm.s32 $0x0;
	s5 =	rddreg [dreg:$0x8]  }
0x4a: {  	[tilespmem:s29], [sflag:$0x12] =	stream.linear.gather [hbm4b:s5+s0], $0x80, $0x38;
	[tilespmem:$0x1DD80] =	vst v63  }
0x4b: {  	_ =	swait.ge [sflag:s31], $0x80  }
0x4c: {  	[sflag:s31] =	ssyncset.done $0x0  }
0x4d: {  	[sflag:s31] =	ssyncadd.s32 $0xFFFFFF80  }
0x4e: {  	s1 =	simm.s32 $0x2;
	s5 =	simm.s32 $0x200;
	v46 =	vld [tilespmem:$0x5480]  }
.LBB2_3:
0x4f: {  	p1 =	sne.s32 s5, $0x7E00;
	_ =	sdelay $0x2  }
0x50: {  	s8 =	sshra.s32 s0, $0x2;
	s0 =	smov.u32 s5  }
0x51: {  	[tilespmem:s8+$0xB900] =	vst v46  }
0x52: {  	v46 =	vld [tilespmem:$0x5490];
	_ =	sdelay $0x4  }
0x53: {  	[tilespmem:s8+$0xB910] =	vst v46  }
0x54: {  	v46 =	vld [tilespmem:$0x54A0];
	_ =	sdelay $0x4  }
0x55: {  	[tilespmem:s8+$0xB920] =	vst v46  }
0x56: {  	v46 =	vld [tilespmem:$0x54B0];
	_ =	sdelay $0x4  }
0x57: {  	[tilespmem:s8+$0xB930] =	vst v46  }
0x58: {  	v46 =	vld [tilespmem:$0x54C0];
	_ =	sdelay $0x4  }
0x59: {  	[tilespmem:s8+$0xB940] =	vst v46  }
0x5a: {  	v46 =	vld [tilespmem:$0x54D0];
	_ =	sdelay $0x4  }
0x5b: {  	[tilespmem:s8+$0xB950] =	vst v46  }
0x5c: {  	v46 =	vld [tilespmem:$0x54E0];
	_ =	sdelay $0x4  }
0x5d: {  	[tilespmem:s8+$0xB960] =	vst v46  }
0x5e: {  	v46 =	vld [tilespmem:$0x54F0];
	_ =	sdelay $0x1  }
.Ltmp1:
0x5f: {  	(pc) =	sbr.rel @p1 .LBB2_3-.Ltmp1, $3  }
0x60: {  	_ =	sdelay $0x1  }
0x61: {  	[tilespmem:s8+$0xB970] =	vst v46  }
0x62: {  	s5 =	sadd.s32 $0x200, s5;
	v46 =	vld [tilespmem:$0x5480]  }
0x63: {  	_ =	sdelay $0x2  }
0x64: {  	s0 =	sshra.s32 s0, $0x2  }
0x65: {  	[tilespmem:s0+$0xB900] =	vst v46  }
0x66: {  	v46 =	vld [tilespmem:$0x5490];
	_ =	sdelay $0x4  }
0x67: {  	[tilespmem:s0+$0xB910] =	vst v46  }
0x68: {  	v46 =	vld [tilespmem:$0x54A0];
	_ =	sdelay $0x4  }
0x69: {  	[tilespmem:s0+$0xB920] =	vst v46  }
0x6a: {  	v46 =	vld [tilespmem:$0x54B0];
	_ =	sdelay $0x4  }
0x6b: {  	[tilespmem:s0+$0xB930] =	vst v46  }
0x6c: {  	v46 =	vld [tilespmem:$0x54C0];
	_ =	sdelay $0x4  }
0x6d: {  	[tilespmem:s0+$0xB940] =	vst v46  }
0x6e: {  	v46 =	vld [tilespmem:$0x54D0];
	_ =	sdelay $0x4  }
0x6f: {  	[tilespmem:s0+$0xB950] =	vst v46  }
0x70: {  	v46 =	vld [tilespmem:$0x54E0];
	_ =	sdelay $0x4  }
0x71: {  	[tilespmem:s0+$0xB960] =	vst v46  }
0x72: {  	v46 =	vld [tilespmem:$0x54F0];
	_ =	sdelay $0x4  }
0x73: {  	[tilespmem:s0+$0xB970] =	vst v46  }
0x74: {  	[tilespmem:$0xD980] =	vst v1  }
0x75: {  	[tilespmem:$0xD990] =	vst v2  }
0x76: {  	[tilespmem:$0xD9A0] =	vst v3  }
0x77: {  	[tilespmem:$0xD9B0] =	vst v4  }
0x78: {  	[tilespmem:$0xDA00] =	vst v5  }
0x79: {  	[tilespmem:$0xDA10] =	vst v6  }
0x7a: {  	[tilespmem:$0xDA20] =	vst v7  }
0x7b: {  	[tilespmem:$0xDA30] =	vst v8  }
0x7c: {  	[tilespmem:$0xDA80] =	vst v9  }
0x7d: {  	[tilespmem:$0xDA90] =	vst v10  }
0x7e: {  	[tilespmem:$0xDAA0] =	vst v11  }
0x7f: {  	[tilespmem:$0xDAB0] =	vst v12  }
0x80: {  	[tilespmem:$0xD900] =	vst v13  }
0x81: {  	_ =	swait.ge [sflag:s1], $0xD00  }
0x82: {  	[sflag:s1] =	ssyncset.done $0x0  }
0x83: {  	s5 =	simm.s32 $0xB900;
	s2 =	simm.s32 $0x12;
	[sflag:s1] =	ssyncadd.s32 $0xFFFFF300  }
0x84: {  	[spmem:s3] =	stream.indirect.scatter.add.f32 [tilespmem:s5], [sflag:$0x12], $0x80, s17, s22, $0xb8;
	[tilespmem:$0x1DD80] =	vst v63  }
0x85: {  	_ =	swait.ge [sflag:s2], $0x2000  }
0x86: {  	[sflag:s2] =	ssyncset.done $0x0  }
0x87: {  	[sflag:s2] =	ssyncadd.s32 $0xFFFFE000  }
0x88: {  	[spmem:s3] =	stream.indirect.scatter.add.f32 [tilespmem:s5], [sflag:$0x12], $0x80, s7, s22, $0xb8;
	[tilespmem:$0x1DD80] =	vst v63  }
0x89: {  	_ =	swait.ge [sflag:s2], $0x2000  }
0x8a: {  	[sflag:s2] =	ssyncset.done $0x0  }
0x8b: {  	s8 =	simm.s32 $0xDA80;
	[sflag:s2] =	ssyncadd.s32 $0xFFFFE000  }
0x8c: {  	[spmem:s3] =	stream.indirect.scatter.add.f32 [tilespmem:s5], [sflag:$0x12], $0x80, s8, s22, $0xb8;
	[tilespmem:$0x1DD80] =	vst v63  }
0x8d: {  	_ =	swait.ge [sflag:s2], $0x2000  }
0x8e: {  	[sflag:s2] =	ssyncset.done $0x0  }
0x8f: {  	s31 =	simm.s32 $0xD900;
	[sflag:s2] =	ssyncadd.s32 $0xFFFFE000  }
0x90: {  	[spmem:s3] =	stream.indirect.scatter.add.f32 [tilespmem:s5], [sflag:$0x12], $0x80, s31, s6, $0xb8;
	[tilespmem:$0x1DD80] =	vst v63  }
0x91: {  	_ =	swait.ge [sflag:s2], $0x800  }
0x92: {  	s29 =	simm.s32 $0x11D80;
	s1 =	simm.s32 $0xFD80;
	[sflag:s2] =	ssyncset.done $0x0  }
0x93: {  	s31 =	simm.s32 $0xDB00;
	[sflag:s2] =	ssyncadd.s32 $0xFFFFF800;
	s2 =	simm.s32 $0xDD80  }
.LBB2_5:
0x94: {  	s0 =	simm.s32 $0x1  }
0x95: {  	_ =	swait.ge [sflag:s0], $0x6400  }
0x96: {  	[sflag:s0] =	ssyncset.done $0x0  }
0x97: {  	[sflag:s0] =	ssyncadd.s32 $0xFFFF9C00  }
0x98: {  	[bflag:$0x0] =	sbarrier.arrive $0xFFFF  }
0x99: {  	v46 =	vld [tilespmem:$0x5500]  }
0x9a: {  	v47 =	vld [tilespmem:$0x5510]  }
0x9b: {  	v48 =	vld [tilespmem:$0x5520]  }
0x9c: {  	v49 =	vld [tilespmem:$0x5530];
	_ =	sdelay $0x1  }
0x9d: {  	v46 =	vmul.u32 $0xD0, v46  }
0x9e: {  	v47 =	vmul.u32 $0xD0, v47  }
0x9f: {  	v48 =	vmul.u32 $0xD0, v48;
	v46 =	vadd.s32 v14, v46  }
0xa0: {  	v57 =	vmul.u32 $0xD0, v49;
	v56 =	vadd.s32 v15, v47;
	[tilespmem:$0xD980] =	vst v46  }
0xa1: {  	v58 =	vadd.s32 v16, v48;
	[tilespmem:$0xD990] =	vst v56  }
0xa2: {  	v59 =	vadd.s32 v17, v57;
	[tilespmem:$0xD9A0] =	vst v58  }
0xa3: {  	[tilespmem:$0xD9B0] =	vst v59  }
0xa4: {  	[tilespmem:s2], [sflag:$0x2] =	stream.indirect.gather [spmem:s3], $0x80, s17, s22, $0xb8;
	[tilespmem:$0x1DD80] =	vst v63  }
0xa5: {  	v60 =	vld [tilespmem:$0x5540]  }
0xa6: {  	v61 =	vld [tilespmem:$0x5550]  }
0xa7: {  	v62 =	vld [tilespmem:$0x5560]  }
0xa8: {  	v63 =	vld [tilespmem:$0x5570];
	_ =	sdelay $0x1  }
0xa9: {  	v46 =	vmul.u32 $0xD0, v60  }
0xaa: {  	v47 =	vmul.u32 $0xD0, v61  }
0xab: {  	v48 =	vmul.u32 $0xD0, v62;
	v46 =	vadd.s32 v18, v46  }
0xac: {  	v52 =	vmul.u32 $0xD0, v63;
	v51 =	vadd.s32 v19, v47;
	[tilespmem:$0xDA00] =	vst v46  }
0xad: {  	v53 =	vadd.s32 v20, v48;
	[tilespmem:$0xDA10] =	vst v51  }
0xae: {  	v54 =	vadd.s32 v21, v52;
	[tilespmem:$0xDA20] =	vst v53  }
0xaf: {  	[tilespmem:$0xDA30] =	vst v54  }
0xb0: {  	[tilespmem:s1], [sflag:$0x3] =	stream.indirect.gather [spmem:s3], $0x80, s7, s22, $0xb8;
	[tilespmem:$0x1DD80] =	vst v63  }
0xb1: {  	v55 =	vld [tilespmem:$0x5580]  }
0xb2: {  	v56 =	vld [tilespmem:$0x5590]  }
0xb3: {  	v57 =	vld [tilespmem:$0x55A0]  }
0xb4: {  	v58 =	vld [tilespmem:$0x55B0];
	_ =	sdelay $0x1  }
0xb5: {  	v46 =	vmul.u32 $0xD0, v55  }
0xb6: {  	v47 =	vmul.u32 $0xD0, v56  }
0xb7: {  	v48 =	vmul.u32 $0xD0, v57;
	v46 =	vadd.s32 v22, v46  }
0xb8: {  	v60 =	vmul.u32 $0xD0, v58;
	v59 =	vadd.s32 v23, v47;
	[tilespmem:$0xDA80] =	vst v46  }
0xb9: {  	v61 =	vadd.s32 v24, v48;
	[tilespmem:$0xDA90] =	vst v59  }
0xba: {  	v62 =	vadd.s32 v25, v60;
	[tilespmem:$0xDAA0] =	vst v61  }
0xbb: {  	[tilespmem:$0xDAB0] =	vst v62  }
0xbc: {  	[tilespmem:s29], [sflag:$0x4] =	stream.indirect.gather [spmem:s3], $0x80, s8, s22, $0xb8;
	[tilespmem:$0x1DD80] =	vst v63  }
0xbd: {  	v63 =	vld [tilespmem:$0x55C0]  }
0xbe: {  	v52 =	vld [tilespmem:$0x55D0]  }
0xbf: {  	v53 =	vld [tilespmem:$0x55E0]  }
0xc0: {  	v54 =	vld [tilespmem:$0x55F0];
	_ =	sdelay $0x1  }
0xc1: {  	v46 =	vmul.u32 $0xD0, v63  }
0xc2: {  	v47 =	vmul.u32 $0xD0, v52  }
0xc3: {  	v48 =	vmul.u32 $0xD0, v53;
	v46 =	vadd.s32 v26, v46  }
0xc4: {  	v56 =	vmul.u32 $0xD0, v54;
	v55 =	vadd.s32 v27, v47;
	[tilespmem:$0xDB00] =	vst v46  }
0xc5: {  	v57 =	vadd.s32 v28, v48;
	[tilespmem:$0xDB10] =	vst v55  }
0xc6: {  	v58 =	vadd.s32 v29, v56;
	[tilespmem:$0xDB20] =	vst v57  }
0xc7: {  	s6 =	simm.s32 $0x13D80;
	[tilespmem:$0xDB30] =	vst v58  }
0xc8: {  	[tilespmem:s6], [sflag:$0x5] =	stream.indirect.gather [spmem:s3], $0x80, s31, s22, $0xb8;
	[tilespmem:$0x1DD80] =	vst v63  }
0xc9: {  	v59 =	vld [tilespmem:$0x5600]  }
0xca: {  	v60 =	vld [tilespmem:$0x5610]  }
0xcb: {  	v61 =	vld [tilespmem:$0x5620]  }
0xcc: {  	v62 =	vld [tilespmem:$0x5630];
	_ =	sdelay $0x1  }
0xcd: {  	v46 =	vmul.u32 $0xD0, v59  }
0xce: {  	v47 =	vmul.u32 $0xD0, v60  }
0xcf: {  	v48 =	vmul.u32 $0xD0, v61;
	v46 =	vadd.s32 v30, v46  }
0xd0: {  	v49 =	vmul.u32 $0xD0, v62;
	v63 =	vadd.s32 v31, v47;
	[tilespmem:$0xDB80] =	vst v46  }
0xd1: {  	v50 =	vadd.s32 v32, v48;
	[tilespmem:$0xDB90] =	vst v63  }
0xd2: {  	v51 =	vadd.s32 v33, v49;
	[tilespmem:$0xDBA0] =	vst v50  }
0xd3: {  	s7 =	simm.s32 $0xDB80;
	[tilespmem:$0xDBB0] =	vst v51  }
0xd4: {  	[tilespmem:s18], [sflag:$0x6] =	stream.indirect.gather [spmem:s3], $0x80, s7, s22, $0xb8;
	[tilespmem:$0x1DD80] =	vst v63  }
0xd5: {  	v52 =	vld [tilespmem:$0x5640]  }
0xd6: {  	v53 =	vld [tilespmem:$0x5650]  }
0xd7: {  	v54 =	vld [tilespmem:$0x5660]  }
0xd8: {  	v55 =	vld [tilespmem:$0x5670];
	_ =	sdelay $0x1  }
0xd9: {  	v46 =	vmul.u32 $0xD0, v52  }
0xda: {  	v47 =	vmul.u32 $0xD0, v53  }
0xdb: {  	v48 =	vmul.u32 $0xD0, v54;
	v46 =	vadd.s32 v34, v46  }
0xdc: {  	v57 =	vmul.u32 $0xD0, v55;
	v56 =	vadd.s32 v35, v47;
	[tilespmem:$0xDC00] =	vst v46  }
0xdd: {  	v58 =	vadd.s32 v36, v48;
	[tilespmem:$0xDC10] =	vst v56  }
0xde: {  	v59 =	vadd.s32 v37, v57;
	[tilespmem:$0xDC20] =	vst v58  }
0xdf: {  	s8 =	simm.s32 $0xDC00;
	s7 =	simm.s32 $0x17D80;
	[tilespmem:$0xDC30] =	vst v59  }
0xe0: {  	[tilespmem:s7], [sflag:$0x7] =	stream.indirect.gather [spmem:s3], $0x80, s8, s22, $0xb8;
	[tilespmem:$0x1DD80] =	vst v63  }
0xe1: {  	v60 =	vld [tilespmem:$0x5680]  }
0xe2: {  	v61 =	vld [tilespmem:$0x5690]  }
0xe3: {  	v62 =	vld [tilespmem:$0x56A0]  }
0xe4: {  	v63 =	vld [tilespmem:$0x56B0];
	_ =	sdelay $0x1  }
0xe5: {  	v46 =	vmul.u32 $0xD0, v60  }
0xe6: {  	v47 =	vmul.u32 $0xD0, v61  }
0xe7: {  	v48 =	vmul.u32 $0xD0, v62;
	v46 =	vadd.s32 v38, v46  }
0xe8: {  	v53 =	vmul.u32 $0xD0, v63;
	v52 =	vadd.s32 v39, v47;
	[tilespmem:$0xDC80] =	vst v46  }
0xe9: {  	v54 =	vadd.s32 v40, v48;
	[tilespmem:$0xDC90] =	vst v52  }
0xea: {  	v55 =	vadd.s32 v41, v53;
	[tilespmem:$0xDCA0] =	vst v54  }
0xeb: {  	s17 =	simm.s32 $0xDC80;
	[tilespmem:$0xDCB0] =	vst v55  }
0xec: {  	[tilespmem:s9], [sflag:$0x8] =	stream.indirect.gather [spmem:s3], $0x80, s17, s22, $0xb8;
	[tilespmem:$0x1DD80] =	vst v63  }
0xed: {  	v56 =	vld [tilespmem:$0x56C0]  }
0xee: {  	v57 =	vld [tilespmem:$0x56D0]  }
0xef: {  	v58 =	vld [tilespmem:$0x56E0]  }
0xf0: {  	v59 =	vld [tilespmem:$0x56F0];
	_ =	sdelay $0x1  }
0xf1: {  	v46 =	vmul.u32 $0xD0, v56  }
0xf2: {  	v47 =	vmul.u32 $0xD0, v57  }
0xf3: {  	v48 =	vmul.u32 $0xD0, v58;
	v46 =	vadd.s32 v42, v46  }
0xf4: {  	v61 =	vmul.u32 $0xD0, v59;
	v60 =	vadd.s32 v43, v47;
	[tilespmem:$0xDD00] =	vst v46  }
0xf5: {  	v62 =	vadd.s32 v44, v48;
	[tilespmem:$0xDD10] =	vst v60  }
0xf6: {  	v63 =	vadd.s32 v45, v61;
	[tilespmem:$0xDD20] =	vst v62  }
0xf7: {  	[tilespmem:$0xDD30] =	vst v63  }
0xf8: {  	[tilespmem:s21], [sflag:$0x9] =	stream.indirect.gather [spmem:s3], $0x80, s28, s22, $0xb8;
	[tilespmem:$0x1DD80] =	vst v63  }
0xf9: {  	s28 =	simm.s32 $0x2  }
0xfa: {  	_ =	swait.ge [sflag:s28], $0x2000  }
0xfb: {  	[sflag:s28] =	ssyncset.done $0x0  }
0xfc: {  	s0 =	simm.s32 $0x0;
	s5 =	rddreg [dreg:$0x9];
	[sflag:s28] =	ssyncadd.s32 $0xFFFFE000  }
0xfd: {  	[hbm4b:s5+s0] =	stream.linear.scatter [tilespmem:s2], [sflag:$0xA], $0x2000, $0x38;
	[tilespmem:$0x1DD80] =	vst v63  }
0xfe: {  	_ =	swait.ge [sflag:s11], $0x2000  }
0xff: {  	[sflag:s11] =	ssyncset.done $0x0  }
0x100: {  	s31 =	rddreg [dreg:$0xa];
	[sflag:s11] =	ssyncadd.s32 $0xFFFFE000  }
0x101: {  	[hbm4b:s31+s0] =	stream.linear.scatter [tilespmem:s1], [sflag:$0xB], $0x2000, $0x38;
	[tilespmem:$0x1DD80] =	vst v63  }
0x102: {  	_ =	swait.ge [sflag:s12], $0x2000  }
0x103: {  	[sflag:s12] =	ssyncset.done $0x0  }
0x104: {  	s1 =	rddreg [dreg:$0xb];
	[sflag:s12] =	ssyncadd.s32 $0xFFFFE000  }
0x105: {  	[hbm4b:s1+s0] =	stream.linear.scatter [tilespmem:s29], [sflag:$0xC], $0x2000, $0x38;
	[tilespmem:$0x1DD80] =	vst v63  }
0x106: {  	_ =	swait.ge [sflag:s13], $0x2000  }
0x107: {  	[sflag:s13] =	ssyncset.done $0x0  }
0x108: {  	s2 =	rddreg [dreg:$0xc];
	[sflag:s13] =	ssyncadd.s32 $0xFFFFE000  }
0x109: {  	[hbm4b:s2+s0] =	stream.linear.scatter [tilespmem:s6], [sflag:$0xD], $0x2000, $0x38;
	[tilespmem:$0x1DD80] =	vst v63  }
0x10a: {  	_ =	swait.ge [sflag:s14], $0x2000  }
0x10b: {  	[sflag:s14] =	ssyncset.done $0x0  }
0x10c: {  	s8 =	rddreg [dreg:$0xd];
	[sflag:s14] =	ssyncadd.s32 $0xFFFFE000  }
0x10d: {  	[hbm4b:s8+s0] =	stream.linear.scatter [tilespmem:s18], [sflag:$0xE], $0x2000, $0x38;
	[tilespmem:$0x1DD80] =	vst v63  }
0x10e: {  	_ =	swait.ge [sflag:s15], $0x2000  }
0x10f: {  	[sflag:s15] =	ssyncset.done $0x0  }
0x110: {  	s1 =	simm.s32 $0xFD80;
	s17 =	rddreg [dreg:$0xe];
	[sflag:s15] =	ssyncadd.s32 $0xFFFFE000  }
0x111: {  	[hbm4b:s17+s0] =	stream.linear.scatter [tilespmem:s7], [sflag:$0xF], $0x2000, $0x38;
	[tilespmem:$0x1DD80] =	vst v63  }
0x112: {  	s29 =	simm.s32 $0x11D80;
	s2 =	simm.s32 $0xDD80;
	_ =	swait.ge [sflag:s24], $0x2000  }
0x113: {  	s6 =	simm.s32 $0xB;
	[sflag:s24] =	ssyncset.done $0x0;
	s31 =	rddreg [dreg:$0xf]  }
0x114: {  	s17 =	simm.s32 $0x58F0;
	s5 =	rddreg [dreg:$0x12];
	[sflag:s24] =	ssyncadd.s32 $0xFFFFE000  }
0x115: {  	[hbm4b:s31+s0] =	stream.linear.scatter [tilespmem:s9], [sflag:$0x10], $0x2000, $0x38;
	[tilespmem:$0x1DD80] =	vst v63  }
.LBB2_6:
0x116: {  	_ =	swait.ge [sflag:s16], $0x2000  }
0x117: {  	s8 =	rddreg [dreg:$0x6]  }
0x118: {  	[sflag:s16] =	ssyncset.done $0x0;
	s8 =	sadd.s32 s0, s8  }
0x119: {  	[sflag:s16] =	ssyncadd.s32 $0xFFFFE000;
	s31 =	sadd.s32 $0x200, s8  }
0x11a: {  	v47 =	vld [tilespmem:s17+$0xFFFFFE10];
	v46 =	vor.u32 s31, v0  }
0x11b: {  	v48 =	vmulhi.u32 $0x51EB851F, v46;
	_ =	sdelay $0x1  }
0x11c: {  	v48 =	vshrl.u32 v48, $0x6  }
0x11d: {  	v48 =	vmul.u32 $0xC8, v48  }
0x11e: {  	v47 =	vmul.u32 $0xD0, v47  }
0x11f: {  	v46 =	vsub.s32 v46, v48  }
0x120: {  	v46 =	vadd.s32 v46, v47  }
0x121: {  	s31 =	sadd.s32 $0x210, s8;
	[tilespmem:$0xD980] =	vst v46  }
0x122: {  	v55 =	vor.u32 s31, v0;
	v56 =	vld [tilespmem:s17+$0xFFFFFE20]  }
0x123: {  	v57 =	vmulhi.u32 $0x51EB851F, v55;
	_ =	sdelay $0x1  }
0x124: {  	v48 =	vshrl.u32 v57, $0x6  }
0x125: {  	v48 =	vmul.u32 $0xC8, v48  }
0x126: {  	v47 =	vmul.u32 $0xD0, v56  }
0x127: {  	v46 =	vsub.s32 v55, v48  }
0x128: {  	v46 =	vadd.s32 v46, v47  }
0x129: {  	s31 =	sadd.s32 $0x220, s8;
	[tilespmem:$0xD990] =	vst v46  }
0x12a: {  	v58 =	vor.u32 s31, v0;
	v59 =	vld [tilespmem:s17+$0xFFFFFE30]  }
0x12b: {  	v60 =	vmulhi.u32 $0x51EB851F, v58;
	_ =	sdelay $0x1  }
0x12c: {  	v48 =	vshrl.u32 v60, $0x6  }
0x12d: {  	v48 =	vmul.u32 $0xC8, v48  }
0x12e: {  	v47 =	vmul.u32 $0xD0, v59  }
0x12f: {  	v46 =	vsub.s32 v58, v48  }
0x130: {  	v46 =	vadd.s32 v46, v47  }
0x131: {  	s31 =	sadd.s32 $0x230, s8;
	[tilespmem:$0xD9A0] =	vst v46  }
0x132: {  	v61 =	vor.u32 s31, v0;
	v62 =	vld [tilespmem:s17+$0xFFFFFE40]  }
0x133: {  	v63 =	vmulhi.u32 $0x51EB851F, v61;
	_ =	sdelay $0x1  }
0x134: {  	v48 =	vshrl.u32 v63, $0x6  }
0x135: {  	v48 =	vmul.u32 $0xC8, v48  }
0x136: {  	v47 =	vmul.u32 $0xD0, v62  }
0x137: {  	v46 =	vsub.s32 v61, v48  }
0x138: {  	v46 =	vadd.s32 v46, v47  }
0x139: {  	s31 =	simm.s32 $0xD980;
	[tilespmem:$0xD9B0] =	vst v46  }
0x13a: {  	[tilespmem:s2], [sflag:$0x2] =	stream.indirect.gather [spmem:s3], $0x80, s31, s22, $0xb8;
	[tilespmem:$0x1DD80] =	vst v63  }
0x13b: {  	_ =	swait.ge [sflag:s30], $0x2000  }
0x13c: {  	[sflag:s30] =	ssyncset.done $0x0  }
0x13d: {  	[sflag:s30] =	ssyncadd.s32 $0xFFFFE000  }
0x13e: {  	[hbm4b:s5+s4] =	stream.linear.scatter [tilespmem:s21], [sflag:$0x11], $0x2000, $0x38;
	[tilespmem:$0x1DD80] =	vst v63  }
0x13f: {  	_ =	swait.ge [sflag:s6], $0x2000  }
0x140: {  	[sflag:s6] =	ssyncset.done $0x0  }
0x141: {  	s31 =	sadd.s32 $0x240, s8;
	[sflag:s6] =	ssyncadd.s32 $0xFFFFE000  }
0x142: {  	v52 =	vor.u32 s31, v0;
	v53 =	vld [tilespmem:s17+$0xFFFFFE50]  }
0x143: {  	v54 =	vmulhi.u32 $0x51EB851F, v52;
	_ =	sdelay $0x1  }
0x144: {  	v48 =	vshrl.u32 v54, $0x6  }
0x145: {  	v48 =	vmul.u32 $0xC8, v48  }
0x146: {  	v47 =	vmul.u32 $0xD0, v53  }
0x147: {  	v46 =	vsub.s32 v52, v48  }
0x148: {  	v46 =	vadd.s32 v46, v47  }
0x149: {  	s31 =	sadd.s32 $0x250, s8;
	[tilespmem:$0xDA00] =	vst v46  }
0x14a: {  	v55 =	vor.u32 s31, v0;
	v56 =	vld [tilespmem:s17+$0xFFFFFE60]  }
0x14b: {  	v57 =	vmulhi.u32 $0x51EB851F, v55;
	_ =	sdelay $0x1  }
0x14c: {  	v48 =	vshrl.u32 v57, $0x6  }
0x14d: {  	v48 =	vmul.u32 $0xC8, v48  }
0x14e: {  	v47 =	vmul.u32 $0xD0, v56  }
0x14f: {  	v46 =	vsub.s32 v55, v48  }
0x150: {  	v46 =	vadd.s32 v46, v47  }
0x151: {  	s31 =	sadd.s32 $0x260, s8;
	[tilespmem:$0xDA10] =	vst v46  }
0x152: {  	v58 =	vor.u32 s31, v0;
	v59 =	vld [tilespmem:s17+$0xFFFFFE70]  }
0x153: {  	v60 =	vmulhi.u32 $0x51EB851F, v58;
	_ =	sdelay $0x1  }
0x154: {  	v48 =	vshrl.u32 v60, $0x6  }
0x155: {  	v48 =	vmul.u32 $0xC8, v48  }
0x156: {  	v47 =	vmul.u32 $0xD0, v59  }
0x157: {  	v46 =	vsub.s32 v58, v48  }
0x158: {  	v46 =	vadd.s32 v46, v47  }
0x159: {  	s31 =	sadd.s32 $0x270, s8;
	[tilespmem:$0xDA20] =	vst v46  }
0x15a: {  	v61 =	vor.u32 s31, v0;
	v62 =	vld [tilespmem:s17+$0xFFFFFE80]  }
0x15b: {  	v63 =	vmulhi.u32 $0x51EB851F, v61;
	_ =	sdelay $0x1  }
0x15c: {  	v48 =	vshrl.u32 v63, $0x6  }
0x15d: {  	v48 =	vmul.u32 $0xC8, v48  }
0x15e: {  	v47 =	vmul.u32 $0xD0, v62  }
0x15f: {  	v46 =	vsub.s32 v61, v48  }
0x160: {  	v46 =	vadd.s32 v46, v47  }
0x161: {  	s31 =	simm.s32 $0xDA00;
	[tilespmem:$0xDA30] =	vst v46  }
0x162: {  	[tilespmem:s1], [sflag:$0x3] =	stream.indirect.gather [spmem:s3], $0x80, s31, s22, $0xb8;
	[tilespmem:$0x1DD80] =	vst v63  }
0x163: {  	_ =	swait.ge [sflag:s28], $0x2000  }
0x164: {  	[sflag:s28] =	ssyncset.done $0x0  }
0x165: {  	s31 =	sadd.s32 $0x400, s5;
	[sflag:s28] =	ssyncadd.s32 $0xFFFFE000  }
0x166: {  	[hbm4b:s31+s4] =	stream.linear.scatter [tilespmem:s2], [sflag:$0xA], $0x2000, $0x38;
	[tilespmem:$0x1DD80] =	vst v63  }
0x167: {  	_ =	swait.ge [sflag:s20], $0x2000  }
0x168: {  	[sflag:s20] =	ssyncset.done $0x0  }
0x169: {  	[sflag:s20] =	ssyncadd.s32 $0xFFFFE000;
	s20 =	sadd.s32 $0x280, s8  }
0x16a: {  	v52 =	vor.u32 s20, v0;
	v53 =	vld [tilespmem:s17+$0xFFFFFE90]  }
0x16b: {  	v54 =	vmulhi.u32 $0x51EB851F, v52;
	_ =	sdelay $0x1  }
0x16c: {  	v48 =	vshrl.u32 v54, $0x6  }
0x16d: {  	v48 =	vmul.u32 $0xC8, v48  }
0x16e: {  	v47 =	vmul.u32 $0xD0, v53  }
0x16f: {  	v46 =	vsub.s32 v52, v48  }
0x170: {  	v46 =	vadd.s32 v46, v47  }
0x171: {  	s20 =	sadd.s32 $0x290, s8;
	[tilespmem:$0xDA80] =	vst v46  }
0x172: {  	v55 =	vor.u32 s20, v0;
	v56 =	vld [tilespmem:s17+$0xFFFFFEA0]  }
0x173: {  	v57 =	vmulhi.u32 $0x51EB851F, v55;
	_ =	sdelay $0x1  }
0x174: {  	v48 =	vshrl.u32 v57, $0x6  }
0x175: {  	v48 =	vmul.u32 $0xC8, v48  }
0x176: {  	v47 =	vmul.u32 $0xD0, v56  }
0x177: {  	v46 =	vsub.s32 v55, v48  }
0x178: {  	v46 =	vadd.s32 v46, v47  }
0x179: {  	s20 =	sadd.s32 $0x2A0, s8;
	[tilespmem:$0xDA90] =	vst v46  }
0x17a: {  	v58 =	vor.u32 s20, v0;
	v59 =	vld [tilespmem:s17+$0xFFFFFEB0]  }
0x17b: {  	v60 =	vmulhi.u32 $0x51EB851F, v58;
	_ =	sdelay $0x1  }
0x17c: {  	v48 =	vshrl.u32 v60, $0x6  }
0x17d: {  	v48 =	vmul.u32 $0xC8, v48  }
0x17e: {  	v47 =	vmul.u32 $0xD0, v59  }
0x17f: {  	v46 =	vsub.s32 v58, v48  }
0x180: {  	v46 =	vadd.s32 v46, v47  }
0x181: {  	s20 =	sadd.s32 $0x2B0, s8;
	[tilespmem:$0xDAA0] =	vst v46  }
0x182: {  	v61 =	vor.u32 s20, v0;
	v62 =	vld [tilespmem:s17+$0xFFFFFEC0]  }
0x183: {  	v63 =	vmulhi.u32 $0x51EB851F, v61;
	_ =	sdelay $0x1  }
0x184: {  	v48 =	vshrl.u32 v63, $0x6  }
0x185: {  	v48 =	vmul.u32 $0xC8, v48  }
0x186: {  	v47 =	vmul.u32 $0xD0, v62  }
0x187: {  	v46 =	vsub.s32 v61, v48  }
0x188: {  	v46 =	vadd.s32 v46, v47  }
0x189: {  	s31 =	simm.s32 $0xDA80;
	[tilespmem:$0xDAB0] =	vst v46  }
0x18a: {  	[tilespmem:s29], [sflag:$0x4] =	stream.indirect.gather [spmem:s3], $0x80, s31, s22, $0xb8;
	[tilespmem:$0x1DD80] =	vst v63  }
0x18b: {  	_ =	swait.ge [sflag:s11], $0x2000  }
0x18c: {  	[sflag:s11] =	ssyncset.done $0x0  }
0x18d: {  	s20 =	sadd.s32 $0x800, s5;
	[sflag:s11] =	ssyncadd.s32 $0xFFFFE000  }
0x18e: {  	[hbm4b:s20+s4] =	stream.linear.scatter [tilespmem:s1], [sflag:$0xB], $0x2000, $0x38;
	[tilespmem:$0x1DD80] =	vst v63  }
0x18f: {  	_ =	swait.ge [sflag:s23], $0x2000  }
0x190: {  	[sflag:s23] =	ssyncset.done $0x0  }
0x191: {  	s20 =	sadd.s32 $0x2C0, s8;
	[sflag:s23] =	ssyncadd.s32 $0xFFFFE000  }
0x192: {  	v52 =	vor.u32 s20, v0;
	v53 =	vld [tilespmem:s17+$0xFFFFFED0]  }
0x193: {  	v54 =	vmulhi.u32 $0x51EB851F, v52;
	_ =	sdelay $0x1  }
0x194: {  	v48 =	vshrl.u32 v54, $0x6  }
0x195: {  	v48 =	vmul.u32 $0xC8, v48  }
0x196: {  	v47 =	vmul.u32 $0xD0, v53  }
0x197: {  	v46 =	vsub.s32 v52, v48  }
0x198: {  	v46 =	vadd.s32 v46, v47  }
0x199: {  	s20 =	sadd.s32 $0x2D0, s8;
	[tilespmem:$0xDB00] =	vst v46  }
0x19a: {  	v55 =	vor.u32 s20, v0;
	v56 =	vld [tilespmem:s17+$0xFFFFFEE0]  }
0x19b: {  	v57 =	vmulhi.u32 $0x51EB851F, v55;
	_ =	sdelay $0x1  }
0x19c: {  	v48 =	vshrl.u32 v57, $0x6  }
0x19d: {  	v48 =	vmul.u32 $0xC8, v48  }
0x19e: {  	v47 =	vmul.u32 $0xD0, v56  }
0x19f: {  	v46 =	vsub.s32 v55, v48  }
0x1a0: {  	v46 =	vadd.s32 v46, v47  }
0x1a1: {  	s20 =	sadd.s32 $0x2E0, s8;
	[tilespmem:$0xDB10] =	vst v46  }
0x1a2: {  	v58 =	vor.u32 s20, v0;
	v59 =	vld [tilespmem:s17+$0xFFFFFEF0]  }
0x1a3: {  	v60 =	vmulhi.u32 $0x51EB851F, v58;
	_ =	sdelay $0x1  }
0x1a4: {  	v48 =	vshrl.u32 v60, $0x6  }
0x1a5: {  	v48 =	vmul.u32 $0xC8, v48  }
0x1a6: {  	v47 =	vmul.u32 $0xD0, v59  }
0x1a7: {  	v46 =	vsub.s32 v58, v48  }
0x1a8: {  	v46 =	vadd.s32 v46, v47  }
0x1a9: {  	s20 =	sadd.s32 $0x2F0, s8;
	[tilespmem:$0xDB20] =	vst v46  }
0x1aa: {  	v61 =	vor.u32 s20, v0;
	v62 =	vld [tilespmem:s17+$0xFFFFFF00]  }
0x1ab: {  	v63 =	vmulhi.u32 $0x51EB851F, v61;
	_ =	sdelay $0x1  }
0x1ac: {  	v48 =	vshrl.u32 v63, $0x6  }
0x1ad: {  	v48 =	vmul.u32 $0xC8, v48  }
0x1ae: {  	v47 =	vmul.u32 $0xD0, v62  }
0x1af: {  	v46 =	vsub.s32 v61, v48  }
0x1b0: {  	v46 =	vadd.s32 v46, v47  }
0x1b1: {  	s31 =	simm.s32 $0xDB00;
	s20 =	simm.s32 $0x13D80;
	[tilespmem:$0xDB30] =	vst v46  }
0x1b2: {  	[tilespmem:s20], [sflag:$0x5] =	stream.indirect.gather [spmem:s3], $0x80, s31, s22, $0xb8;
	[tilespmem:$0x1DD80] =	vst v63  }
0x1b3: {  	_ =	swait.ge [sflag:s12], $0x2000  }
0x1b4: {  	[sflag:s12] =	ssyncset.done $0x0  }
0x1b5: {  	s31 =	sadd.s32 $0xC00, s5;
	[sflag:s12] =	ssyncadd.s32 $0xFFFFE000  }
0x1b6: {  	[hbm4b:s31+s4] =	stream.linear.scatter [tilespmem:s29], [sflag:$0xC], $0x2000, $0x38;
	[tilespmem:$0x1DD80] =	vst v63  }
0x1b7: {  	_ =	swait.ge [sflag:s25], $0x2000  }
0x1b8: {  	[sflag:s25] =	ssyncset.done $0x0  }
0x1b9: {  	s31 =	sadd.s32 $0x300, s8;
	[sflag:s25] =	ssyncadd.s32 $0xFFFFE000  }
0x1ba: {  	v52 =	vor.u32 s31, v0;
	v53 =	vld [tilespmem:s17+$0xFFFFFF10]  }
0x1bb: {  	v54 =	vmulhi.u32 $0x51EB851F, v52;
	_ =	sdelay $0x1  }
0x1bc: {  	v48 =	vshrl.u32 v54, $0x6  }
0x1bd: {  	v48 =	vmul.u32 $0xC8, v48  }
0x1be: {  	v47 =	vmul.u32 $0xD0, v53  }
0x1bf: {  	v46 =	vsub.s32 v52, v48  }
0x1c0: {  	v46 =	vadd.s32 v46, v47  }
0x1c1: {  	s31 =	sadd.s32 $0x310, s8;
	[tilespmem:$0xDB80] =	vst v46  }
0x1c2: {  	v55 =	vor.u32 s31, v0;
	v56 =	vld [tilespmem:s17+$0xFFFFFF20]  }
0x1c3: {  	v57 =	vmulhi.u32 $0x51EB851F, v55;
	_ =	sdelay $0x1  }
0x1c4: {  	v48 =	vshrl.u32 v57, $0x6  }
0x1c5: {  	v48 =	vmul.u32 $0xC8, v48  }
0x1c6: {  	v47 =	vmul.u32 $0xD0, v56  }
0x1c7: {  	v46 =	vsub.s32 v55, v48  }
0x1c8: {  	v46 =	vadd.s32 v46, v47  }
0x1c9: {  	s31 =	sadd.s32 $0x320, s8;
	[tilespmem:$0xDB90] =	vst v46  }
0x1ca: {  	v58 =	vor.u32 s31, v0;
	v59 =	vld [tilespmem:s17+$0xFFFFFF30]  }
0x1cb: {  	v60 =	vmulhi.u32 $0x51EB851F, v58;
	_ =	sdelay $0x1  }
0x1cc: {  	v48 =	vshrl.u32 v60, $0x6  }
0x1cd: {  	v48 =	vmul.u32 $0xC8, v48  }
0x1ce: {  	v47 =	vmul.u32 $0xD0, v59  }
0x1cf: {  	v46 =	vsub.s32 v58, v48  }
0x1d0: {  	v46 =	vadd.s32 v46, v47  }
0x1d1: {  	s31 =	sadd.s32 $0x330, s8;
	[tilespmem:$0xDBA0] =	vst v46  }
0x1d2: {  	v61 =	vor.u32 s31, v0;
	v62 =	vld [tilespmem:s17+$0xFFFFFF40]  }
0x1d3: {  	v63 =	vmulhi.u32 $0x51EB851F, v61;
	_ =	sdelay $0x1  }
0x1d4: {  	v48 =	vshrl.u32 v63, $0x6  }
0x1d5: {  	v48 =	vmul.u32 $0xC8, v48  }
0x1d6: {  	v47 =	vmul.u32 $0xD0, v62  }
0x1d7: {  	v46 =	vsub.s32 v61, v48  }
0x1d8: {  	v46 =	vadd.s32 v46, v47  }
0x1d9: {  	s31 =	simm.s32 $0xDB80;
	[tilespmem:$0xDBB0] =	vst v46  }
0x1da: {  	[tilespmem:s18], [sflag:$0x6] =	stream.indirect.gather [spmem:s3], $0x80, s31, s22, $0xb8;
	[tilespmem:$0x1DD80] =	vst v63  }
0x1db: {  	_ =	swait.ge [sflag:s13], $0x2000  }
0x1dc: {  	[sflag:s13] =	ssyncset.done $0x0  }
0x1dd: {  	s31 =	sadd.s32 $0x1000, s5;
	[sflag:s13] =	ssyncadd.s32 $0xFFFFE000  }
0x1de: {  	[hbm4b:s31+s4] =	stream.linear.scatter [tilespmem:s20], [sflag:$0xD], $0x2000, $0x38;
	[tilespmem:$0x1DD80] =	vst v63  }
0x1df: {  	_ =	swait.ge [sflag:s26], $0x2000  }
0x1e0: {  	[sflag:s26] =	ssyncset.done $0x0  }
0x1e1: {  	s31 =	sadd.s32 $0x340, s8;
	[sflag:s26] =	ssyncadd.s32 $0xFFFFE000  }
0x1e2: {  	v52 =	vor.u32 s31, v0;
	v53 =	vld [tilespmem:s17+$0xFFFFFF50]  }
0x1e3: {  	v54 =	vmulhi.u32 $0x51EB851F, v52;
	_ =	sdelay $0x1  }
0x1e4: {  	v48 =	vshrl.u32 v54, $0x6  }
0x1e5: {  	v48 =	vmul.u32 $0xC8, v48  }
0x1e6: {  	v47 =	vmul.u32 $0xD0, v53  }
0x1e7: {  	v46 =	vsub.s32 v52, v48  }
0x1e8: {  	v46 =	vadd.s32 v46, v47  }
0x1e9: {  	s31 =	sadd.s32 $0x350, s8;
	[tilespmem:$0xDC00] =	vst v46  }
0x1ea: {  	v55 =	vor.u32 s31, v0;
	v56 =	vld [tilespmem:s17+$0xFFFFFF60]  }
0x1eb: {  	v57 =	vmulhi.u32 $0x51EB851F, v55;
	_ =	sdelay $0x1  }
0x1ec: {  	v48 =	vshrl.u32 v57, $0x6  }
0x1ed: {  	v48 =	vmul.u32 $0xC8, v48  }
0x1ee: {  	v47 =	vmul.u32 $0xD0, v56  }
0x1ef: {  	v46 =	vsub.s32 v55, v48  }
0x1f0: {  	v46 =	vadd.s32 v46, v47  }
0x1f1: {  	s31 =	sadd.s32 $0x360, s8;
	[tilespmem:$0xDC10] =	vst v46  }
0x1f2: {  	v58 =	vor.u32 s31, v0;
	v59 =	vld [tilespmem:s17+$0xFFFFFF70]  }
0x1f3: {  	v60 =	vmulhi.u32 $0x51EB851F, v58;
	_ =	sdelay $0x1  }
0x1f4: {  	v48 =	vshrl.u32 v60, $0x6  }
0x1f5: {  	v48 =	vmul.u32 $0xC8, v48  }
0x1f6: {  	v47 =	vmul.u32 $0xD0, v59  }
0x1f7: {  	v46 =	vsub.s32 v58, v48  }
0x1f8: {  	v46 =	vadd.s32 v46, v47  }
0x1f9: {  	s31 =	sadd.s32 $0x370, s8;
	[tilespmem:$0xDC20] =	vst v46  }
0x1fa: {  	v61 =	vor.u32 s31, v0;
	v62 =	vld [tilespmem:s17+$0xFFFFFF80]  }
0x1fb: {  	v63 =	vmulhi.u32 $0x51EB851F, v61;
	_ =	sdelay $0x1  }
0x1fc: {  	v48 =	vshrl.u32 v63, $0x6  }
0x1fd: {  	v48 =	vmul.u32 $0xC8, v48  }
0x1fe: {  	v47 =	vmul.u32 $0xD0, v62  }
0x1ff: {  	v46 =	vsub.s32 v61, v48  }
0x200: {  	v46 =	vadd.s32 v46, v47  }
0x201: {  	s31 =	simm.s32 $0xDC00;
	[tilespmem:$0xDC30] =	vst v46  }
0x202: {  	[tilespmem:s7], [sflag:$0x7] =	stream.indirect.gather [spmem:s3], $0x80, s31, s22, $0xb8;
	[tilespmem:$0x1DD80] =	vst v63  }
0x203: {  	_ =	swait.ge [sflag:s14], $0x2000  }
0x204: {  	[sflag:s14] =	ssyncset.done $0x0  }
0x205: {  	s31 =	sadd.s32 $0x1400, s5;
	[sflag:s14] =	ssyncadd.s32 $0xFFFFE000  }
0x206: {  	[hbm4b:s31+s4] =	stream.linear.scatter [tilespmem:s18], [sflag:$0xE], $0x2000, $0x38;
	[tilespmem:$0x1DD80] =	vst v63  }
0x207: {  	_ =	swait.ge [sflag:s10], $0x2000  }
0x208: {  	[sflag:s10] =	ssyncset.done $0x0  }
0x209: {  	s31 =	sadd.s32 $0x380, s8;
	[sflag:s10] =	ssyncadd.s32 $0xFFFFE000  }
0x20a: {  	v52 =	vor.u32 s31, v0;
	v53 =	vld [tilespmem:s17+$0xFFFFFF90]  }
0x20b: {  	v54 =	vmulhi.u32 $0x51EB851F, v52;
	_ =	sdelay $0x1  }
0x20c: {  	v48 =	vshrl.u32 v54, $0x6  }
0x20d: {  	v48 =	vmul.u32 $0xC8, v48  }
0x20e: {  	v47 =	vmul.u32 $0xD0, v53  }
0x20f: {  	v46 =	vsub.s32 v52, v48  }
0x210: {  	v46 =	vadd.s32 v46, v47  }
0x211: {  	s31 =	sadd.s32 $0x390, s8;
	[tilespmem:$0xDC80] =	vst v46  }
0x212: {  	v55 =	vor.u32 s31, v0;
	v56 =	vld [tilespmem:s17+$0xFFFFFFA0]  }
0x213: {  	v57 =	vmulhi.u32 $0x51EB851F, v55;
	_ =	sdelay $0x1  }
0x214: {  	v48 =	vshrl.u32 v57, $0x6  }
0x215: {  	v48 =	vmul.u32 $0xC8, v48  }
0x216: {  	v47 =	vmul.u32 $0xD0, v56  }
0x217: {  	v46 =	vsub.s32 v55, v48  }
0x218: {  	v46 =	vadd.s32 v46, v47  }
0x219: {  	s31 =	sadd.s32 $0x3A0, s8;
	[tilespmem:$0xDC90] =	vst v46  }
0x21a: {  	v58 =	vor.u32 s31, v0;
	v59 =	vld [tilespmem:s17+$0xFFFFFFB0]  }
0x21b: {  	v60 =	vmulhi.u32 $0x51EB851F, v58;
	_ =	sdelay $0x1  }
0x21c: {  	v48 =	vshrl.u32 v60, $0x6  }
0x21d: {  	v48 =	vmul.u32 $0xC8, v48  }
0x21e: {  	v47 =	vmul.u32 $0xD0, v59  }
0x21f: {  	v46 =	vsub.s32 v58, v48  }
0x220: {  	v46 =	vadd.s32 v46, v47  }
0x221: {  	s31 =	sadd.s32 $0x3B0, s8;
	[tilespmem:$0xDCA0] =	vst v46  }
0x222: {  	v61 =	vor.u32 s31, v0;
	v62 =	vld [tilespmem:s17+$0xFFFFFFC0]  }
0x223: {  	v63 =	vmulhi.u32 $0x51EB851F, v61;
	_ =	sdelay $0x1  }
0x224: {  	v48 =	vshrl.u32 v63, $0x6  }
0x225: {  	v48 =	vmul.u32 $0xC8, v48  }
0x226: {  	v47 =	vmul.u32 $0xD0, v62  }
0x227: {  	v46 =	vsub.s32 v61, v48  }
0x228: {  	v46 =	vadd.s32 v46, v47  }
0x229: {  	s31 =	simm.s32 $0xDC80;
	[tilespmem:$0xDCB0] =	vst v46  }
0x22a: {  	[tilespmem:s9], [sflag:$0x8] =	stream.indirect.gather [spmem:s3], $0x80, s31, s22, $0xb8;
	[tilespmem:$0x1DD80] =	vst v63  }
0x22b: {  	_ =	swait.ge [sflag:s15], $0x2000  }
0x22c: {  	[sflag:s15] =	ssyncset.done $0x0  }
0x22d: {  	s31 =	sadd.s32 $0x1800, s5;
	[sflag:s15] =	ssyncadd.s32 $0xFFFFE000  }
0x22e: {  	[hbm4b:s31+s4] =	stream.linear.scatter [tilespmem:s7], [sflag:$0xF], $0x2000, $0x38;
	[tilespmem:$0x1DD80] =	vst v63  }
0x22f: {  	_ =	swait.ge [sflag:s19], $0x2000  }
0x230: {  	[sflag:s19] =	ssyncset.done $0x0  }
0x231: {  	s31 =	sadd.s32 $0x3C0, s8;
	[sflag:s19] =	ssyncadd.s32 $0xFFFFE000  }
0x232: {  	v52 =	vor.u32 s31, v0;
	v53 =	vld [tilespmem:s17+$0xFFFFFFD0]  }
0x233: {  	v54 =	vmulhi.u32 $0x51EB851F, v52;
	_ =	sdelay $0x1  }
0x234: {  	v48 =	vshrl.u32 v54, $0x6  }
0x235: {  	v48 =	vmul.u32 $0xC8, v48  }
0x236: {  	v47 =	vmul.u32 $0xD0, v53  }
0x237: {  	v46 =	vsub.s32 v52, v48  }
0x238: {  	v46 =	vadd.s32 v46, v47  }
0x239: {  	s31 =	sadd.s32 $0x3D0, s8;
	[tilespmem:$0xDD00] =	vst v46  }
0x23a: {  	v55 =	vor.u32 s31, v0;
	v56 =	vld [tilespmem:s17+$0xFFFFFFE0]  }
0x23b: {  	v57 =	vmulhi.u32 $0x51EB851F, v55;
	_ =	sdelay $0x1  }
0x23c: {  	v48 =	vshrl.u32 v57, $0x6  }
0x23d: {  	v48 =	vmul.u32 $0xC8, v48  }
0x23e: {  	v47 =	vmul.u32 $0xD0, v56  }
0x23f: {  	v46 =	vsub.s32 v55, v48  }
0x240: {  	v46 =	vadd.s32 v46, v47  }
0x241: {  	s31 =	sadd.s32 $0x3E0, s8;
	[tilespmem:$0xDD10] =	vst v46  }
0x242: {  	v58 =	vor.u32 s31, v0;
	v59 =	vld [tilespmem:s17+$0xFFFFFFF0]  }
0x243: {  	v60 =	vmulhi.u32 $0x51EB851F, v58;
	_ =	sdelay $0x1  }
0x244: {  	v48 =	vshrl.u32 v60, $0x6  }
0x245: {  	v48 =	vmul.u32 $0xC8, v48  }
0x246: {  	v47 =	vmul.u32 $0xD0, v59  }
0x247: {  	v46 =	vsub.s32 v58, v48  }
0x248: {  	v46 =	vadd.s32 v46, v47  }
0x249: {  	s8 =	sadd.s32 $0x3F0, s8;
	[tilespmem:$0xDD20] =	vst v46  }
0x24a: {  	v61 =	vor.u32 s8, v0;
	v62 =	vld [tilespmem:s17+$0x0]  }
0x24b: {  	v63 =	vmulhi.u32 $0x51EB851F, v61;
	_ =	sdelay $0x1  }
0x24c: {  	v48 =	vshrl.u32 v63, $0x6  }
0x24d: {  	v48 =	vmul.u32 $0xC8, v48  }
0x24e: {  	v47 =	vmul.u32 $0xD0, v62  }
0x24f: {  	v46 =	vsub.s32 v61, v48  }
0x250: {  	v46 =	vadd.s32 v46, v47  }
0x251: {  	p1 =	sne.s32 s0, $0x6000;
	s31 =	simm.s32 $0xDD00;
	[tilespmem:$0xDD30] =	vst v46  }
0x252: {  	[tilespmem:s21], [sflag:$0x9] =	stream.indirect.gather [spmem:s3], $0x80, s31, s22, $0xb8;
	[tilespmem:$0x1DD80] =	vst v63  }
.Ltmp2:
0x253: {  	_ = 	snop;
	(pc) =	sbr.rel @p1 .LBB2_6-.Ltmp2, $4  }
0x254: {  	s0 =	sadd.s32 $0x200, s0;
	_ =	swait.ge [sflag:s24], $0x2000  }
0x255: {  	s20 =	simm.s32 $0xC;
	s17 =	sadd.s32 $0x200, s17;
	[sflag:s24] =	ssyncset.done $0x0  }
0x256: {  	s31 =	sadd.s32 $0x1C00, s5;
	s5 =	sadd.s32 $0x2000, s5;
	[sflag:s24] =	ssyncadd.s32 $0xFFFFE000  }
0x257: {  	[hbm4b:s31+s4] =	stream.linear.scatter [tilespmem:s9], [sflag:$0x10], $0x2000, $0x38;
	[tilespmem:$0x1DD80] =	vst v63  }
0x258: {  	_ =	swait.ge [sflag:s30], $0x2000  }
0x259: {  	[sflag:s30] =	ssyncset.done $0x0  }
0x25a: {  	s0 =	rddreg [dreg:$0x10];
	[sflag:s30] =	ssyncadd.s32 $0xFFFFE000  }
0x25b: {  	[hbm4b:s0+s4] =	stream.linear.scatter [tilespmem:s21], [sflag:$0x11], $0x2000, $0x38;
	[tilespmem:$0x1DD80] =	vst v63  }
0x25c: {  	_ =	swait.ge [sflag:s16], $0x2000  }
0x25d: {  	[sflag:s16] =	ssyncset.done $0x0  }
0x25e: {  	[sflag:s16] =	ssyncadd.s32 $0xFFFFE000  }
0x25f: {  	_ =	swait.ge [sflag:s6], $0x2000  }
0x260: {  	[sflag:s6] =	ssyncset.done $0x0  }
0x261: {  	[sflag:s6] =	ssyncadd.s32 $0xFFFFE000  }
0x262: {  	_ =	swait.ge [sflag:s20], $0x2000  }
0x263: {  	[sflag:s20] =	ssyncset.done $0x0  }
0x264: {  	[sflag:s20] =	ssyncadd.s32 $0xFFFFE000  }
0x265: {  	_ =	swait.ge [sflag:s23], $0x2000  }
0x266: {  	[sflag:s23] =	ssyncset.done $0x0  }
0x267: {  	[sflag:s23] =	ssyncadd.s32 $0xFFFFE000  }
0x268: {  	_ =	swait.ge [sflag:s25], $0x2000  }
0x269: {  	[sflag:s25] =	ssyncset.done $0x0  }
0x26a: {  	[sflag:s25] =	ssyncadd.s32 $0xFFFFE000  }
0x26b: {  	_ =	swait.ge [sflag:s26], $0x2000  }
0x26c: {  	[sflag:s26] =	ssyncset.done $0x0  }
0x26d: {  	[sflag:s26] =	ssyncadd.s32 $0xFFFFE000  }
0x26e: {  	_ =	swait.ge [sflag:s10], $0x2000  }
0x26f: {  	[sflag:s10] =	ssyncset.done $0x0  }
0x270: {  	[sflag:s10] =	ssyncadd.s32 $0xFFFFE000  }
0x271: {  	_ =	swait.ge [sflag:s19], $0x2000  }
0x272: {  	s5 =	rddreg [dreg:$0x14]  }
0x273: {  	s17 =	rddreg [dreg:$0x11];
	s5 =	sadd.s32 $0x1, s5  }
0x274: {  	p1 =	sne.s32 s5, s17  }
.Ltmp3:
0x275: {  	_ = 	snop;
	(pc) =	sbr.rel @p1 .LBB2_1-.Ltmp3, $4  }
0x276: {  	s7 =	simm.s32 $0xDA00;
	s8 =	simm.s32 $0xDA80  }
0x277: {  	s2 =	simm.s32 $0xDD80;
	s1 =	simm.s32 $0xFD80;
	s29 =	simm.s32 $0x11D80  }
0x278: {  	s31 =	simm.s32 $0xDB00;
	s28 =	simm.s32 $0xDD00;
	[sflag:s19] =	ssyncset.done $0x0  }
0x279: {  	s6 =	simm.s32 $0x10;
	[sflag:s19] =	ssyncadd.s32 $0xFFFFE000;
	s17 =	simm.s32 $0xD980  }
0x27a: {  	_ =	sfence.sel $0x180000  }
0x27b: {  	[bflag:$0x0] =	sbarrier.arrive $0xFFFF  }
0x27c: {  	_ =	strace $0x90000047  }
0x27d: {  	s0 =	stileid.u32;
	[bflag:$0x2] =	sbarrier.arrive $0xFFFF  }
0x27e: {  	p0 =	sne.s32 s0, $0x0;
	s0 =	rddreg [dreg:$0x5]  }
0x27f: {  	s0 =	sadd.s32 @!p0 $0x100000, s0  }
0x280: {  	[sflag:s0] =	ssyncadd.tile.s32 @!p0 $0x1;
	_ =	shalt  }
.Lfunc_end2:
_tile_overlayer_lowered:
.L_overlay_start_2:
0x281: {  	(tag) =	ssettag $0x2  }
0x282: {  	s0 =	rddreg [dreg:$0x0];
	s2 =	stileid.u32  }
0x283: {  	s1 =	rddreg [dreg:$0x1];
	p0 =	sne.s32 s2, $0x0  }
0x284: {  	s3 =	rddreg [dreg:$0x2];
	[bflag:$0x3] =	sbarrier.arrive $0xFFFF;
	s2 =	simm.s32 @!p0 $0x1C12  }
0x285: {  	[timem:s3], [sflag:s2] =	dma.local @!p0 [hbm:s0], s1  }
0x286: {  	s0 =	simm.s32 @!p0 $0x12  }
0x287: {  	_ =	swait.ge @!p0 [sflag:s0], s1  }
0x288: {  	s1 =	ssub.s32 @!p0 $0x0, s1;
	[sflag:s0] =	ssyncset.done @!p0 $0x0  }
0x289: {  	[sflag:s0] =	ssyncadd.s32 @!p0 s1  }
0x28a: {  	[bflag:$0x3] =	sbarrier.arrive $0xFFFF  }
0x28b: {  	_ =	shalt  }

</sc_bundles>
